<compile_context>
chip_gen: v7x
topology: tpu7x:2x2x1
jax: 0.10.2.dev20260603
libtpu: 0.0.44.dev20260713+nightly
codegen_flags: <defaults>
</compile_context>

<pallas_src>
import functools

import jax
import jax.numpy as jnp
from jax import lax
from jax.experimental import pallas as pl
from jax.experimental.pallas import tpu as pltpu
from jax.experimental.pallas import tpu_sc as plsc

_SEQ = 8192
_DIM = 1024
_LANES = 16
_NC = 2
_NS = 16
_NW = _NC * _NS
_ROWS_PER_W = _SEQ // _NW
_CHUNK = 16
_N_CHUNKS = _ROWS_PER_W // _CHUNK
_NBUF = 7
_DEPTH = 4
_VECS_PER_CHUNK = _CHUNK * _DIM // _LANES
_SCALE = _DIM ** -0.5


def _sc_embed(emb, idx):
    mesh = plsc.VectorSubcoreMesh(
        core_axis_name="c", subcore_axis_name="s",
        num_cores=_NC, num_subcores=_NS)

    @functools.partial(
        pl.kernel,
        out_type=jax.ShapeDtypeStruct((_SEQ, _DIM), jnp.float32),
        mesh=mesh,
        scratch_types=[
            pltpu.VMEM((_ROWS_PER_W,), jnp.int32),
            [pltpu.VMEM((_CHUNK, _DIM), jnp.float32)] * _NBUF,
            [pltpu.SemaphoreType.DMA] * _NBUF,
            [pltpu.SemaphoreType.DMA] * _NBUF,
            [pltpu.SemaphoreType.DMA] * 2,
        ],
    )
    def body(emb_hbm, idx_hbm, out_hbm, idx_v, bufs, gsems, ssems, isems):
        wid = lax.axis_index("s") * _NC + lax.axis_index("c")
        base = wid * _ROWS_PER_W
        head = _CHUNK * _DEPTH
        idx_head = pltpu.async_copy(
            idx_hbm.at[pl.ds(base, head)], idx_v.at[pl.ds(0, head)], isems[0])
        idx_tail = pltpu.async_copy(
            idx_hbm.at[pl.ds(base + head, _ROWS_PER_W - head)],
            idx_v.at[pl.ds(head, _ROWS_PER_W - head)], isems[1])

        def gather(ci):
            b = ci % _NBUF
            return pltpu.async_copy(
                emb_hbm.at[idx_v.at[pl.ds(ci * _CHUNK, _CHUNK)]],
                bufs[b], gsems[b])

        def scatter(ci):
            b = ci % _NBUF
            return pltpu.async_copy(
                bufs[b], out_hbm.at[pl.ds(base + ci * _CHUNK, _CHUNK)],
                ssems[b])

        gd = {}
        sd = {}
        idx_head.wait()
        for ci in range(_DEPTH):
            gd[ci] = gather(ci)
        idx_tail.wait()
        for ci in range(_N_CHUNKS):
            nxt = ci + _DEPTH
            if nxt < _N_CHUNKS:
                prev = nxt - _NBUF
                if prev >= 0:
                    sd[prev].wait()
                gd[nxt] = gather(nxt)
            gd[ci].wait()
            buf = bufs[ci % _NBUF]

            @plsc.parallel_loop(0, _VECS_PER_CHUNK, unroll=16)
            def _scale_vec(k):
                r = k // (_DIM // _LANES)
                j = k % (_DIM // _LANES)
                sl = pl.ds(j * _LANES, _LANES)
                buf[r, sl] = buf[r, sl] * _SCALE

            sd[ci] = scatter(ci)
        for ci in range(_N_CHUNKS - _NBUF, _N_CHUNKS):
            sd[ci].wait()

    return body(emb, idx)


def kernel(x, pos, emb):
    del x
    return _sc_embed(emb, pos.astype(jnp.int32))

# --- scband reference (transcript-rebuilt; emitter-appended) ---
"""Pipeline reference for scband-absolute-positional-embedding-31181462569449 (READ-ONLY COPY).

The authoritative reference and input builder live on the scoring server;
editing this copy changes nothing except your own understanding.
"""

import jax, jax.numpy as jnp
import numpy as np


def setup_inputs(seed: int = 0) -> dict:
    key = jax.random.key(seed)
    k1, k2 = jax.random.split(key)
    x = jax.random.normal(k1, (2, 8192, 1024), dtype=jnp.float32)
    pos = jnp.arange(8192, dtype=jnp.int64)
    emb = jax.random.normal(k2, (8192, 1024), dtype=jnp.float32)
    return {"x": x, "pos": pos, "emb": emb}


def reference(x, pos, emb):
    dim = emb.shape[1]
    scale = dim ** (-0.5)
    seq_len = x.shape[1]
    # pos provided explicitly (equivalent to arange(seq_len) when None)
    pos_emb = jnp.take(emb, pos, axis=0)
    pos_emb = pos_emb * scale
    return pos_emb

if __name__ == "__main__":
    import jax
    _d = setup_inputs()
    print(jax.jit(kernel)(*tuple(_d.values())))

</pallas_src>

<mosaic_0001>
#map = affine_map<(d0, d1) -> (0, 0)>
#map1 = affine_map<(d0, d1) -> (0)>
module attributes {stable_mosaic.version = 14 : i64} {
  func.func @body(%arg0: i32, %arg1: i32, %arg2: memref<8192x1024xf32, #tpu.memory_space<hbm>>, %arg3: memref<8192xi32, #tpu.memory_space<hbm>>, %arg4: memref<8192x1024xf32, #tpu.memory_space<hbm>>, %arg5: memref<256xi32, #tpu.memory_space<vmem>>, %arg6: memref<16x1024xf32, #tpu.memory_space<vmem>>, %arg7: memref<16x1024xf32, #tpu.memory_space<vmem>>, %arg8: memref<16x1024xf32, #tpu.memory_space<vmem>>, %arg9: memref<16x1024xf32, #tpu.memory_space<vmem>>, %arg10: memref<16x1024xf32, #tpu.memory_space<vmem>>, %arg11: memref<16x1024xf32, #tpu.memory_space<vmem>>, %arg12: memref<16x1024xf32, #tpu.memory_space<vmem>>, %arg13: memref<!tpu.dma_semaphore, #tpu.memory_space<semaphore_mem>>, %arg14: memref<!tpu.dma_semaphore, #tpu.memory_space<semaphore_mem>>, %arg15: memref<!tpu.dma_semaphore, #tpu.memory_space<semaphore_mem>>, %arg16: memref<!tpu.dma_semaphore, #tpu.memory_space<semaphore_mem>>, %arg17: memref<!tpu.dma_semaphore, #tpu.memory_space<semaphore_mem>>, %arg18: memref<!tpu.dma_semaphore, #tpu.memory_space<semaphore_mem>>, %arg19: memref<!tpu.dma_semaphore, #tpu.memory_space<semaphore_mem>>, %arg20: memref<!tpu.dma_semaphore, #tpu.memory_space<semaphore_mem>>, %arg21: memref<!tpu.dma_semaphore, #tpu.memory_space<semaphore_mem>>, %arg22: memref<!tpu.dma_semaphore, #tpu.memory_space<semaphore_mem>>, %arg23: memref<!tpu.dma_semaphore, #tpu.memory_space<semaphore_mem>>, %arg24: memref<!tpu.dma_semaphore, #tpu.memory_space<semaphore_mem>>, %arg25: memref<!tpu.dma_semaphore, #tpu.memory_space<semaphore_mem>>, %arg26: memref<!tpu.dma_semaphore, #tpu.memory_space<semaphore_mem>>, %arg27: memref<!tpu.dma_semaphore, #tpu.memory_space<semaphore_mem>>, %arg28: memref<!tpu.dma_semaphore, #tpu.memory_space<semaphore_mem>>) attributes {dimension_semantics = [#tpu.dimension_semantics<core_parallel>, #tpu.dimension_semantics<subcore_parallel>], iteration_bounds = array<i64: 2, 16>, scalar_prefetch = 0 : i64, scratch_operands = 24 : i64, tpu.core_type = #tpu.core_type<sc_vector_subcore>, window_params = [{transform_indices = #map}, {transform_indices = #map1}, {transform_indices = #map}]} {
    %mul3A = arith.constant 2 : i32
    %mul3A_0 = arith.muli %arg1, %mul3A : i32
    %add3A = arith.addi %mul3A_0, %arg0 : i32
    %mul3A_1 = arith.constant 256 : i32
    %mul3A_2 = arith.muli %add3A, %mul3A_1 : i32
    %dma_start3A = arith.constant 0 : i32
    %dma_start3A_3 = tpu.memref_slice %arg5[%dma_start3A] : memref<256xi32, #tpu.memory_space<vmem>> -> memref<64xi32, #tpu.memory_space<vmem>>
    %dma_start3A_4 = tpu.memref_slice %arg3[%mul3A_2] : memref<8192xi32, #tpu.memory_space<hbm>> -> memref<64xi32, #tpu.memory_space<hbm>>
    %dma_start3A_5 = arith.constant 0 : i32
    %dma_start3A_6 = tpu.memref_slice %arg5[%dma_start3A_5] : memref<256xi32, #tpu.memory_space<vmem>> -> memref<64xi32, #tpu.memory_space<vmem>>
    %dma_start3A_7 = tpu.memref_slice %arg3[%mul3A_2] : memref<8192xi32, #tpu.memory_space<hbm>> -> memref<64xi32, #tpu.memory_space<hbm>>
    tpu.enqueue_dma source(%dma_start3A_7 : memref<64xi32, #tpu.memory_space<hbm>>) target(%dma_start3A_6 : memref<64xi32, #tpu.memory_space<vmem>>) target_semaphore(%arg27 : memref<!tpu.dma_semaphore, #tpu.memory_space<semaphore_mem>>)
    %add3A_8 = arith.constant 64 : i32
    %add3A_9 = arith.addi %mul3A_2, %add3A_8 : i32
    %dma_start3A_10 = arith.constant 64 : i32
    %dma_start3A_11 = tpu.memref_slice %arg5[%dma_start3A_10] : memref<256xi32, #tpu.memory_space<vmem>> -> memref<192xi32, #tpu.memory_space<vmem>>
    %dma_start3A_12 = tpu.memref_slice %arg3[%add3A_9] : memref<8192xi32, #tpu.memory_space<hbm>> -> memref<192xi32, #tpu.memory_space<hbm>>
    %dma_start3A_13 = arith.constant 64 : i32
    %dma_start3A_14 = tpu.memref_slice %arg5[%dma_start3A_13] : memref<256xi32, #tpu.memory_space<vmem>> -> memref<192xi32, #tpu.memory_space<vmem>>
    %dma_start3A_15 = tpu.memref_slice %arg3[%add3A_9] : memref<8192xi32, #tpu.memory_space<hbm>> -> memref<192xi32, #tpu.memory_space<hbm>>
    tpu.enqueue_dma source(%dma_start3A_15 : memref<192xi32, #tpu.memory_space<hbm>>) target(%dma_start3A_14 : memref<192xi32, #tpu.memory_space<vmem>>) target_semaphore(%arg28 : memref<!tpu.dma_semaphore, #tpu.memory_space<semaphore_mem>>)
    %dma_wait3A = arith.constant 0 : i32
    %dma_wait3A_16 = tpu.memref_slice %arg5[%dma_wait3A] : memref<256xi32, #tpu.memory_space<vmem>> -> memref<64xi32, #tpu.memory_space<vmem>>
    %dma_wait3A_17 = tpu.memref_slice %arg3[%mul3A_2] : memref<8192xi32, #tpu.memory_space<hbm>> -> memref<64xi32, #tpu.memory_space<hbm>>
    %dma_wait3A_18 = arith.constant 0 : i32
    %dma_wait3A_19 = tpu.memref_slice %arg5[%dma_wait3A_18] : memref<256xi32, #tpu.memory_space<vmem>> -> memref<64xi32, #tpu.memory_space<vmem>>
    %dma_wait3A_20 = tpu.memref_slice %arg3[%mul3A_2] : memref<8192xi32, #tpu.memory_space<hbm>> -> memref<64xi32, #tpu.memory_space<hbm>>
    tpu.wait_dma2 semaphore(%arg27 : memref<!tpu.dma_semaphore, #tpu.memory_space<semaphore_mem>>) src(%dma_wait3A_20 : memref<64xi32, #tpu.memory_space<hbm>>) dst(%dma_wait3A_19 : memref<64xi32, #tpu.memory_space<vmem>>)
    %dma_start3A_21 = arith.constant 0 : i32
    %dma_start3A_22 = tpu.memref_slice %arg5[%dma_start3A_21] : memref<256xi32, #tpu.memory_space<vmem>> -> memref<16xi32, #tpu.memory_space<vmem>>
    %dma_start3A_23 = arith.constant 0 : i32
    %dma_start3A_24 = arith.constant 0 : i32
    %dma_start3A_25 = tpu.memref_slice %arg2[%dma_start3A_23, %dma_start3A_24] : memref<8192x1024xf32, #tpu.memory_space<hbm>> -> memref<8192x1024xf32, #tpu.memory_space<hbm>>
    tpu.enqueue_indirect_dma source(%dma_start3A_25 : memref<8192x1024xf32, #tpu.memory_space<hbm>>) target(%arg6 : memref<16x1024xf32, #tpu.memory_space<vmem>>) offsets(%dma_start3A_22 : memref<16xi32, #tpu.memory_space<vmem>>) semaphore(%arg13 : memref<!tpu.dma_semaphore, #tpu.memory_space<semaphore_mem>>)
    %dma_start3A_26 = arith.constant 16 : i32
    %dma_start3A_27 = tpu.memref_slice %arg5[%dma_start3A_26] : memref<256xi32, #tpu.memory_space<vmem>> -> memref<16xi32, #tpu.memory_space<vmem>>
    %dma_start3A_28 = arith.constant 0 : i32
    %dma_start3A_29 = arith.constant 0 : i32
    %dma_start3A_30 = tpu.memref_slice %arg2[%dma_start3A_28, %dma_start3A_29] : memref<8192x1024xf32, #tpu.memory_space<hbm>> -> memref<8192x1024xf32, #tpu.memory_space<hbm>>
    tpu.enqueue_indirect_dma source(%dma_start3A_30 : memref<8192x1024xf32, #tpu.memory_space<hbm>>) target(%arg7 : memref<16x1024xf32, #tpu.memory_space<vmem>>) offsets(%dma_start3A_27 : memref<16xi32, #tpu.memory_space<vmem>>) semaphore(%arg14 : memref<!tpu.dma_semaphore, #tpu.memory_space<semaphore_mem>>)
    %dma_start3A_31 = arith.constant 32 : i32
    %dma_start3A_32 = tpu.memref_slice %arg5[%dma_start3A_31] : memref<256xi32, #tpu.memory_space<vmem>> -> memref<16xi32, #tpu.memory_space<vmem>>
    %dma_start3A_33 = arith.constant 0 : i32
    %dma_start3A_34 = arith.constant 0 : i32
    %dma_start3A_35 = tpu.memref_slice %arg2[%dma_start3A_33, %dma_start3A_34] : memref<8192x1024xf32, #tpu.memory_space<hbm>> -> memref<8192x1024xf32, #tpu.memory_space<hbm>>
    tpu.enqueue_indirect_dma source(%dma_start3A_35 : memref<8192x1024xf32, #tpu.memory_space<hbm>>) target(%arg8 : memref<16x1024xf32, #tpu.memory_space<vmem>>) offsets(%dma_start3A_32 : memref<16xi32, #tpu.memory_space<vmem>>) semaphore(%arg15 : memref<!tpu.dma_semaphore, #tpu.memory_space<semaphore_mem>>)
    %dma_start3A_36 = arith.constant 48 : i32
    %dma_start3A_37 = tpu.memref_slice %arg5[%dma_start3A_36] : memref<256xi32, #tpu.memory_space<vmem>> -> memref<16xi32, #tpu.memory_space<vmem>>
    %dma_start3A_38 = arith.constant 0 : i32
    %dma_start3A_39 = arith.constant 0 : i32
    %dma_start3A_40 = tpu.memref_slice %arg2[%dma_start3A_38, %dma_start3A_39] : memref<8192x1024xf32, #tpu.memory_space<hbm>> -> memref<8192x1024xf32, #tpu.memory_space<hbm>>
    tpu.enqueue_indirect_dma source(%dma_start3A_40 : memref<8192x1024xf32, #tpu.memory_space<hbm>>) target(%arg9 : memref<16x1024xf32, #tpu.memory_space<vmem>>) offsets(%dma_start3A_37 : memref<16xi32, #tpu.memory_space<vmem>>) semaphore(%arg16 : memref<!tpu.dma_semaphore, #tpu.memory_space<semaphore_mem>>)
    %dma_wait3A_41 = arith.constant 64 : i32
    %dma_wait3A_42 = tpu.memref_slice %arg5[%dma_wait3A_41] : memref<256xi32, #tpu.memory_space<vmem>> -> memref<192xi32, #tpu.memory_space<vmem>>
    %dma_wait3A_43 = tpu.memref_slice %arg3[%add3A_9] : memref<8192xi32, #tpu.memory_space<hbm>> -> memref<192xi32, #tpu.memory_space<hbm>>
    %dma_wait3A_44 = arith.constant 64 : i32
    %dma_wait3A_45 = tpu.memref_slice %arg5[%dma_wait3A_44] : memref<256xi32, #tpu.memory_space<vmem>> -> memref<192xi32, #tpu.memory_space<vmem>>
    %dma_wait3A_46 = tpu.memref_slice %arg3[%add3A_9] : memref<8192xi32, #tpu.memory_space<hbm>> -> memref<192xi32, #tpu.memory_space<hbm>>
    tpu.wait_dma2 semaphore(%arg28 : memref<!tpu.dma_semaphore, #tpu.memory_space<semaphore_mem>>) src(%dma_wait3A_46 : memref<192xi32, #tpu.memory_space<hbm>>) dst(%dma_wait3A_45 : memref<192xi32, #tpu.memory_space<vmem>>)
    %dma_start3A_47 = arith.constant 64 : i32
    %dma_start3A_48 = tpu.memref_slice %arg5[%dma_start3A_47] : memref<256xi32, #tpu.memory_space<vmem>> -> memref<16xi32, #tpu.memory_space<vmem>>
    %dma_start3A_49 = arith.constant 0 : i32
    %dma_start3A_50 = arith.constant 0 : i32
    %dma_start3A_51 = tpu.memref_slice %arg2[%dma_start3A_49, %dma_start3A_50] : memref<8192x1024xf32, #tpu.memory_space<hbm>> -> memref<8192x1024xf32, #tpu.memory_space<hbm>>
    tpu.enqueue_indirect_dma source(%dma_start3A_51 : memref<8192x1024xf32, #tpu.memory_space<hbm>>) target(%arg10 : memref<16x1024xf32, #tpu.memory_space<vmem>>) offsets(%dma_start3A_48 : memref<16xi32, #tpu.memory_space<vmem>>) semaphore(%arg17 : memref<!tpu.dma_semaphore, #tpu.memory_space<semaphore_mem>>)
    %dma_wait3A_52 = arith.constant 0 : i32
    %dma_wait3A_53 = tpu.memref_slice %arg5[%dma_wait3A_52] : memref<256xi32, #tpu.memory_space<vmem>> -> memref<16xi32, #tpu.memory_space<vmem>>
    %dma_wait3A_54 = arith.constant 0 : i32
    %dma_wait3A_55 = arith.constant 0 : i32
    %dma_wait3A_56 = tpu.memref_slice %arg2[%dma_wait3A_54, %dma_wait3A_55] : memref<8192x1024xf32, #tpu.memory_space<hbm>> -> memref<8192x1024xf32, #tpu.memory_space<hbm>>
    tpu.wait_indirect_dma semaphore(%arg13 : memref<!tpu.dma_semaphore, #tpu.memory_space<semaphore_mem>>) src(%dma_wait3A_56 : memref<8192x1024xf32, #tpu.memory_space<hbm>>) dst(%arg6 : memref<16x1024xf32, #tpu.memory_space<vmem>>)
    %parallel_loop3A = arith.constant 0 : i32
    %parallel_loop3A_57 = arith.constant 1024 : i32
    %parallel_loop3A_58 = arith.constant 1 : i32
    scf.for %parallel_loop3A_394 = %parallel_loop3A to %parallel_loop3A_57 step %parallel_loop3A_58  : i32 {
      %parallel_loop3A_395 = arith.constant 64 : i32
      %parallel_loop3A_396 = arith.divsi %parallel_loop3A_394, %parallel_loop3A_395 : i32
      %parallel_loop3A_397 = arith.constant 0 : i32
      %parallel_loop3A_398 = arith.cmpi sgt, %parallel_loop3A_394, %parallel_loop3A_397 : i32
      %parallel_loop3A_399 = arith.extui %parallel_loop3A_398 : i1 to i32
      %parallel_loop3A_400 = arith.constant 0 : i32
      %parallel_loop3A_401 = arith.cmpi slt, %parallel_loop3A_394, %parallel_loop3A_400 : i32
      %parallel_loop3A_402 = arith.extui %parallel_loop3A_401 : i1 to i32
      %parallel_loop3A_403 = arith.subi %parallel_loop3A_399, %parallel_loop3A_402 : i32
      %parallel_loop3A_404 = arith.constant 0 : i32
      %parallel_loop3A_405 = arith.cmpi sgt, %parallel_loop3A_395, %parallel_loop3A_404 : i32
      %parallel_loop3A_406 = arith.extui %parallel_loop3A_405 : i1 to i32
      %parallel_loop3A_407 = arith.constant 0 : i32
      %parallel_loop3A_408 = arith.cmpi slt, %parallel_loop3A_395, %parallel_loop3A_407 : i32
      %parallel_loop3A_409 = arith.extui %parallel_loop3A_408 : i1 to i32
      %parallel_loop3A_410 = arith.subi %parallel_loop3A_406, %parallel_loop3A_409 : i32
      %parallel_loop3A_411 = arith.cmpi ne, %parallel_loop3A_403, %parallel_loop3A_410 : i32
      %parallel_loop3A_412 = arith.remsi %parallel_loop3A_394, %parallel_loop3A_395 : i32
      %parallel_loop3A_413 = arith.constant 0 : i32
      %parallel_loop3A_414 = arith.cmpi ne, %parallel_loop3A_412, %parallel_loop3A_413 : i32
      %parallel_loop3A_415 = arith.andi %parallel_loop3A_411, %parallel_loop3A_414 : i1
      %parallel_loop3A_416 = arith.constant 1 : i32
      %parallel_loop3A_417 = arith.subi %parallel_loop3A_396, %parallel_loop3A_416 : i32
      %parallel_loop3A_418 = arith.select %parallel_loop3A_415, %parallel_loop3A_417, %parallel_loop3A_396 : i32
      %parallel_loop3A_419 = arith.constant 64 : i32
      %parallel_loop3A_420 = arith.constant 0 : i32
      %parallel_loop3A_421 = arith.cmpi eq, %parallel_loop3A_419, %parallel_loop3A_420 : i32
      %parallel_loop3A_422 = arith.constant 1 : i32
      %parallel_loop3A_423 = arith.select %parallel_loop3A_421, %parallel_loop3A_422, %parallel_loop3A_419 : i32
      %parallel_loop3A_424 = arith.remsi %parallel_loop3A_394, %parallel_loop3A_423 : i32
      %parallel_loop3A_425 = arith.constant 0 : i32
      %parallel_loop3A_426 = arith.cmpi ne, %parallel_loop3A_424, %parallel_loop3A_425 : i32
      %parallel_loop3A_427 = arith.constant 0 : i32
      %parallel_loop3A_428 = arith.cmpi slt, %parallel_loop3A_424, %parallel_loop3A_427 : i32
      %parallel_loop3A_429 = arith.constant 0 : i32
      %parallel_loop3A_430 = arith.cmpi slt, %parallel_loop3A_423, %parallel_loop3A_429 : i32
      %parallel_loop3A_431 = arith.xori %parallel_loop3A_428, %parallel_loop3A_430 : i1
      %parallel_loop3A_432 = arith.andi %parallel_loop3A_431, %parallel_loop3A_426 : i1
      %parallel_loop3A_433 = arith.addi %parallel_loop3A_424, %parallel_loop3A_423 : i32
      %parallel_loop3A_434 = arith.select %parallel_loop3A_432, %parallel_loop3A_433, %parallel_loop3A_424 : i32
      %parallel_loop3A_435 = arith.constant 16 : i32
      %parallel_loop3A_436 = arith.muli %parallel_loop3A_434, %parallel_loop3A_435 : i32
      %parallel_loop3A_437 = arith.index_cast %parallel_loop3A_418 : i32 to index
      %parallel_loop3A_438 = arith.index_cast %parallel_loop3A_436 : i32 to index
      %parallel_loop3A_439 = tpu.vector_load %arg6[%parallel_loop3A_437, %parallel_loop3A_438] {strides = array<i32>} : memref<16x1024xf32, #tpu.memory_space<vmem>>, vector<1x16xf32>,
      %parallel_loop3A_440 = vector.shape_cast %parallel_loop3A_439 : vector<1x16xf32> to vector<16xf32>
      %parallel_loop3A_441 = arith.constant 3.125000e-02 : f32
      %parallel_loop3A_442 = vector.broadcast %parallel_loop3A_441 : f32 to vector<16xf32>
      %parallel_loop3A_443 = arith.mulf %parallel_loop3A_440, %parallel_loop3A_442 : vector<16xf32>
      %parallel_loop3A_444 = arith.index_cast %parallel_loop3A_418 : i32 to index
      %parallel_loop3A_445 = arith.index_cast %parallel_loop3A_436 : i32 to index
      %parallel_loop3A_446 = tpu.vector_load %arg6[%parallel_loop3A_444, %parallel_loop3A_445] {strides = array<i32>} : memref<16x1024xf32, #tpu.memory_space<vmem>>, vector<1x16xf32>,
      %parallel_loop3A_447 = vector.shape_cast %parallel_loop3A_446 : vector<1x16xf32> to vector<16xf32>
      %parallel_loop3A_448 = vector.shape_cast %parallel_loop3A_443 : vector<16xf32> to vector<1x16xf32>
      tpu.vector_store %arg6[%parallel_loop3A_444, %parallel_loop3A_445], %parallel_loop3A_448 {strides = array<i32>} : memref<16x1024xf32, #tpu.memory_space<vmem>>, vector<1x16xf32>,
    } {sc.loop_unroll_factor = 16 : i64, sc.parallel_access}
    %add3A_59 = arith.constant 0 : i32
    %add3A_60 = arith.addi %mul3A_2, %add3A_59 : i32
    %dma_start3A_61 = arith.constant 0 : i32
    %dma_start3A_62 = tpu.memref_slice %arg4[%add3A_60, %dma_start3A_61] : memref<8192x1024xf32, #tpu.memory_space<hbm>> -> memref<16x1024xf32, #tpu.memory_space<hbm>>
    %dma_start3A_63 = arith.constant 0 : i32
    %dma_start3A_64 = tpu.memref_slice %arg4[%add3A_60, %dma_start3A_63] : memref<8192x1024xf32, #tpu.memory_space<hbm>> -> memref<16x1024xf32, #tpu.memory_space<hbm>>
    tpu.enqueue_dma source(%arg6 : memref<16x1024xf32, #tpu.memory_space<vmem>>) target(%dma_start3A_64 : memref<16x1024xf32, #tpu.memory_space<hbm>>) target_semaphore(%arg20 : memref<!tpu.dma_semaphore, #tpu.memory_space<semaphore_mem>>)
    %dma_start3A_65 = arith.constant 80 : i32
    %dma_start3A_66 = tpu.memref_slice %arg5[%dma_start3A_65] : memref<256xi32, #tpu.memory_space<vmem>> -> memref<16xi32, #tpu.memory_space<vmem>>
    %dma_start3A_67 = arith.constant 0 : i32
    %dma_start3A_68 = arith.constant 0 : i32
    %dma_start3A_69 = tpu.memref_slice %arg2[%dma_start3A_67, %dma_start3A_68] : memref<8192x1024xf32, #tpu.memory_space<hbm>> -> memref<8192x1024xf32, #tpu.memory_space<hbm>>
    tpu.enqueue_indirect_dma source(%dma_start3A_69 : memref<8192x1024xf32, #tpu.memory_space<hbm>>) target(%arg11 : memref<16x1024xf32, #tpu.memory_space<vmem>>) offsets(%dma_start3A_66 : memref<16xi32, #tpu.memory_space<vmem>>) semaphore(%arg18 : memref<!tpu.dma_semaphore, #tpu.memory_space<semaphore_mem>>)
    %dma_wait3A_70 = arith.constant 16 : i32
    %dma_wait3A_71 = tpu.memref_slice %arg5[%dma_wait3A_70] : memref<256xi32, #tpu.memory_space<vmem>> -> memref<16xi32, #tpu.memory_space<vmem>>
    %dma_wait3A_72 = arith.constant 0 : i32
    %dma_wait3A_73 = arith.constant 0 : i32
    %dma_wait3A_74 = tpu.memref_slice %arg2[%dma_wait3A_72, %dma_wait3A_73] : memref<8192x1024xf32, #tpu.memory_space<hbm>> -> memref<8192x1024xf32, #tpu.memory_space<hbm>>
    tpu.wait_indirect_dma semaphore(%arg14 : memref<!tpu.dma_semaphore, #tpu.memory_space<semaphore_mem>>) src(%dma_wait3A_74 : memref<8192x1024xf32, #tpu.memory_space<hbm>>) dst(%arg7 : memref<16x1024xf32, #tpu.memory_space<vmem>>)
    %parallel_loop3A_75 = arith.constant 0 : i32
    %parallel_loop3A_76 = arith.constant 1024 : i32
    %parallel_loop3A_77 = arith.constant 1 : i32
    scf.for %parallel_loop3A_394 = %parallel_loop3A_75 to %parallel_loop3A_76 step %parallel_loop3A_77  : i32 {
      %parallel_loop3A_395 = arith.constant 64 : i32
      %parallel_loop3A_396 = arith.divsi %parallel_loop3A_394, %parallel_loop3A_395 : i32
      %parallel_loop3A_397 = arith.constant 0 : i32
      %parallel_loop3A_398 = arith.cmpi sgt, %parallel_loop3A_394, %parallel_loop3A_397 : i32
      %parallel_loop3A_399 = arith.extui %parallel_loop3A_398 : i1 to i32
      %parallel_loop3A_400 = arith.constant 0 : i32
      %parallel_loop3A_401 = arith.cmpi slt, %parallel_loop3A_394, %parallel_loop3A_400 : i32
      %parallel_loop3A_402 = arith.extui %parallel_loop3A_401 : i1 to i32
      %parallel_loop3A_403 = arith.subi %parallel_loop3A_399, %parallel_loop3A_402 : i32
      %parallel_loop3A_404 = arith.constant 0 : i32
      %parallel_loop3A_405 = arith.cmpi sgt, %parallel_loop3A_395, %parallel_loop3A_404 : i32
      %parallel_loop3A_406 = arith.extui %parallel_loop3A_405 : i1 to i32
      %parallel_loop3A_407 = arith.constant 0 : i32
      %parallel_loop3A_408 = arith.cmpi slt, %parallel_loop3A_395, %parallel_loop3A_407 : i32
      %parallel_loop3A_409 = arith.extui %parallel_loop3A_408 : i1 to i32
      %parallel_loop3A_410 = arith.subi %parallel_loop3A_406, %parallel_loop3A_409 : i32
      %parallel_loop3A_411 = arith.cmpi ne, %parallel_loop3A_403, %parallel_loop3A_410 : i32
      %parallel_loop3A_412 = arith.remsi %parallel_loop3A_394, %parallel_loop3A_395 : i32
      %parallel_loop3A_413 = arith.constant 0 : i32
      %parallel_loop3A_414 = arith.cmpi ne, %parallel_loop3A_412, %parallel_loop3A_413 : i32
      %parallel_loop3A_415 = arith.andi %parallel_loop3A_411, %parallel_loop3A_414 : i1
      %parallel_loop3A_416 = arith.constant 1 : i32
      %parallel_loop3A_417 = arith.subi %parallel_loop3A_396, %parallel_loop3A_416 : i32
      %parallel_loop3A_418 = arith.select %parallel_loop3A_415, %parallel_loop3A_417, %parallel_loop3A_396 : i32
      %parallel_loop3A_419 = arith.constant 64 : i32
      %parallel_loop3A_420 = arith.constant 0 : i32
      %parallel_loop3A_421 = arith.cmpi eq, %parallel_loop3A_419, %parallel_loop3A_420 : i32
      %parallel_loop3A_422 = arith.constant 1 : i32
      %parallel_loop3A_423 = arith.select %parallel_loop3A_421, %parallel_loop3A_422, %parallel_loop3A_419 : i32
      %parallel_loop3A_424 = arith.remsi %parallel_loop3A_394, %parallel_loop3A_423 : i32
      %parallel_loop3A_425 = arith.constant 0 : i32
      %parallel_loop3A_426 = arith.cmpi ne, %parallel_loop3A_424, %parallel_loop3A_425 : i32
      %parallel_loop3A_427 = arith.constant 0 : i32
      %parallel_loop3A_428 = arith.cmpi slt, %parallel_loop3A_424, %parallel_loop3A_427 : i32
      %parallel_loop3A_429 = arith.constant 0 : i32
      %parallel_loop3A_430 = arith.cmpi slt, %parallel_loop3A_423, %parallel_loop3A_429 : i32
      %parallel_loop3A_431 = arith.xori %parallel_loop3A_428, %parallel_loop3A_430 : i1
      %parallel_loop3A_432 = arith.andi %parallel_loop3A_431, %parallel_loop3A_426 : i1
      %parallel_loop3A_433 = arith.addi %parallel_loop3A_424, %parallel_loop3A_423 : i32
      %parallel_loop3A_434 = arith.select %parallel_loop3A_432, %parallel_loop3A_433, %parallel_loop3A_424 : i32
      %parallel_loop3A_435 = arith.constant 16 : i32
      %parallel_loop3A_436 = arith.muli %parallel_loop3A_434, %parallel_loop3A_435 : i32
      %parallel_loop3A_437 = arith.index_cast %parallel_loop3A_418 : i32 to index
      %parallel_loop3A_438 = arith.index_cast %parallel_loop3A_436 : i32 to index
      %parallel_loop3A_439 = tpu.vector_load %arg7[%parallel_loop3A_437, %parallel_loop3A_438] {strides = array<i32>} : memref<16x1024xf32, #tpu.memory_space<vmem>>, vector<1x16xf32>,
      %parallel_loop3A_440 = vector.shape_cast %parallel_loop3A_439 : vector<1x16xf32> to vector<16xf32>
      %parallel_loop3A_441 = arith.constant 3.125000e-02 : f32
      %parallel_loop3A_442 = vector.broadcast %parallel_loop3A_441 : f32 to vector<16xf32>
      %parallel_loop3A_443 = arith.mulf %parallel_loop3A_440, %parallel_loop3A_442 : vector<16xf32>
      %parallel_loop3A_444 = arith.index_cast %parallel_loop3A_418 : i32 to index
      %parallel_loop3A_445 = arith.index_cast %parallel_loop3A_436 : i32 to index
      %parallel_loop3A_446 = tpu.vector_load %arg7[%parallel_loop3A_444, %parallel_loop3A_445] {strides = array<i32>} : memref<16x1024xf32, #tpu.memory_space<vmem>>, vector<1x16xf32>,
      %parallel_loop3A_447 = vector.shape_cast %parallel_loop3A_446 : vector<1x16xf32> to vector<16xf32>
      %parallel_loop3A_448 = vector.shape_cast %parallel_loop3A_443 : vector<16xf32> to vector<1x16xf32>
      tpu.vector_store %arg7[%parallel_loop3A_444, %parallel_loop3A_445], %parallel_loop3A_448 {strides = array<i32>} : memref<16x1024xf32, #tpu.memory_space<vmem>>, vector<1x16xf32>,
    } {sc.loop_unroll_factor = 16 : i64, sc.parallel_access}
    %add3A_78 = arith.constant 16 : i32
    %add3A_79 = arith.addi %mul3A_2, %add3A_78 : i32
    %dma_start3A_80 = arith.constant 0 : i32
    %dma_start3A_81 = tpu.memref_slice %arg4[%add3A_79, %dma_start3A_80] : memref<8192x1024xf32, #tpu.memory_space<hbm>> -> memref<16x1024xf32, #tpu.memory_space<hbm>>
    %dma_start3A_82 = arith.constant 0 : i32
    %dma_start3A_83 = tpu.memref_slice %arg4[%add3A_79, %dma_start3A_82] : memref<8192x1024xf32, #tpu.memory_space<hbm>> -> memref<16x1024xf32, #tpu.memory_space<hbm>>
    tpu.enqueue_dma source(%arg7 : memref<16x1024xf32, #tpu.memory_space<vmem>>) target(%dma_start3A_83 : memref<16x1024xf32, #tpu.memory_space<hbm>>) target_semaphore(%arg21 : memref<!tpu.dma_semaphore, #tpu.memory_space<semaphore_mem>>)
    %dma_start3A_84 = arith.constant 96 : i32
    %dma_start3A_85 = tpu.memref_slice %arg5[%dma_start3A_84] : memref<256xi32, #tpu.memory_space<vmem>> -> memref<16xi32, #tpu.memory_space<vmem>>
    %dma_start3A_86 = arith.constant 0 : i32
    %dma_start3A_87 = arith.constant 0 : i32
    %dma_start3A_88 = tpu.memref_slice %arg2[%dma_start3A_86, %dma_start3A_87] : memref<8192x1024xf32, #tpu.memory_space<hbm>> -> memref<8192x1024xf32, #tpu.memory_space<hbm>>
    tpu.enqueue_indirect_dma source(%dma_start3A_88 : memref<8192x1024xf32, #tpu.memory_space<hbm>>) target(%arg12 : memref<16x1024xf32, #tpu.memory_space<vmem>>) offsets(%dma_start3A_85 : memref<16xi32, #tpu.memory_space<vmem>>) semaphore(%arg19 : memref<!tpu.dma_semaphore, #tpu.memory_space<semaphore_mem>>)
    %dma_wait3A_89 = arith.constant 32 : i32
    %dma_wait3A_90 = tpu.memref_slice %arg5[%dma_wait3A_89] : memref<256xi32, #tpu.memory_space<vmem>> -> memref<16xi32, #tpu.memory_space<vmem>>
    %dma_wait3A_91 = arith.constant 0 : i32
    %dma_wait3A_92 = arith.constant 0 : i32
    %dma_wait3A_93 = tpu.memref_slice %arg2[%dma_wait3A_91, %dma_wait3A_92] : memref<8192x1024xf32, #tpu.memory_space<hbm>> -> memref<8192x1024xf32, #tpu.memory_space<hbm>>
    tpu.wait_indirect_dma semaphore(%arg15 : memref<!tpu.dma_semaphore, #tpu.memory_space<semaphore_mem>>) src(%dma_wait3A_93 : memref<8192x1024xf32, #tpu.memory_space<hbm>>) dst(%arg8 : memref<16x1024xf32, #tpu.memory_space<vmem>>)
    %parallel_loop3A_94 = arith.constant 0 : i32
    %parallel_loop3A_95 = arith.constant 1024 : i32
    %parallel_loop3A_96 = arith.constant 1 : i32
    scf.for %parallel_loop3A_394 = %parallel_loop3A_94 to %parallel_loop3A_95 step %parallel_loop3A_96  : i32 {
      %parallel_loop3A_395 = arith.constant 64 : i32
      %parallel_loop3A_396 = arith.divsi %parallel_loop3A_394, %parallel_loop3A_395 : i32
      %parallel_loop3A_397 = arith.constant 0 : i32
      %parallel_loop3A_398 = arith.cmpi sgt, %parallel_loop3A_394, %parallel_loop3A_397 : i32
      %parallel_loop3A_399 = arith.extui %parallel_loop3A_398 : i1 to i32
      %parallel_loop3A_400 = arith.constant 0 : i32
      %parallel_loop3A_401 = arith.cmpi slt, %parallel_loop3A_394, %parallel_loop3A_400 : i32
      %parallel_loop3A_402 = arith.extui %parallel_loop3A_401 : i1 to i32
      %parallel_loop3A_403 = arith.subi %parallel_loop3A_399, %parallel_loop3A_402 : i32
      %parallel_loop3A_404 = arith.constant 0 : i32
      %parallel_loop3A_405 = arith.cmpi sgt, %parallel_loop3A_395, %parallel_loop3A_404 : i32
      %parallel_loop3A_406 = arith.extui %parallel_loop3A_405 : i1 to i32
      %parallel_loop3A_407 = arith.constant 0 : i32
      %parallel_loop3A_408 = arith.cmpi slt, %parallel_loop3A_395, %parallel_loop3A_407 : i32
      %parallel_loop3A_409 = arith.extui %parallel_loop3A_408 : i1 to i32
      %parallel_loop3A_410 = arith.subi %parallel_loop3A_406, %parallel_loop3A_409 : i32
      %parallel_loop3A_411 = arith.cmpi ne, %parallel_loop3A_403, %parallel_loop3A_410 : i32
      %parallel_loop3A_412 = arith.remsi %parallel_loop3A_394, %parallel_loop3A_395 : i32
      %parallel_loop3A_413 = arith.constant 0 : i32
      %parallel_loop3A_414 = arith.cmpi ne, %parallel_loop3A_412, %parallel_loop3A_413 : i32
      %parallel_loop3A_415 = arith.andi %parallel_loop3A_411, %parallel_loop3A_414 : i1
      %parallel_loop3A_416 = arith.constant 1 : i32
      %parallel_loop3A_417 = arith.subi %parallel_loop3A_396, %parallel_loop3A_416 : i32
      %parallel_loop3A_418 = arith.select %parallel_loop3A_415, %parallel_loop3A_417, %parallel_loop3A_396 : i32
      %parallel_loop3A_419 = arith.constant 64 : i32
      %parallel_loop3A_420 = arith.constant 0 : i32
      %parallel_loop3A_421 = arith.cmpi eq, %parallel_loop3A_419, %parallel_loop3A_420 : i32
      %parallel_loop3A_422 = arith.constant 1 : i32
      %parallel_loop3A_423 = arith.select %parallel_loop3A_421, %parallel_loop3A_422, %parallel_loop3A_419 : i32
      %parallel_loop3A_424 = arith.remsi %parallel_loop3A_394, %parallel_loop3A_423 : i32
      %parallel_loop3A_425 = arith.constant 0 : i32
      %parallel_loop3A_426 = arith.cmpi ne, %parallel_loop3A_424, %parallel_loop3A_425 : i32
      %parallel_loop3A_427 = arith.constant 0 : i32
      %parallel_loop3A_428 = arith.cmpi slt, %parallel_loop3A_424, %parallel_loop3A_427 : i32
      %parallel_loop3A_429 = arith.constant 0 : i32
      %parallel_loop3A_430 = arith.cmpi slt, %parallel_loop3A_423, %parallel_loop3A_429 : i32
      %parallel_loop3A_431 = arith.xori %parallel_loop3A_428, %parallel_loop3A_430 : i1
      %parallel_loop3A_432 = arith.andi %parallel_loop3A_431, %parallel_loop3A_426 : i1
      %parallel_loop3A_433 = arith.addi %parallel_loop3A_424, %parallel_loop3A_423 : i32
      %parallel_loop3A_434 = arith.select %parallel_loop3A_432, %parallel_loop3A_433, %parallel_loop3A_424 : i32
      %parallel_loop3A_435 = arith.constant 16 : i32
      %parallel_loop3A_436 = arith.muli %parallel_loop3A_434, %parallel_loop3A_435 : i32
      %parallel_loop3A_437 = arith.index_cast %parallel_loop3A_418 : i32 to index
      %parallel_loop3A_438 = arith.index_cast %parallel_loop3A_436 : i32 to index
      %parallel_loop3A_439 = tpu.vector_load %arg8[%parallel_loop3A_437, %parallel_loop3A_438] {strides = array<i32>} : memref<16x1024xf32, #tpu.memory_space<vmem>>, vector<1x16xf32>,
      %parallel_loop3A_440 = vector.shape_cast %parallel_loop3A_439 : vector<1x16xf32> to vector<16xf32>
      %parallel_loop3A_441 = arith.constant 3.125000e-02 : f32
      %parallel_loop3A_442 = vector.broadcast %parallel_loop3A_441 : f32 to vector<16xf32>
      %parallel_loop3A_443 = arith.mulf %parallel_loop3A_440, %parallel_loop3A_442 : vector<16xf32>
      %parallel_loop3A_444 = arith.index_cast %parallel_loop3A_418 : i32 to index
      %parallel_loop3A_445 = arith.index_cast %parallel_loop3A_436 : i32 to index
      %parallel_loop3A_446 = tpu.vector_load %arg8[%parallel_loop3A_444, %parallel_loop3A_445] {strides = array<i32>} : memref<16x1024xf32, #tpu.memory_space<vmem>>, vector<1x16xf32>,
      %parallel_loop3A_447 = vector.shape_cast %parallel_loop3A_446 : vector<1x16xf32> to vector<16xf32>
      %parallel_loop3A_448 = vector.shape_cast %parallel_loop3A_443 : vector<16xf32> to vector<1x16xf32>
      tpu.vector_store %arg8[%parallel_loop3A_444, %parallel_loop3A_445], %parallel_loop3A_448 {strides = array<i32>} : memref<16x1024xf32, #tpu.memory_space<vmem>>, vector<1x16xf32>,
    } {sc.loop_unroll_factor = 16 : i64, sc.parallel_access}
    %add3A_97 = arith.constant 32 : i32
    %add3A_98 = arith.addi %mul3A_2, %add3A_97 : i32
    %dma_start3A_99 = arith.constant 0 : i32
    %dma_start3A_100 = tpu.memref_slice %arg4[%add3A_98, %dma_start3A_99] : memref<8192x1024xf32, #tpu.memory_space<hbm>> -> memref<16x1024xf32, #tpu.memory_space<hbm>>
    %dma_start3A_101 = arith.constant 0 : i32
    %dma_start3A_102 = tpu.memref_slice %arg4[%add3A_98, %dma_start3A_101] : memref<8192x1024xf32, #tpu.memory_space<hbm>> -> memref<16x1024xf32, #tpu.memory_space<hbm>>
    tpu.enqueue_dma source(%arg8 : memref<16x1024xf32, #tpu.memory_space<vmem>>) target(%dma_start3A_102 : memref<16x1024xf32, #tpu.memory_space<hbm>>) target_semaphore(%arg22 : memref<!tpu.dma_semaphore, #tpu.memory_space<semaphore_mem>>)
    %dma_wait3A_103 = arith.constant 0 : i32
    %dma_wait3A_104 = tpu.memref_slice %arg4[%add3A_60, %dma_wait3A_103] : memref<8192x1024xf32, #tpu.memory_space<hbm>> -> memref<16x1024xf32, #tpu.memory_space<hbm>>
    %dma_wait3A_105 = arith.constant 0 : i32
    %dma_wait3A_106 = tpu.memref_slice %arg4[%add3A_60, %dma_wait3A_105] : memref<8192x1024xf32, #tpu.memory_space<hbm>> -> memref<16x1024xf32, #tpu.memory_space<hbm>>
    tpu.wait_dma2 semaphore(%arg20 : memref<!tpu.dma_semaphore, #tpu.memory_space<semaphore_mem>>) src(%arg6 : memref<16x1024xf32, #tpu.memory_space<vmem>>) dst(%dma_wait3A_106 : memref<16x1024xf32, #tpu.memory_space<hbm>>)
    %dma_start3A_107 = arith.constant 112 : i32
    %dma_start3A_108 = tpu.memref_slice %arg5[%dma_start3A_107] : memref<256xi32, #tpu.memory_space<vmem>> -> memref<16xi32, #tpu.memory_space<vmem>>
    %dma_start3A_109 = arith.constant 0 : i32
    %dma_start3A_110 = arith.constant 0 : i32
    %dma_start3A_111 = tpu.memref_slice %arg2[%dma_start3A_109, %dma_start3A_110] : memref<8192x1024xf32, #tpu.memory_space<hbm>> -> memref<8192x1024xf32, #tpu.memory_space<hbm>>
    tpu.enqueue_indirect_dma source(%dma_start3A_111 : memref<8192x1024xf32, #tpu.memory_space<hbm>>) target(%arg6 : memref<16x1024xf32, #tpu.memory_space<vmem>>) offsets(%dma_start3A_108 : memref<16xi32, #tpu.memory_space<vmem>>) semaphore(%arg13 : memref<!tpu.dma_semaphore, #tpu.memory_space<semaphore_mem>>)
    %dma_wait3A_112 = arith.constant 48 : i32
    %dma_wait3A_113 = tpu.memref_slice %arg5[%dma_wait3A_112] : memref<256xi32, #tpu.memory_space<vmem>> -> memref<16xi32, #tpu.memory_space<vmem>>
    %dma_wait3A_114 = arith.constant 0 : i32
    %dma_wait3A_115 = arith.constant 0 : i32
    %dma_wait3A_116 = tpu.memref_slice %arg2[%dma_wait3A_114, %dma_wait3A_115] : memref<8192x1024xf32, #tpu.memory_space<hbm>> -> memref<8192x1024xf32, #tpu.memory_space<hbm>>
    tpu.wait_indirect_dma semaphore(%arg16 : memref<!tpu.dma_semaphore, #tpu.memory_space<semaphore_mem>>) src(%dma_wait3A_116 : memref<8192x1024xf32, #tpu.memory_space<hbm>>) dst(%arg9 : memref<16x1024xf32, #tpu.memory_space<vmem>>)
    %parallel_loop3A_117 = arith.constant 0 : i32
    %parallel_loop3A_118 = arith.constant 1024 : i32
    %parallel_loop3A_119 = arith.constant 1 : i32
    scf.for %parallel_loop3A_394 = %parallel_loop3A_117 to %parallel_loop3A_118 step %parallel_loop3A_119  : i32 {
      %parallel_loop3A_395 = arith.constant 64 : i32
      %parallel_loop3A_396 = arith.divsi %parallel_loop3A_394, %parallel_loop3A_395 : i32
      %parallel_loop3A_397 = arith.constant 0 : i32
      %parallel_loop3A_398 = arith.cmpi sgt, %parallel_loop3A_394, %parallel_loop3A_397 : i32
      %parallel_loop3A_399 = arith.extui %parallel_loop3A_398 : i1 to i32
      %parallel_loop3A_400 = arith.constant 0 : i32
      %parallel_loop3A_401 = arith.cmpi slt, %parallel_loop3A_394, %parallel_loop3A_400 : i32
      %parallel_loop3A_402 = arith.extui %parallel_loop3A_401 : i1 to i32
      %parallel_loop3A_403 = arith.subi %parallel_loop3A_399, %parallel_loop3A_402 : i32
      %parallel_loop3A_404 = arith.constant 0 : i32
      %parallel_loop3A_405 = arith.cmpi sgt, %parallel_loop3A_395, %parallel_loop3A_404 : i32
      %parallel_loop3A_406 = arith.extui %parallel_loop3A_405 : i1 to i32
      %parallel_loop3A_407 = arith.constant 0 : i32
      %parallel_loop3A_408 = arith.cmpi slt, %parallel_loop3A_395, %parallel_loop3A_407 : i32
      %parallel_loop3A_409 = arith.extui %parallel_loop3A_408 : i1 to i32
      %parallel_loop3A_410 = arith.subi %parallel_loop3A_406, %parallel_loop3A_409 : i32
      %parallel_loop3A_411 = arith.cmpi ne, %parallel_loop3A_403, %parallel_loop3A_410 : i32
      %parallel_loop3A_412 = arith.remsi %parallel_loop3A_394, %parallel_loop3A_395 : i32
      %parallel_loop3A_413 = arith.constant 0 : i32
      %parallel_loop3A_414 = arith.cmpi ne, %parallel_loop3A_412, %parallel_loop3A_413 : i32
      %parallel_loop3A_415 = arith.andi %parallel_loop3A_411, %parallel_loop3A_414 : i1
      %parallel_loop3A_416 = arith.constant 1 : i32
      %parallel_loop3A_417 = arith.subi %parallel_loop3A_396, %parallel_loop3A_416 : i32
      %parallel_loop3A_418 = arith.select %parallel_loop3A_415, %parallel_loop3A_417, %parallel_loop3A_396 : i32
      %parallel_loop3A_419 = arith.constant 64 : i32
      %parallel_loop3A_420 = arith.constant 0 : i32
      %parallel_loop3A_421 = arith.cmpi eq, %parallel_loop3A_419, %parallel_loop3A_420 : i32
      %parallel_loop3A_422 = arith.constant 1 : i32
      %parallel_loop3A_423 = arith.select %parallel_loop3A_421, %parallel_loop3A_422, %parallel_loop3A_419 : i32
      %parallel_loop3A_424 = arith.remsi %parallel_loop3A_394, %parallel_loop3A_423 : i32
      %parallel_loop3A_425 = arith.constant 0 : i32
      %parallel_loop3A_426 = arith.cmpi ne, %parallel_loop3A_424, %parallel_loop3A_425 : i32
      %parallel_loop3A_427 = arith.constant 0 : i32
      %parallel_loop3A_428 = arith.cmpi slt, %parallel_loop3A_424, %parallel_loop3A_427 : i32
      %parallel_loop3A_429 = arith.constant 0 : i32
      %parallel_loop3A_430 = arith.cmpi slt, %parallel_loop3A_423, %parallel_loop3A_429 : i32
      %parallel_loop3A_431 = arith.xori %parallel_loop3A_428, %parallel_loop3A_430 : i1
      %parallel_loop3A_432 = arith.andi %parallel_loop3A_431, %parallel_loop3A_426 : i1
      %parallel_loop3A_433 = arith.addi %parallel_loop3A_424, %parallel_loop3A_423 : i32
      %parallel_loop3A_434 = arith.select %parallel_loop3A_432, %parallel_loop3A_433, %parallel_loop3A_424 : i32
      %parallel_loop3A_435 = arith.constant 16 : i32
      %parallel_loop3A_436 = arith.muli %parallel_loop3A_434, %parallel_loop3A_435 : i32
      %parallel_loop3A_437 = arith.index_cast %parallel_loop3A_418 : i32 to index
      %parallel_loop3A_438 = arith.index_cast %parallel_loop3A_436 : i32 to index
      %parallel_loop3A_439 = tpu.vector_load %arg9[%parallel_loop3A_437, %parallel_loop3A_438] {strides = array<i32>} : memref<16x1024xf32, #tpu.memory_space<vmem>>, vector<1x16xf32>,
      %parallel_loop3A_440 = vector.shape_cast %parallel_loop3A_439 : vector<1x16xf32> to vector<16xf32>
      %parallel_loop3A_441 = arith.constant 3.125000e-02 : f32
      %parallel_loop3A_442 = vector.broadcast %parallel_loop3A_441 : f32 to vector<16xf32>
      %parallel_loop3A_443 = arith.mulf %parallel_loop3A_440, %parallel_loop3A_442 : vector<16xf32>
      %parallel_loop3A_444 = arith.index_cast %parallel_loop3A_418 : i32 to index
      %parallel_loop3A_445 = arith.index_cast %parallel_loop3A_436 : i32 to index
      %parallel_loop3A_446 = tpu.vector_load %arg9[%parallel_loop3A_444, %parallel_loop3A_445] {strides = array<i32>} : memref<16x1024xf32, #tpu.memory_space<vmem>>, vector<1x16xf32>,
      %parallel_loop3A_447 = vector.shape_cast %parallel_loop3A_446 : vector<1x16xf32> to vector<16xf32>
      %parallel_loop3A_448 = vector.shape_cast %parallel_loop3A_443 : vector<16xf32> to vector<1x16xf32>
      tpu.vector_store %arg9[%parallel_loop3A_444, %parallel_loop3A_445], %parallel_loop3A_448 {strides = array<i32>} : memref<16x1024xf32, #tpu.memory_space<vmem>>, vector<1x16xf32>,
    } {sc.loop_unroll_factor = 16 : i64, sc.parallel_access}
    %add3A_120 = arith.constant 48 : i32
    %add3A_121 = arith.addi %mul3A_2, %add3A_120 : i32
    %dma_start3A_122 = arith.constant 0 : i32
    %dma_start3A_123 = tpu.memref_slice %arg4[%add3A_121, %dma_start3A_122] : memref<8192x1024xf32, #tpu.memory_space<hbm>> -> memref<16x1024xf32, #tpu.memory_space<hbm>>
    %dma_start3A_124 = arith.constant 0 : i32
    %dma_start3A_125 = tpu.memref_slice %arg4[%add3A_121, %dma_start3A_124] : memref<8192x1024xf32, #tpu.memory_space<hbm>> -> memref<16x1024xf32, #tpu.memory_space<hbm>>
    tpu.enqueue_dma source(%arg9 : memref<16x1024xf32, #tpu.memory_space<vmem>>) target(%dma_start3A_125 : memref<16x1024xf32, #tpu.memory_space<hbm>>) target_semaphore(%arg23 : memref<!tpu.dma_semaphore, #tpu.memory_space<semaphore_mem>>)
    %dma_wait3A_126 = arith.constant 0 : i32
    %dma_wait3A_127 = tpu.memref_slice %arg4[%add3A_79, %dma_wait3A_126] : memref<8192x1024xf32, #tpu.memory_space<hbm>> -> memref<16x1024xf32, #tpu.memory_space<hbm>>
    %dma_wait3A_128 = arith.constant 0 : i32
    %dma_wait3A_129 = tpu.memref_slice %arg4[%add3A_79, %dma_wait3A_128] : memref<8192x1024xf32, #tpu.memory_space<hbm>> -> memref<16x1024xf32, #tpu.memory_space<hbm>>
    tpu.wait_dma2 semaphore(%arg21 : memref<!tpu.dma_semaphore, #tpu.memory_space<semaphore_mem>>) src(%arg7 : memref<16x1024xf32, #tpu.memory_space<vmem>>) dst(%dma_wait3A_129 : memref<16x1024xf32, #tpu.memory_space<hbm>>)
    %dma_start3A_130 = arith.constant 128 : i32
    %dma_start3A_131 = tpu.memref_slice %arg5[%dma_start3A_130] : memref<256xi32, #tpu.memory_space<vmem>> -> memref<16xi32, #tpu.memory_space<vmem>>
    %dma_start3A_132 = arith.constant 0 : i32
    %dma_start3A_133 = arith.constant 0 : i32
    %dma_start3A_134 = tpu.memref_slice %arg2[%dma_start3A_132, %dma_start3A_133] : memref<8192x1024xf32, #tpu.memory_space<hbm>> -> memref<8192x1024xf32, #tpu.memory_space<hbm>>
    tpu.enqueue_indirect_dma source(%dma_start3A_134 : memref<8192x1024xf32, #tpu.memory_space<hbm>>) target(%arg7 : memref<16x1024xf32, #tpu.memory_space<vmem>>) offsets(%dma_start3A_131 : memref<16xi32, #tpu.memory_space<vmem>>) semaphore(%arg14 : memref<!tpu.dma_semaphore, #tpu.memory_space<semaphore_mem>>)
    %dma_wait3A_135 = arith.constant 64 : i32
    %dma_wait3A_136 = tpu.memref_slice %arg5[%dma_wait3A_135] : memref<256xi32, #tpu.memory_space<vmem>> -> memref<16xi32, #tpu.memory_space<vmem>>
    %dma_wait3A_137 = arith.constant 0 : i32
    %dma_wait3A_138 = arith.constant 0 : i32
    %dma_wait3A_139 = tpu.memref_slice %arg2[%dma_wait3A_137, %dma_wait3A_138] : memref<8192x1024xf32, #tpu.memory_space<hbm>> -> memref<8192x1024xf32, #tpu.memory_space<hbm>>
    tpu.wait_indirect_dma semaphore(%arg17 : memref<!tpu.dma_semaphore, #tpu.memory_space<semaphore_mem>>) src(%dma_wait3A_139 : memref<8192x1024xf32, #tpu.memory_space<hbm>>) dst(%arg10 : memref<16x1024xf32, #tpu.memory_space<vmem>>)
    %parallel_loop3A_140 = arith.constant 0 : i32
    %parallel_loop3A_141 = arith.constant 1024 : i32
    %parallel_loop3A_142 = arith.constant 1 : i32
    scf.for %parallel_loop3A_394 = %parallel_loop3A_140 to %parallel_loop3A_141 step %parallel_loop3A_142  : i32 {
      %parallel_loop3A_395 = arith.constant 64 : i32
      %parallel_loop3A_396 = arith.divsi %parallel_loop3A_394, %parallel_loop3A_395 : i32
      %parallel_loop3A_397 = arith.constant 0 : i32
      %parallel_loop3A_398 = arith.cmpi sgt, %parallel_loop3A_394, %parallel_loop3A_397 : i32
      %parallel_loop3A_399 = arith.extui %parallel_loop3A_398 : i1 to i32
      %parallel_loop3A_400 = arith.constant 0 : i32
      %parallel_loop3A_401 = arith.cmpi slt, %parallel_loop3A_394, %parallel_loop3A_400 : i32
      %parallel_loop3A_402 = arith.extui %parallel_loop3A_401 : i1 to i32
      %parallel_loop3A_403 = arith.subi %parallel_loop3A_399, %parallel_loop3A_402 : i32
      %parallel_loop3A_404 = arith.constant 0 : i32
      %parallel_loop3A_405 = arith.cmpi sgt, %parallel_loop3A_395, %parallel_loop3A_404 : i32
      %parallel_loop3A_406 = arith.extui %parallel_loop3A_405 : i1 to i32
      %parallel_loop3A_407 = arith.constant 0 : i32
      %parallel_loop3A_408 = arith.cmpi slt, %parallel_loop3A_395, %parallel_loop3A_407 : i32
      %parallel_loop3A_409 = arith.extui %parallel_loop3A_408 : i1 to i32
      %parallel_loop3A_410 = arith.subi %parallel_loop3A_406, %parallel_loop3A_409 : i32
      %parallel_loop3A_411 = arith.cmpi ne, %parallel_loop3A_403, %parallel_loop3A_410 : i32
      %parallel_loop3A_412 = arith.remsi %parallel_loop3A_394, %parallel_loop3A_395 : i32
      %parallel_loop3A_413 = arith.constant 0 : i32
      %parallel_loop3A_414 = arith.cmpi ne, %parallel_loop3A_412, %parallel_loop3A_413 : i32
      %parallel_loop3A_415 = arith.andi %parallel_loop3A_411, %parallel_loop3A_414 : i1
      %parallel_loop3A_416 = arith.constant 1 : i32
      %parallel_loop3A_417 = arith.subi %parallel_loop3A_396, %parallel_loop3A_416 : i32
      %parallel_loop3A_418 = arith.select %parallel_loop3A_415, %parallel_loop3A_417, %parallel_loop3A_396 : i32
      %parallel_loop3A_419 = arith.constant 64 : i32
      %parallel_loop3A_420 = arith.constant 0 : i32
      %parallel_loop3A_421 = arith.cmpi eq, %parallel_loop3A_419, %parallel_loop3A_420 : i32
      %parallel_loop3A_422 = arith.constant 1 : i32
      %parallel_loop3A_423 = arith.select %parallel_loop3A_421, %parallel_loop3A_422, %parallel_loop3A_419 : i32
      %parallel_loop3A_424 = arith.remsi %parallel_loop3A_394, %parallel_loop3A_423 : i32
      %parallel_loop3A_425 = arith.constant 0 : i32
      %parallel_loop3A_426 = arith.cmpi ne, %parallel_loop3A_424, %parallel_loop3A_425 : i32
      %parallel_loop3A_427 = arith.constant 0 : i32
      %parallel_loop3A_428 = arith.cmpi slt, %parallel_loop3A_424, %parallel_loop3A_427 : i32
      %parallel_loop3A_429 = arith.constant 0 : i32
      %parallel_loop3A_430 = arith.cmpi slt, %parallel_loop3A_423, %parallel_loop3A_429 : i32
      %parallel_loop3A_431 = arith.xori %parallel_loop3A_428, %parallel_loop3A_430 : i1
      %parallel_loop3A_432 = arith.andi %parallel_loop3A_431, %parallel_loop3A_426 : i1
      %parallel_loop3A_433 = arith.addi %parallel_loop3A_424, %parallel_loop3A_423 : i32
      %parallel_loop3A_434 = arith.select %parallel_loop3A_432, %parallel_loop3A_433, %parallel_loop3A_424 : i32
      %parallel_loop3A_435 = arith.constant 16 : i32
      %parallel_loop3A_436 = arith.muli %parallel_loop3A_434, %parallel_loop3A_435 : i32
      %parallel_loop3A_437 = arith.index_cast %parallel_loop3A_418 : i32 to index
      %parallel_loop3A_438 = arith.index_cast %parallel_loop3A_436 : i32 to index
      %parallel_loop3A_439 = tpu.vector_load %arg10[%parallel_loop3A_437, %parallel_loop3A_438] {strides = array<i32>} : memref<16x1024xf32, #tpu.memory_space<vmem>>, vector<1x16xf32>,
      %parallel_loop3A_440 = vector.shape_cast %parallel_loop3A_439 : vector<1x16xf32> to vector<16xf32>
      %parallel_loop3A_441 = arith.constant 3.125000e-02 : f32
      %parallel_loop3A_442 = vector.broadcast %parallel_loop3A_441 : f32 to vector<16xf32>
      %parallel_loop3A_443 = arith.mulf %parallel_loop3A_440, %parallel_loop3A_442 : vector<16xf32>
      %parallel_loop3A_444 = arith.index_cast %parallel_loop3A_418 : i32 to index
      %parallel_loop3A_445 = arith.index_cast %parallel_loop3A_436 : i32 to index
      %parallel_loop3A_446 = tpu.vector_load %arg10[%parallel_loop3A_444, %parallel_loop3A_445] {strides = array<i32>} : memref<16x1024xf32, #tpu.memory_space<vmem>>, vector<1x16xf32>,
      %parallel_loop3A_447 = vector.shape_cast %parallel_loop3A_446 : vector<1x16xf32> to vector<16xf32>
      %parallel_loop3A_448 = vector.shape_cast %parallel_loop3A_443 : vector<16xf32> to vector<1x16xf32>
      tpu.vector_store %arg10[%parallel_loop3A_444, %parallel_loop3A_445], %parallel_loop3A_448 {strides = array<i32>} : memref<16x1024xf32, #tpu.memory_space<vmem>>, vector<1x16xf32>,
    } {sc.loop_unroll_factor = 16 : i64, sc.parallel_access}
    %add3A_143 = arith.constant 64 : i32
    %add3A_144 = arith.addi %mul3A_2, %add3A_143 : i32
    %dma_start3A_145 = arith.constant 0 : i32
    %dma_start3A_146 = tpu.memref_slice %arg4[%add3A_144, %dma_start3A_145] : memref<8192x1024xf32, #tpu.memory_space<hbm>> -> memref<16x1024xf32, #tpu.memory_space<hbm>>
    %dma_start3A_147 = arith.constant 0 : i32
    %dma_start3A_148 = tpu.memref_slice %arg4[%add3A_144, %dma_start3A_147] : memref<8192x1024xf32, #tpu.memory_space<hbm>> -> memref<16x1024xf32, #tpu.memory_space<hbm>>
    tpu.enqueue_dma source(%arg10 : memref<16x1024xf32, #tpu.memory_space<vmem>>) target(%dma_start3A_148 : memref<16x1024xf32, #tpu.memory_space<hbm>>) target_semaphore(%arg24 : memref<!tpu.dma_semaphore, #tpu.memory_space<semaphore_mem>>)
    %dma_wait3A_149 = arith.constant 0 : i32
    %dma_wait3A_150 = tpu.memref_slice %arg4[%add3A_98, %dma_wait3A_149] : memref<8192x1024xf32, #tpu.memory_space<hbm>> -> memref<16x1024xf32, #tpu.memory_space<hbm>>
    %dma_wait3A_151 = arith.constant 0 : i32
    %dma_wait3A_152 = tpu.memref_slice %arg4[%add3A_98, %dma_wait3A_151] : memref<8192x1024xf32, #tpu.memory_space<hbm>> -> memref<16x1024xf32, #tpu.memory_space<hbm>>
    tpu.wait_dma2 semaphore(%arg22 : memref<!tpu.dma_semaphore, #tpu.memory_space<semaphore_mem>>) src(%arg8 : memref<16x1024xf32, #tpu.memory_space<vmem>>) dst(%dma_wait3A_152 : memref<16x1024xf32, #tpu.memory_space<hbm>>)
    %dma_start3A_153 = arith.constant 144 : i32
    %dma_start3A_154 = tpu.memref_slice %arg5[%dma_start3A_153] : memref<256xi32, #tpu.memory_space<vmem>> -> memref<16xi32, #tpu.memory_space<vmem>>
    %dma_start3A_155 = arith.constant 0 : i32
    %dma_start3A_156 = arith.constant 0 : i32
    %dma_start3A_157 = tpu.memref_slice %arg2[%dma_start3A_155, %dma_start3A_156] : memref<8192x1024xf32, #tpu.memory_space<hbm>> -> memref<8192x1024xf32, #tpu.memory_space<hbm>>
    tpu.enqueue_indirect_dma source(%dma_start3A_157 : memref<8192x1024xf32, #tpu.memory_space<hbm>>) target(%arg8 : memref<16x1024xf32, #tpu.memory_space<vmem>>) offsets(%dma_start3A_154 : memref<16xi32, #tpu.memory_space<vmem>>) semaphore(%arg15 : memref<!tpu.dma_semaphore, #tpu.memory_space<semaphore_mem>>)
    %dma_wait3A_158 = arith.constant 80 : i32
    %dma_wait3A_159 = tpu.memref_slice %arg5[%dma_wait3A_158] : memref<256xi32, #tpu.memory_space<vmem>> -> memref<16xi32, #tpu.memory_space<vmem>>
    %dma_wait3A_160 = arith.constant 0 : i32
    %dma_wait3A_161 = arith.constant 0 : i32
    %dma_wait3A_162 = tpu.memref_slice %arg2[%dma_wait3A_160, %dma_wait3A_161] : memref<8192x1024xf32, #tpu.memory_space<hbm>> -> memref<8192x1024xf32, #tpu.memory_space<hbm>>
    tpu.wait_indirect_dma semaphore(%arg18 : memref<!tpu.dma_semaphore, #tpu.memory_space<semaphore_mem>>) src(%dma_wait3A_162 : memref<8192x1024xf32, #tpu.memory_space<hbm>>) dst(%arg11 : memref<16x1024xf32, #tpu.memory_space<vmem>>)
    %parallel_loop3A_163 = arith.constant 0 : i32
    %parallel_loop3A_164 = arith.constant 1024 : i32
    %parallel_loop3A_165 = arith.constant 1 : i32
    scf.for %parallel_loop3A_394 = %parallel_loop3A_163 to %parallel_loop3A_164 step %parallel_loop3A_165  : i32 {
      %parallel_loop3A_395 = arith.constant 64 : i32
      %parallel_loop3A_396 = arith.divsi %parallel_loop3A_394, %parallel_loop3A_395 : i32
      %parallel_loop3A_397 = arith.constant 0 : i32
      %parallel_loop3A_398 = arith.cmpi sgt, %parallel_loop3A_394, %parallel_loop3A_397 : i32
      %parallel_loop3A_399 = arith.extui %parallel_loop3A_398 : i1 to i32
      %parallel_loop3A_400 = arith.constant 0 : i32
      %parallel_loop3A_401 = arith.cmpi slt, %parallel_loop3A_394, %parallel_loop3A_400 : i32
      %parallel_loop3A_402 = arith.extui %parallel_loop3A_401 : i1 to i32
      %parallel_loop3A_403 = arith.subi %parallel_loop3A_399, %parallel_loop3A_402 : i32
      %parallel_loop3A_404 = arith.constant 0 : i32
      %parallel_loop3A_405 = arith.cmpi sgt, %parallel_loop3A_395, %parallel_loop3A_404 : i32
      %parallel_loop3A_406 = arith.extui %parallel_loop3A_405 : i1 to i32
      %parallel_loop3A_407 = arith.constant 0 : i32
      %parallel_loop3A_408 = arith.cmpi slt, %parallel_loop3A_395, %parallel_loop3A_407 : i32
      %parallel_loop3A_409 = arith.extui %parallel_loop3A_408 : i1 to i32
      %parallel_loop3A_410 = arith.subi %parallel_loop3A_406, %parallel_loop3A_409 : i32
      %parallel_loop3A_411 = arith.cmpi ne, %parallel_loop3A_403, %parallel_loop3A_410 : i32
      %parallel_loop3A_412 = arith.remsi %parallel_loop3A_394, %parallel_loop3A_395 : i32
      %parallel_loop3A_413 = arith.constant 0 : i32
      %parallel_loop3A_414 = arith.cmpi ne, %parallel_loop3A_412, %parallel_loop3A_413 : i32
      %parallel_loop3A_415 = arith.andi %parallel_loop3A_411, %parallel_loop3A_414 : i1
      %parallel_loop3A_416 = arith.constant 1 : i32
      %parallel_loop3A_417 = arith.subi %parallel_loop3A_396, %parallel_loop3A_416 : i32
      %parallel_loop3A_418 = arith.select %parallel_loop3A_415, %parallel_loop3A_417, %parallel_loop3A_396 : i32
      %parallel_loop3A_419 = arith.constant 64 : i32
      %parallel_loop3A_420 = arith.constant 0 : i32
      %parallel_loop3A_421 = arith.cmpi eq, %parallel_loop3A_419, %parallel_loop3A_420 : i32
      %parallel_loop3A_422 = arith.constant 1 : i32
      %parallel_loop3A_423 = arith.select %parallel_loop3A_421, %parallel_loop3A_422, %parallel_loop3A_419 : i32
      %parallel_loop3A_424 = arith.remsi %parallel_loop3A_394, %parallel_loop3A_423 : i32
      %parallel_loop3A_425 = arith.constant 0 : i32
      %parallel_loop3A_426 = arith.cmpi ne, %parallel_loop3A_424, %parallel_loop3A_425 : i32
      %parallel_loop3A_427 = arith.constant 0 : i32
      %parallel_loop3A_428 = arith.cmpi slt, %parallel_loop3A_424, %parallel_loop3A_427 : i32
      %parallel_loop3A_429 = arith.constant 0 : i32
      %parallel_loop3A_430 = arith.cmpi slt, %parallel_loop3A_423, %parallel_loop3A_429 : i32
      %parallel_loop3A_431 = arith.xori %parallel_loop3A_428, %parallel_loop3A_430 : i1
      %parallel_loop3A_432 = arith.andi %parallel_loop3A_431, %parallel_loop3A_426 : i1
      %parallel_loop3A_433 = arith.addi %parallel_loop3A_424, %parallel_loop3A_423 : i32
      %parallel_loop3A_434 = arith.select %parallel_loop3A_432, %parallel_loop3A_433, %parallel_loop3A_424 : i32
      %parallel_loop3A_435 = arith.constant 16 : i32
      %parallel_loop3A_436 = arith.muli %parallel_loop3A_434, %parallel_loop3A_435 : i32
      %parallel_loop3A_437 = arith.index_cast %parallel_loop3A_418 : i32 to index
      %parallel_loop3A_438 = arith.index_cast %parallel_loop3A_436 : i32 to index
      %parallel_loop3A_439 = tpu.vector_load %arg11[%parallel_loop3A_437, %parallel_loop3A_438] {strides = array<i32>} : memref<16x1024xf32, #tpu.memory_space<vmem>>, vector<1x16xf32>,
      %parallel_loop3A_440 = vector.shape_cast %parallel_loop3A_439 : vector<1x16xf32> to vector<16xf32>
      %parallel_loop3A_441 = arith.constant 3.125000e-02 : f32
      %parallel_loop3A_442 = vector.broadcast %parallel_loop3A_441 : f32 to vector<16xf32>
      %parallel_loop3A_443 = arith.mulf %parallel_loop3A_440, %parallel_loop3A_442 : vector<16xf32>
      %parallel_loop3A_444 = arith.index_cast %parallel_loop3A_418 : i32 to index
      %parallel_loop3A_445 = arith.index_cast %parallel_loop3A_436 : i32 to index
      %parallel_loop3A_446 = tpu.vector_load %arg11[%parallel_loop3A_444, %parallel_loop3A_445] {strides = array<i32>} : memref<16x1024xf32, #tpu.memory_space<vmem>>, vector<1x16xf32>,
      %parallel_loop3A_447 = vector.shape_cast %parallel_loop3A_446 : vector<1x16xf32> to vector<16xf32>
      %parallel_loop3A_448 = vector.shape_cast %parallel_loop3A_443 : vector<16xf32> to vector<1x16xf32>
      tpu.vector_store %arg11[%parallel_loop3A_444, %parallel_loop3A_445], %parallel_loop3A_448 {strides = array<i32>} : memref<16x1024xf32, #tpu.memory_space<vmem>>, vector<1x16xf32>,
    } {sc.loop_unroll_factor = 16 : i64, sc.parallel_access}
    %add3A_166 = arith.constant 80 : i32
    %add3A_167 = arith.addi %mul3A_2, %add3A_166 : i32
    %dma_start3A_168 = arith.constant 0 : i32
    %dma_start3A_169 = tpu.memref_slice %arg4[%add3A_167, %dma_start3A_168] : memref<8192x1024xf32, #tpu.memory_space<hbm>> -> memref<16x1024xf32, #tpu.memory_space<hbm>>
    %dma_start3A_170 = arith.constant 0 : i32
    %dma_start3A_171 = tpu.memref_slice %arg4[%add3A_167, %dma_start3A_170] : memref<8192x1024xf32, #tpu.memory_space<hbm>> -> memref<16x1024xf32, #tpu.memory_space<hbm>>
    tpu.enqueue_dma source(%arg11 : memref<16x1024xf32, #tpu.memory_space<vmem>>) target(%dma_start3A_171 : memref<16x1024xf32, #tpu.memory_space<hbm>>) target_semaphore(%arg25 : memref<!tpu.dma_semaphore, #tpu.memory_space<semaphore_mem>>)
    %dma_wait3A_172 = arith.constant 0 : i32
    %dma_wait3A_173 = tpu.memref_slice %arg4[%add3A_121, %dma_wait3A_172] : memref<8192x1024xf32, #tpu.memory_space<hbm>> -> memref<16x1024xf32, #tpu.memory_space<hbm>>
    %dma_wait3A_174 = arith.constant 0 : i32
    %dma_wait3A_175 = tpu.memref_slice %arg4[%add3A_121, %dma_wait3A_174] : memref<8192x1024xf32, #tpu.memory_space<hbm>> -> memref<16x1024xf32, #tpu.memory_space<hbm>>
    tpu.wait_dma2 semaphore(%arg23 : memref<!tpu.dma_semaphore, #tpu.memory_space<semaphore_mem>>) src(%arg9 : memref<16x1024xf32, #tpu.memory_space<vmem>>) dst(%dma_wait3A_175 : memref<16x1024xf32, #tpu.memory_space<hbm>>)
    %dma_start3A_176 = arith.constant 160 : i32
    %dma_start3A_177 = tpu.memref_slice %arg5[%dma_start3A_176] : memref<256xi32, #tpu.memory_space<vmem>> -> memref<16xi32, #tpu.memory_space<vmem>>
    %dma_start3A_178 = arith.constant 0 : i32
    %dma_start3A_179 = arith.constant 0 : i32
    %dma_start3A_180 = tpu.memref_slice %arg2[%dma_start3A_178, %dma_start3A_179] : memref<8192x1024xf32, #tpu.memory_space<hbm>> -> memref<8192x1024xf32, #tpu.memory_space<hbm>>
    tpu.enqueue_indirect_dma source(%dma_start3A_180 : memref<8192x1024xf32, #tpu.memory_space<hbm>>) target(%arg9 : memref<16x1024xf32, #tpu.memory_space<vmem>>) offsets(%dma_start3A_177 : memref<16xi32, #tpu.memory_space<vmem>>) semaphore(%arg16 : memref<!tpu.dma_semaphore, #tpu.memory_space<semaphore_mem>>)
    %dma_wait3A_181 = arith.constant 96 : i32
    %dma_wait3A_182 = tpu.memref_slice %arg5[%dma_wait3A_181] : memref<256xi32, #tpu.memory_space<vmem>> -> memref<16xi32, #tpu.memory_space<vmem>>
    %dma_wait3A_183 = arith.constant 0 : i32
    %dma_wait3A_184 = arith.constant 0 : i32
    %dma_wait3A_185 = tpu.memref_slice %arg2[%dma_wait3A_183, %dma_wait3A_184] : memref<8192x1024xf32, #tpu.memory_space<hbm>> -> memref<8192x1024xf32, #tpu.memory_space<hbm>>
    tpu.wait_indirect_dma semaphore(%arg19 : memref<!tpu.dma_semaphore, #tpu.memory_space<semaphore_mem>>) src(%dma_wait3A_185 : memref<8192x1024xf32, #tpu.memory_space<hbm>>) dst(%arg12 : memref<16x1024xf32, #tpu.memory_space<vmem>>)
    %parallel_loop3A_186 = arith.constant 0 : i32
    %parallel_loop3A_187 = arith.constant 1024 : i32
    %parallel_loop3A_188 = arith.constant 1 : i32
    scf.for %parallel_loop3A_394 = %parallel_loop3A_186 to %parallel_loop3A_187 step %parallel_loop3A_188  : i32 {
      %parallel_loop3A_395 = arith.constant 64 : i32
      %parallel_loop3A_396 = arith.divsi %parallel_loop3A_394, %parallel_loop3A_395 : i32
      %parallel_loop3A_397 = arith.constant 0 : i32
      %parallel_loop3A_398 = arith.cmpi sgt, %parallel_loop3A_394, %parallel_loop3A_397 : i32
      %parallel_loop3A_399 = arith.extui %parallel_loop3A_398 : i1 to i32
      %parallel_loop3A_400 = arith.constant 0 : i32
      %parallel_loop3A_401 = arith.cmpi slt, %parallel_loop3A_394, %parallel_loop3A_400 : i32
      %parallel_loop3A_402 = arith.extui %parallel_loop3A_401 : i1 to i32
      %parallel_loop3A_403 = arith.subi %parallel_loop3A_399, %parallel_loop3A_402 : i32
      %parallel_loop3A_404 = arith.constant 0 : i32
      %parallel_loop3A_405 = arith.cmpi sgt, %parallel_loop3A_395, %parallel_loop3A_404 : i32
      %parallel_loop3A_406 = arith.extui %parallel_loop3A_405 : i1 to i32
      %parallel_loop3A_407 = arith.constant 0 : i32
      %parallel_loop3A_408 = arith.cmpi slt, %parallel_loop3A_395, %parallel_loop3A_407 : i32
      %parallel_loop3A_409 = arith.extui %parallel_loop3A_408 : i1 to i32
      %parallel_loop3A_410 = arith.subi %parallel_loop3A_406, %parallel_loop3A_409 : i32
      %parallel_loop3A_411 = arith.cmpi ne, %parallel_loop3A_403, %parallel_loop3A_410 : i32
      %parallel_loop3A_412 = arith.remsi %parallel_loop3A_394, %parallel_loop3A_395 : i32
      %parallel_loop3A_413 = arith.constant 0 : i32
      %parallel_loop3A_414 = arith.cmpi ne, %parallel_loop3A_412, %parallel_loop3A_413 : i32
      %parallel_loop3A_415 = arith.andi %parallel_loop3A_411, %parallel_loop3A_414 : i1
      %parallel_loop3A_416 = arith.constant 1 : i32
      %parallel_loop3A_417 = arith.subi %parallel_loop3A_396, %parallel_loop3A_416 : i32
      %parallel_loop3A_418 = arith.select %parallel_loop3A_415, %parallel_loop3A_417, %parallel_loop3A_396 : i32
      %parallel_loop3A_419 = arith.constant 64 : i32
      %parallel_loop3A_420 = arith.constant 0 : i32
      %parallel_loop3A_421 = arith.cmpi eq, %parallel_loop3A_419, %parallel_loop3A_420 : i32
      %parallel_loop3A_422 = arith.constant 1 : i32
      %parallel_loop3A_423 = arith.select %parallel_loop3A_421, %parallel_loop3A_422, %parallel_loop3A_419 : i32
      %parallel_loop3A_424 = arith.remsi %parallel_loop3A_394, %parallel_loop3A_423 : i32
      %parallel_loop3A_425 = arith.constant 0 : i32
      %parallel_loop3A_426 = arith.cmpi ne, %parallel_loop3A_424, %parallel_loop3A_425 : i32
      %parallel_loop3A_427 = arith.constant 0 : i32
      %parallel_loop3A_428 = arith.cmpi slt, %parallel_loop3A_424, %parallel_loop3A_427 : i32
      %parallel_loop3A_429 = arith.constant 0 : i32
      %parallel_loop3A_430 = arith.cmpi slt, %parallel_loop3A_423, %parallel_loop3A_429 : i32
      %parallel_loop3A_431 = arith.xori %parallel_loop3A_428, %parallel_loop3A_430 : i1
      %parallel_loop3A_432 = arith.andi %parallel_loop3A_431, %parallel_loop3A_426 : i1
      %parallel_loop3A_433 = arith.addi %parallel_loop3A_424, %parallel_loop3A_423 : i32
      %parallel_loop3A_434 = arith.select %parallel_loop3A_432, %parallel_loop3A_433, %parallel_loop3A_424 : i32
      %parallel_loop3A_435 = arith.constant 16 : i32
      %parallel_loop3A_436 = arith.muli %parallel_loop3A_434, %parallel_loop3A_435 : i32
      %parallel_loop3A_437 = arith.index_cast %parallel_loop3A_418 : i32 to index
      %parallel_loop3A_438 = arith.index_cast %parallel_loop3A_436 : i32 to index
      %parallel_loop3A_439 = tpu.vector_load %arg12[%parallel_loop3A_437, %parallel_loop3A_438] {strides = array<i32>} : memref<16x1024xf32, #tpu.memory_space<vmem>>, vector<1x16xf32>,
      %parallel_loop3A_440 = vector.shape_cast %parallel_loop3A_439 : vector<1x16xf32> to vector<16xf32>
      %parallel_loop3A_441 = arith.constant 3.125000e-02 : f32
      %parallel_loop3A_442 = vector.broadcast %parallel_loop3A_441 : f32 to vector<16xf32>
      %parallel_loop3A_443 = arith.mulf %parallel_loop3A_440, %parallel_loop3A_442 : vector<16xf32>
      %parallel_loop3A_444 = arith.index_cast %parallel_loop3A_418 : i32 to index
      %parallel_loop3A_445 = arith.index_cast %parallel_loop3A_436 : i32 to index
      %parallel_loop3A_446 = tpu.vector_load %arg12[%parallel_loop3A_444, %parallel_loop3A_445] {strides = array<i32>} : memref<16x1024xf32, #tpu.memory_space<vmem>>, vector<1x16xf32>,
      %parallel_loop3A_447 = vector.shape_cast %parallel_loop3A_446 : vector<1x16xf32> to vector<16xf32>
      %parallel_loop3A_448 = vector.shape_cast %parallel_loop3A_443 : vector<16xf32> to vector<1x16xf32>
      tpu.vector_store %arg12[%parallel_loop3A_444, %parallel_loop3A_445], %parallel_loop3A_448 {strides = array<i32>} : memref<16x1024xf32, #tpu.memory_space<vmem>>, vector<1x16xf32>,
    } {sc.loop_unroll_factor = 16 : i64, sc.parallel_access}
    %add3A_189 = arith.constant 96 : i32
    %add3A_190 = arith.addi %mul3A_2, %add3A_189 : i32
    %dma_start3A_191 = arith.constant 0 : i32
    %dma_start3A_192 = tpu.memref_slice %arg4[%add3A_190, %dma_start3A_191] : memref<8192x1024xf32, #tpu.memory_space<hbm>> -> memref<16x1024xf32, #tpu.memory_space<hbm>>
    %dma_start3A_193 = arith.constant 0 : i32
    %dma_start3A_194 = tpu.memref_slice %arg4[%add3A_190, %dma_start3A_193] : memref<8192x1024xf32, #tpu.memory_space<hbm>> -> memref<16x1024xf32, #tpu.memory_space<hbm>>
    tpu.enqueue_dma source(%arg12 : memref<16x1024xf32, #tpu.memory_space<vmem>>) target(%dma_start3A_194 : memref<16x1024xf32, #tpu.memory_space<hbm>>) target_semaphore(%arg26 : memref<!tpu.dma_semaphore, #tpu.memory_space<semaphore_mem>>)
    %dma_wait3A_195 = arith.constant 0 : i32
    %dma_wait3A_196 = tpu.memref_slice %arg4[%add3A_144, %dma_wait3A_195] : memref<8192x1024xf32, #tpu.memory_space<hbm>> -> memref<16x1024xf32, #tpu.memory_space<hbm>>
    %dma_wait3A_197 = arith.constant 0 : i32
    %dma_wait3A_198 = tpu.memref_slice %arg4[%add3A_144, %dma_wait3A_197] : memref<8192x1024xf32, #tpu.memory_space<hbm>> -> memref<16x1024xf32, #tpu.memory_space<hbm>>
    tpu.wait_dma2 semaphore(%arg24 : memref<!tpu.dma_semaphore, #tpu.memory_space<semaphore_mem>>) src(%arg10 : memref<16x1024xf32, #tpu.memory_space<vmem>>) dst(%dma_wait3A_198 : memref<16x1024xf32, #tpu.memory_space<hbm>>)
    %dma_start3A_199 = arith.constant 176 : i32
    %dma_start3A_200 = tpu.memref_slice %arg5[%dma_start3A_199] : memref<256xi32, #tpu.memory_space<vmem>> -> memref<16xi32, #tpu.memory_space<vmem>>
    %dma_start3A_201 = arith.constant 0 : i32
    %dma_start3A_202 = arith.constant 0 : i32
    %dma_start3A_203 = tpu.memref_slice %arg2[%dma_start3A_201, %dma_start3A_202] : memref<8192x1024xf32, #tpu.memory_space<hbm>> -> memref<8192x1024xf32, #tpu.memory_space<hbm>>
    tpu.enqueue_indirect_dma source(%dma_start3A_203 : memref<8192x1024xf32, #tpu.memory_space<hbm>>) target(%arg10 : memref<16x1024xf32, #tpu.memory_space<vmem>>) offsets(%dma_start3A_200 : memref<16xi32, #tpu.memory_space<vmem>>) semaphore(%arg17 : memref<!tpu.dma_semaphore, #tpu.memory_space<semaphore_mem>>)
    %dma_wait3A_204 = arith.constant 112 : i32
    %dma_wait3A_205 = tpu.memref_slice %arg5[%dma_wait3A_204] : memref<256xi32, #tpu.memory_space<vmem>> -> memref<16xi32, #tpu.memory_space<vmem>>
    %dma_wait3A_206 = arith.constant 0 : i32
    %dma_wait3A_207 = arith.constant 0 : i32
    %dma_wait3A_208 = tpu.memref_slice %arg2[%dma_wait3A_206, %dma_wait3A_207] : memref<8192x1024xf32, #tpu.memory_space<hbm>> -> memref<8192x1024xf32, #tpu.memory_space<hbm>>
    tpu.wait_indirect_dma semaphore(%arg13 : memref<!tpu.dma_semaphore, #tpu.memory_space<semaphore_mem>>) src(%dma_wait3A_208 : memref<8192x1024xf32, #tpu.memory_space<hbm>>) dst(%arg6 : memref<16x1024xf32, #tpu.memory_space<vmem>>)
    %parallel_loop3A_209 = arith.constant 0 : i32
    %parallel_loop3A_210 = arith.constant 1024 : i32
    %parallel_loop3A_211 = arith.constant 1 : i32
    scf.for %parallel_loop3A_394 = %parallel_loop3A_209 to %parallel_loop3A_210 step %parallel_loop3A_211  : i32 {
      %parallel_loop3A_395 = arith.constant 64 : i32
      %parallel_loop3A_396 = arith.divsi %parallel_loop3A_394, %parallel_loop3A_395 : i32
      %parallel_loop3A_397 = arith.constant 0 : i32
      %parallel_loop3A_398 = arith.cmpi sgt, %parallel_loop3A_394, %parallel_loop3A_397 : i32
      %parallel_loop3A_399 = arith.extui %parallel_loop3A_398 : i1 to i32
      %parallel_loop3A_400 = arith.constant 0 : i32
      %parallel_loop3A_401 = arith.cmpi slt, %parallel_loop3A_394, %parallel_loop3A_400 : i32
      %parallel_loop3A_402 = arith.extui %parallel_loop3A_401 : i1 to i32
      %parallel_loop3A_403 = arith.subi %parallel_loop3A_399, %parallel_loop3A_402 : i32
      %parallel_loop3A_404 = arith.constant 0 : i32
      %parallel_loop3A_405 = arith.cmpi sgt, %parallel_loop3A_395, %parallel_loop3A_404 : i32
      %parallel_loop3A_406 = arith.extui %parallel_loop3A_405 : i1 to i32
      %parallel_loop3A_407 = arith.constant 0 : i32
      %parallel_loop3A_408 = arith.cmpi slt, %parallel_loop3A_395, %parallel_loop3A_407 : i32
      %parallel_loop3A_409 = arith.extui %parallel_loop3A_408 : i1 to i32
      %parallel_loop3A_410 = arith.subi %parallel_loop3A_406, %parallel_loop3A_409 : i32
      %parallel_loop3A_411 = arith.cmpi ne, %parallel_loop3A_403, %parallel_loop3A_410 : i32
      %parallel_loop3A_412 = arith.remsi %parallel_loop3A_394, %parallel_loop3A_395 : i32
      %parallel_loop3A_413 = arith.constant 0 : i32
      %parallel_loop3A_414 = arith.cmpi ne, %parallel_loop3A_412, %parallel_loop3A_413 : i32
      %parallel_loop3A_415 = arith.andi %parallel_loop3A_411, %parallel_loop3A_414 : i1
      %parallel_loop3A_416 = arith.constant 1 : i32
      %parallel_loop3A_417 = arith.subi %parallel_loop3A_396, %parallel_loop3A_416 : i32
      %parallel_loop3A_418 = arith.select %parallel_loop3A_415, %parallel_loop3A_417, %parallel_loop3A_396 : i32
      %parallel_loop3A_419 = arith.constant 64 : i32
      %parallel_loop3A_420 = arith.constant 0 : i32
      %parallel_loop3A_421 = arith.cmpi eq, %parallel_loop3A_419, %parallel_loop3A_420 : i32
      %parallel_loop3A_422 = arith.constant 1 : i32
      %parallel_loop3A_423 = arith.select %parallel_loop3A_421, %parallel_loop3A_422, %parallel_loop3A_419 : i32
      %parallel_loop3A_424 = arith.remsi %parallel_loop3A_394, %parallel_loop3A_423 : i32
      %parallel_loop3A_425 = arith.constant 0 : i32
      %parallel_loop3A_426 = arith.cmpi ne, %parallel_loop3A_424, %parallel_loop3A_425 : i32
      %parallel_loop3A_427 = arith.constant 0 : i32
      %parallel_loop3A_428 = arith.cmpi slt, %parallel_loop3A_424, %parallel_loop3A_427 : i32
      %parallel_loop3A_429 = arith.constant 0 : i32
      %parallel_loop3A_430 = arith.cmpi slt, %parallel_loop3A_423, %parallel_loop3A_429 : i32
      %parallel_loop3A_431 = arith.xori %parallel_loop3A_428, %parallel_loop3A_430 : i1
      %parallel_loop3A_432 = arith.andi %parallel_loop3A_431, %parallel_loop3A_426 : i1
      %parallel_loop3A_433 = arith.addi %parallel_loop3A_424, %parallel_loop3A_423 : i32
      %parallel_loop3A_434 = arith.select %parallel_loop3A_432, %parallel_loop3A_433, %parallel_loop3A_424 : i32
      %parallel_loop3A_435 = arith.constant 16 : i32
      %parallel_loop3A_436 = arith.muli %parallel_loop3A_434, %parallel_loop3A_435 : i32
      %parallel_loop3A_437 = arith.index_cast %parallel_loop3A_418 : i32 to index
      %parallel_loop3A_438 = arith.index_cast %parallel_loop3A_436 : i32 to index
      %parallel_loop3A_439 = tpu.vector_load %arg6[%parallel_loop3A_437, %parallel_loop3A_438] {strides = array<i32>} : memref<16x1024xf32, #tpu.memory_space<vmem>>, vector<1x16xf32>,
      %parallel_loop3A_440 = vector.shape_cast %parallel_loop3A_439 : vector<1x16xf32> to vector<16xf32>
      %parallel_loop3A_441 = arith.constant 3.125000e-02 : f32
      %parallel_loop3A_442 = vector.broadcast %parallel_loop3A_441 : f32 to vector<16xf32>
      %parallel_loop3A_443 = arith.mulf %parallel_loop3A_440, %parallel_loop3A_442 : vector<16xf32>
      %parallel_loop3A_444 = arith.index_cast %parallel_loop3A_418 : i32 to index
      %parallel_loop3A_445 = arith.index_cast %parallel_loop3A_436 : i32 to index
      %parallel_loop3A_446 = tpu.vector_load %arg6[%parallel_loop3A_444, %parallel_loop3A_445] {strides = array<i32>} : memref<16x1024xf32, #tpu.memory_space<vmem>>, vector<1x16xf32>,
      %parallel_loop3A_447 = vector.shape_cast %parallel_loop3A_446 : vector<1x16xf32> to vector<16xf32>
      %parallel_loop3A_448 = vector.shape_cast %parallel_loop3A_443 : vector<16xf32> to vector<1x16xf32>
      tpu.vector_store %arg6[%parallel_loop3A_444, %parallel_loop3A_445], %parallel_loop3A_448 {strides = array<i32>} : memref<16x1024xf32, #tpu.memory_space<vmem>>, vector<1x16xf32>,
    } {sc.loop_unroll_factor = 16 : i64, sc.parallel_access}
    %add3A_212 = arith.constant 112 : i32
    %add3A_213 = arith.addi %mul3A_2, %add3A_212 : i32
    %dma_start3A_214 = arith.constant 0 : i32
    %dma_start3A_215 = tpu.memref_slice %arg4[%add3A_213, %dma_start3A_214] : memref<8192x1024xf32, #tpu.memory_space<hbm>> -> memref<16x1024xf32, #tpu.memory_space<hbm>>
    %dma_start3A_216 = arith.constant 0 : i32
    %dma_start3A_217 = tpu.memref_slice %arg4[%add3A_213, %dma_start3A_216] : memref<8192x1024xf32, #tpu.memory_space<hbm>> -> memref<16x1024xf32, #tpu.memory_space<hbm>>
    tpu.enqueue_dma source(%arg6 : memref<16x1024xf32, #tpu.memory_space<vmem>>) target(%dma_start3A_217 : memref<16x1024xf32, #tpu.memory_space<hbm>>) target_semaphore(%arg20 : memref<!tpu.dma_semaphore, #tpu.memory_space<semaphore_mem>>)
    %dma_wait3A_218 = arith.constant 0 : i32
    %dma_wait3A_219 = tpu.memref_slice %arg4[%add3A_167, %dma_wait3A_218] : memref<8192x1024xf32, #tpu.memory_space<hbm>> -> memref<16x1024xf32, #tpu.memory_space<hbm>>
    %dma_wait3A_220 = arith.constant 0 : i32
    %dma_wait3A_221 = tpu.memref_slice %arg4[%add3A_167, %dma_wait3A_220] : memref<8192x1024xf32, #tpu.memory_space<hbm>> -> memref<16x1024xf32, #tpu.memory_space<hbm>>
    tpu.wait_dma2 semaphore(%arg25 : memref<!tpu.dma_semaphore, #tpu.memory_space<semaphore_mem>>) src(%arg11 : memref<16x1024xf32, #tpu.memory_space<vmem>>) dst(%dma_wait3A_221 : memref<16x1024xf32, #tpu.memory_space<hbm>>)
    %dma_start3A_222 = arith.constant 192 : i32
    %dma_start3A_223 = tpu.memref_slice %arg5[%dma_start3A_222] : memref<256xi32, #tpu.memory_space<vmem>> -> memref<16xi32, #tpu.memory_space<vmem>>
    %dma_start3A_224 = arith.constant 0 : i32
    %dma_start3A_225 = arith.constant 0 : i32
    %dma_start3A_226 = tpu.memref_slice %arg2[%dma_start3A_224, %dma_start3A_225] : memref<8192x1024xf32, #tpu.memory_space<hbm>> -> memref<8192x1024xf32, #tpu.memory_space<hbm>>
    tpu.enqueue_indirect_dma source(%dma_start3A_226 : memref<8192x1024xf32, #tpu.memory_space<hbm>>) target(%arg11 : memref<16x1024xf32, #tpu.memory_space<vmem>>) offsets(%dma_start3A_223 : memref<16xi32, #tpu.memory_space<vmem>>) semaphore(%arg18 : memref<!tpu.dma_semaphore, #tpu.memory_space<semaphore_mem>>)
    %dma_wait3A_227 = arith.constant 128 : i32
    %dma_wait3A_228 = tpu.memref_slice %arg5[%dma_wait3A_227] : memref<256xi32, #tpu.memory_space<vmem>> -> memref<16xi32, #tpu.memory_space<vmem>>
    %dma_wait3A_229 = arith.constant 0 : i32
    %dma_wait3A_230 = arith.constant 0 : i32
    %dma_wait3A_231 = tpu.memref_slice %arg2[%dma_wait3A_229, %dma_wait3A_230] : memref<8192x1024xf32, #tpu.memory_space<hbm>> -> memref<8192x1024xf32, #tpu.memory_space<hbm>>
    tpu.wait_indirect_dma semaphore(%arg14 : memref<!tpu.dma_semaphore, #tpu.memory_space<semaphore_mem>>) src(%dma_wait3A_231 : memref<8192x1024xf32, #tpu.memory_space<hbm>>) dst(%arg7 : memref<16x1024xf32, #tpu.memory_space<vmem>>)
    %parallel_loop3A_232 = arith.constant 0 : i32
    %parallel_loop3A_233 = arith.constant 1024 : i32
    %parallel_loop3A_234 = arith.constant 1 : i32
    scf.for %parallel_loop3A_394 = %parallel_loop3A_232 to %parallel_loop3A_233 step %parallel_loop3A_234  : i32 {
      %parallel_loop3A_395 = arith.constant 64 : i32
      %parallel_loop3A_396 = arith.divsi %parallel_loop3A_394, %parallel_loop3A_395 : i32
      %parallel_loop3A_397 = arith.constant 0 : i32
      %parallel_loop3A_398 = arith.cmpi sgt, %parallel_loop3A_394, %parallel_loop3A_397 : i32
      %parallel_loop3A_399 = arith.extui %parallel_loop3A_398 : i1 to i32
      %parallel_loop3A_400 = arith.constant 0 : i32
      %parallel_loop3A_401 = arith.cmpi slt, %parallel_loop3A_394, %parallel_loop3A_400 : i32
      %parallel_loop3A_402 = arith.extui %parallel_loop3A_401 : i1 to i32
      %parallel_loop3A_403 = arith.subi %parallel_loop3A_399, %parallel_loop3A_402 : i32
      %parallel_loop3A_404 = arith.constant 0 : i32
      %parallel_loop3A_405 = arith.cmpi sgt, %parallel_loop3A_395, %parallel_loop3A_404 : i32
      %parallel_loop3A_406 = arith.extui %parallel_loop3A_405 : i1 to i32
      %parallel_loop3A_407 = arith.constant 0 : i32
      %parallel_loop3A_408 = arith.cmpi slt, %parallel_loop3A_395, %parallel_loop3A_407 : i32
      %parallel_loop3A_409 = arith.extui %parallel_loop3A_408 : i1 to i32
      %parallel_loop3A_410 = arith.subi %parallel_loop3A_406, %parallel_loop3A_409 : i32
      %parallel_loop3A_411 = arith.cmpi ne, %parallel_loop3A_403, %parallel_loop3A_410 : i32
      %parallel_loop3A_412 = arith.remsi %parallel_loop3A_394, %parallel_loop3A_395 : i32
      %parallel_loop3A_413 = arith.constant 0 : i32
      %parallel_loop3A_414 = arith.cmpi ne, %parallel_loop3A_412, %parallel_loop3A_413 : i32
      %parallel_loop3A_415 = arith.andi %parallel_loop3A_411, %parallel_loop3A_414 : i1
      %parallel_loop3A_416 = arith.constant 1 : i32
      %parallel_loop3A_417 = arith.subi %parallel_loop3A_396, %parallel_loop3A_416 : i32
      %parallel_loop3A_418 = arith.select %parallel_loop3A_415, %parallel_loop3A_417, %parallel_loop3A_396 : i32
      %parallel_loop3A_419 = arith.constant 64 : i32
      %parallel_loop3A_420 = arith.constant 0 : i32
      %parallel_loop3A_421 = arith.cmpi eq, %parallel_loop3A_419, %parallel_loop3A_420 : i32
      %parallel_loop3A_422 = arith.constant 1 : i32
      %parallel_loop3A_423 = arith.select %parallel_loop3A_421, %parallel_loop3A_422, %parallel_loop3A_419 : i32
      %parallel_loop3A_424 = arith.remsi %parallel_loop3A_394, %parallel_loop3A_423 : i32
      %parallel_loop3A_425 = arith.constant 0 : i32
      %parallel_loop3A_426 = arith.cmpi ne, %parallel_loop3A_424, %parallel_loop3A_425 : i32
      %parallel_loop3A_427 = arith.constant 0 : i32
      %parallel_loop3A_428 = arith.cmpi slt, %parallel_loop3A_424, %parallel_loop3A_427 : i32
      %parallel_loop3A_429 = arith.constant 0 : i32
      %parallel_loop3A_430 = arith.cmpi slt, %parallel_loop3A_423, %parallel_loop3A_429 : i32
      %parallel_loop3A_431 = arith.xori %parallel_loop3A_428, %parallel_loop3A_430 : i1
      %parallel_loop3A_432 = arith.andi %parallel_loop3A_431, %parallel_loop3A_426 : i1
      %parallel_loop3A_433 = arith.addi %parallel_loop3A_424, %parallel_loop3A_423 : i32
      %parallel_loop3A_434 = arith.select %parallel_loop3A_432, %parallel_loop3A_433, %parallel_loop3A_424 : i32
      %parallel_loop3A_435 = arith.constant 16 : i32
      %parallel_loop3A_436 = arith.muli %parallel_loop3A_434, %parallel_loop3A_435 : i32
      %parallel_loop3A_437 = arith.index_cast %parallel_loop3A_418 : i32 to index
      %parallel_loop3A_438 = arith.index_cast %parallel_loop3A_436 : i32 to index
      %parallel_loop3A_439 = tpu.vector_load %arg7[%parallel_loop3A_437, %parallel_loop3A_438] {strides = array<i32>} : memref<16x1024xf32, #tpu.memory_space<vmem>>, vector<1x16xf32>,
      %parallel_loop3A_440 = vector.shape_cast %parallel_loop3A_439 : vector<1x16xf32> to vector<16xf32>
      %parallel_loop3A_441 = arith.constant 3.125000e-02 : f32
      %parallel_loop3A_442 = vector.broadcast %parallel_loop3A_441 : f32 to vector<16xf32>
      %parallel_loop3A_443 = arith.mulf %parallel_loop3A_440, %parallel_loop3A_442 : vector<16xf32>
      %parallel_loop3A_444 = arith.index_cast %parallel_loop3A_418 : i32 to index
      %parallel_loop3A_445 = arith.index_cast %parallel_loop3A_436 : i32 to index
      %parallel_loop3A_446 = tpu.vector_load %arg7[%parallel_loop3A_444, %parallel_loop3A_445] {strides = array<i32>} : memref<16x1024xf32, #tpu.memory_space<vmem>>, vector<1x16xf32>,
      %parallel_loop3A_447 = vector.shape_cast %parallel_loop3A_446 : vector<1x16xf32> to vector<16xf32>
      %parallel_loop3A_448 = vector.shape_cast %parallel_loop3A_443 : vector<16xf32> to vector<1x16xf32>
      tpu.vector_store %arg7[%parallel_loop3A_444, %parallel_loop3A_445], %parallel_loop3A_448 {strides = array<i32>} : memref<16x1024xf32, #tpu.memory_space<vmem>>, vector<1x16xf32>,
    } {sc.loop_unroll_factor = 16 : i64, sc.parallel_access}
    %add3A_235 = arith.constant 128 : i32
    %add3A_236 = arith.addi %mul3A_2, %add3A_235 : i32
    %dma_start3A_237 = arith.constant 0 : i32
    %dma_start3A_238 = tpu.memref_slice %arg4[%add3A_236, %dma_start3A_237] : memref<8192x1024xf32, #tpu.memory_space<hbm>> -> memref<16x1024xf32, #tpu.memory_space<hbm>>
    %dma_start3A_239 = arith.constant 0 : i32
    %dma_start3A_240 = tpu.memref_slice %arg4[%add3A_236, %dma_start3A_239] : memref<8192x1024xf32, #tpu.memory_space<hbm>> -> memref<16x1024xf32, #tpu.memory_space<hbm>>
    tpu.enqueue_dma source(%arg7 : memref<16x1024xf32, #tpu.memory_space<vmem>>) target(%dma_start3A_240 : memref<16x1024xf32, #tpu.memory_space<hbm>>) target_semaphore(%arg21 : memref<!tpu.dma_semaphore, #tpu.memory_space<semaphore_mem>>)
    %dma_wait3A_241 = arith.constant 0 : i32
    %dma_wait3A_242 = tpu.memref_slice %arg4[%add3A_190, %dma_wait3A_241] : memref<8192x1024xf32, #tpu.memory_space<hbm>> -> memref<16x1024xf32, #tpu.memory_space<hbm>>
    %dma_wait3A_243 = arith.constant 0 : i32
    %dma_wait3A_244 = tpu.memref_slice %arg4[%add3A_190, %dma_wait3A_243] : memref<8192x1024xf32, #tpu.memory_space<hbm>> -> memref<16x1024xf32, #tpu.memory_space<hbm>>
    tpu.wait_dma2 semaphore(%arg26 : memref<!tpu.dma_semaphore, #tpu.memory_space<semaphore_mem>>) src(%arg12 : memref<16x1024xf32, #tpu.memory_space<vmem>>) dst(%dma_wait3A_244 : memref<16x1024xf32, #tpu.memory_space<hbm>>)
    %dma_start3A_245 = arith.constant 208 : i32
    %dma_start3A_246 = tpu.memref_slice %arg5[%dma_start3A_245] : memref<256xi32, #tpu.memory_space<vmem>> -> memref<16xi32, #tpu.memory_space<vmem>>
    %dma_start3A_247 = arith.constant 0 : i32
    %dma_start3A_248 = arith.constant 0 : i32
    %dma_start3A_249 = tpu.memref_slice %arg2[%dma_start3A_247, %dma_start3A_248] : memref<8192x1024xf32, #tpu.memory_space<hbm>> -> memref<8192x1024xf32, #tpu.memory_space<hbm>>
    tpu.enqueue_indirect_dma source(%dma_start3A_249 : memref<8192x1024xf32, #tpu.memory_space<hbm>>) target(%arg12 : memref<16x1024xf32, #tpu.memory_space<vmem>>) offsets(%dma_start3A_246 : memref<16xi32, #tpu.memory_space<vmem>>) semaphore(%arg19 : memref<!tpu.dma_semaphore, #tpu.memory_space<semaphore_mem>>)
    %dma_wait3A_250 = arith.constant 144 : i32
    %dma_wait3A_251 = tpu.memref_slice %arg5[%dma_wait3A_250] : memref<256xi32, #tpu.memory_space<vmem>> -> memref<16xi32, #tpu.memory_space<vmem>>
    %dma_wait3A_252 = arith.constant 0 : i32
    %dma_wait3A_253 = arith.constant 0 : i32
    %dma_wait3A_254 = tpu.memref_slice %arg2[%dma_wait3A_252, %dma_wait3A_253] : memref<8192x1024xf32, #tpu.memory_space<hbm>> -> memref<8192x1024xf32, #tpu.memory_space<hbm>>
    tpu.wait_indirect_dma semaphore(%arg15 : memref<!tpu.dma_semaphore, #tpu.memory_space<semaphore_mem>>) src(%dma_wait3A_254 : memref<8192x1024xf32, #tpu.memory_space<hbm>>) dst(%arg8 : memref<16x1024xf32, #tpu.memory_space<vmem>>)
    %parallel_loop3A_255 = arith.constant 0 : i32
    %parallel_loop3A_256 = arith.constant 1024 : i32
    %parallel_loop3A_257 = arith.constant 1 : i32
    scf.for %parallel_loop3A_394 = %parallel_loop3A_255 to %parallel_loop3A_256 step %parallel_loop3A_257  : i32 {
      %parallel_loop3A_395 = arith.constant 64 : i32
      %parallel_loop3A_396 = arith.divsi %parallel_loop3A_394, %parallel_loop3A_395 : i32
      %parallel_loop3A_397 = arith.constant 0 : i32
      %parallel_loop3A_398 = arith.cmpi sgt, %parallel_loop3A_394, %parallel_loop3A_397 : i32
      %parallel_loop3A_399 = arith.extui %parallel_loop3A_398 : i1 to i32
      %parallel_loop3A_400 = arith.constant 0 : i32
      %parallel_loop3A_401 = arith.cmpi slt, %parallel_loop3A_394, %parallel_loop3A_400 : i32
      %parallel_loop3A_402 = arith.extui %parallel_loop3A_401 : i1 to i32
      %parallel_loop3A_403 = arith.subi %parallel_loop3A_399, %parallel_loop3A_402 : i32
      %parallel_loop3A_404 = arith.constant 0 : i32
      %parallel_loop3A_405 = arith.cmpi sgt, %parallel_loop3A_395, %parallel_loop3A_404 : i32
      %parallel_loop3A_406 = arith.extui %parallel_loop3A_405 : i1 to i32
      %parallel_loop3A_407 = arith.constant 0 : i32
      %parallel_loop3A_408 = arith.cmpi slt, %parallel_loop3A_395, %parallel_loop3A_407 : i32
      %parallel_loop3A_409 = arith.extui %parallel_loop3A_408 : i1 to i32
      %parallel_loop3A_410 = arith.subi %parallel_loop3A_406, %parallel_loop3A_409 : i32
      %parallel_loop3A_411 = arith.cmpi ne, %parallel_loop3A_403, %parallel_loop3A_410 : i32
      %parallel_loop3A_412 = arith.remsi %parallel_loop3A_394, %parallel_loop3A_395 : i32
      %parallel_loop3A_413 = arith.constant 0 : i32
      %parallel_loop3A_414 = arith.cmpi ne, %parallel_loop3A_412, %parallel_loop3A_413 : i32
      %parallel_loop3A_415 = arith.andi %parallel_loop3A_411, %parallel_loop3A_414 : i1
      %parallel_loop3A_416 = arith.constant 1 : i32
      %parallel_loop3A_417 = arith.subi %parallel_loop3A_396, %parallel_loop3A_416 : i32
      %parallel_loop3A_418 = arith.select %parallel_loop3A_415, %parallel_loop3A_417, %parallel_loop3A_396 : i32
      %parallel_loop3A_419 = arith.constant 64 : i32
      %parallel_loop3A_420 = arith.constant 0 : i32
      %parallel_loop3A_421 = arith.cmpi eq, %parallel_loop3A_419, %parallel_loop3A_420 : i32
      %parallel_loop3A_422 = arith.constant 1 : i32
      %parallel_loop3A_423 = arith.select %parallel_loop3A_421, %parallel_loop3A_422, %parallel_loop3A_419 : i32
      %parallel_loop3A_424 = arith.remsi %parallel_loop3A_394, %parallel_loop3A_423 : i32
      %parallel_loop3A_425 = arith.constant 0 : i32
      %parallel_loop3A_426 = arith.cmpi ne, %parallel_loop3A_424, %parallel_loop3A_425 : i32
      %parallel_loop3A_427 = arith.constant 0 : i32
      %parallel_loop3A_428 = arith.cmpi slt, %parallel_loop3A_424, %parallel_loop3A_427 : i32
      %parallel_loop3A_429 = arith.constant 0 : i32
      %parallel_loop3A_430 = arith.cmpi slt, %parallel_loop3A_423, %parallel_loop3A_429 : i32
      %parallel_loop3A_431 = arith.xori %parallel_loop3A_428, %parallel_loop3A_430 : i1
      %parallel_loop3A_432 = arith.andi %parallel_loop3A_431, %parallel_loop3A_426 : i1
      %parallel_loop3A_433 = arith.addi %parallel_loop3A_424, %parallel_loop3A_423 : i32
      %parallel_loop3A_434 = arith.select %parallel_loop3A_432, %parallel_loop3A_433, %parallel_loop3A_424 : i32
      %parallel_loop3A_435 = arith.constant 16 : i32
      %parallel_loop3A_436 = arith.muli %parallel_loop3A_434, %parallel_loop3A_435 : i32
      %parallel_loop3A_437 = arith.index_cast %parallel_loop3A_418 : i32 to index
      %parallel_loop3A_438 = arith.index_cast %parallel_loop3A_436 : i32 to index
      %parallel_loop3A_439 = tpu.vector_load %arg8[%parallel_loop3A_437, %parallel_loop3A_438] {strides = array<i32>} : memref<16x1024xf32, #tpu.memory_space<vmem>>, vector<1x16xf32>,
      %parallel_loop3A_440 = vector.shape_cast %parallel_loop3A_439 : vector<1x16xf32> to vector<16xf32>
      %parallel_loop3A_441 = arith.constant 3.125000e-02 : f32
      %parallel_loop3A_442 = vector.broadcast %parallel_loop3A_441 : f32 to vector<16xf32>
      %parallel_loop3A_443 = arith.mulf %parallel_loop3A_440, %parallel_loop3A_442 : vector<16xf32>
      %parallel_loop3A_444 = arith.index_cast %parallel_loop3A_418 : i32 to index
      %parallel_loop3A_445 = arith.index_cast %parallel_loop3A_436 : i32 to index
      %parallel_loop3A_446 = tpu.vector_load %arg8[%parallel_loop3A_444, %parallel_loop3A_445] {strides = array<i32>} : memref<16x1024xf32, #tpu.memory_space<vmem>>, vector<1x16xf32>,
      %parallel_loop3A_447 = vector.shape_cast %parallel_loop3A_446 : vector<1x16xf32> to vector<16xf32>
      %parallel_loop3A_448 = vector.shape_cast %parallel_loop3A_443 : vector<16xf32> to vector<1x16xf32>
      tpu.vector_store %arg8[%parallel_loop3A_444, %parallel_loop3A_445], %parallel_loop3A_448 {strides = array<i32>} : memref<16x1024xf32, #tpu.memory_space<vmem>>, vector<1x16xf32>,
    } {sc.loop_unroll_factor = 16 : i64, sc.parallel_access}
    %add3A_258 = arith.constant 144 : i32
    %add3A_259 = arith.addi %mul3A_2, %add3A_258 : i32
    %dma_start3A_260 = arith.constant 0 : i32
    %dma_start3A_261 = tpu.memref_slice %arg4[%add3A_259, %dma_start3A_260] : memref<8192x1024xf32, #tpu.memory_space<hbm>> -> memref<16x1024xf32, #tpu.memory_space<hbm>>
    %dma_start3A_262 = arith.constant 0 : i32
    %dma_start3A_263 = tpu.memref_slice %arg4[%add3A_259, %dma_start3A_262] : memref<8192x1024xf32, #tpu.memory_space<hbm>> -> memref<16x1024xf32, #tpu.memory_space<hbm>>
    tpu.enqueue_dma source(%arg8 : memref<16x1024xf32, #tpu.memory_space<vmem>>) target(%dma_start3A_263 : memref<16x1024xf32, #tpu.memory_space<hbm>>) target_semaphore(%arg22 : memref<!tpu.dma_semaphore, #tpu.memory_space<semaphore_mem>>)
    %dma_wait3A_264 = arith.constant 0 : i32
    %dma_wait3A_265 = tpu.memref_slice %arg4[%add3A_213, %dma_wait3A_264] : memref<8192x1024xf32, #tpu.memory_space<hbm>> -> memref<16x1024xf32, #tpu.memory_space<hbm>>
    %dma_wait3A_266 = arith.constant 0 : i32
    %dma_wait3A_267 = tpu.memref_slice %arg4[%add3A_213, %dma_wait3A_266] : memref<8192x1024xf32, #tpu.memory_space<hbm>> -> memref<16x1024xf32, #tpu.memory_space<hbm>>
    tpu.wait_dma2 semaphore(%arg20 : memref<!tpu.dma_semaphore, #tpu.memory_space<semaphore_mem>>) src(%arg6 : memref<16x1024xf32, #tpu.memory_space<vmem>>) dst(%dma_wait3A_267 : memref<16x1024xf32, #tpu.memory_space<hbm>>)
    %dma_start3A_268 = arith.constant 224 : i32
    %dma_start3A_269 = tpu.memref_slice %arg5[%dma_start3A_268] : memref<256xi32, #tpu.memory_space<vmem>> -> memref<16xi32, #tpu.memory_space<vmem>>
    %dma_start3A_270 = arith.constant 0 : i32
    %dma_start3A_271 = arith.constant 0 : i32
    %dma_start3A_272 = tpu.memref_slice %arg2[%dma_start3A_270, %dma_start3A_271] : memref<8192x1024xf32, #tpu.memory_space<hbm>> -> memref<8192x1024xf32, #tpu.memory_space<hbm>>
    tpu.enqueue_indirect_dma source(%dma_start3A_272 : memref<8192x1024xf32, #tpu.memory_space<hbm>>) target(%arg6 : memref<16x1024xf32, #tpu.memory_space<vmem>>) offsets(%dma_start3A_269 : memref<16xi32, #tpu.memory_space<vmem>>) semaphore(%arg13 : memref<!tpu.dma_semaphore, #tpu.memory_space<semaphore_mem>>)
    %dma_wait3A_273 = arith.constant 160 : i32
    %dma_wait3A_274 = tpu.memref_slice %arg5[%dma_wait3A_273] : memref<256xi32, #tpu.memory_space<vmem>> -> memref<16xi32, #tpu.memory_space<vmem>>
    %dma_wait3A_275 = arith.constant 0 : i32
    %dma_wait3A_276 = arith.constant 0 : i32
    %dma_wait3A_277 = tpu.memref_slice %arg2[%dma_wait3A_275, %dma_wait3A_276] : memref<8192x1024xf32, #tpu.memory_space<hbm>> -> memref<8192x1024xf32, #tpu.memory_space<hbm>>
    tpu.wait_indirect_dma semaphore(%arg16 : memref<!tpu.dma_semaphore, #tpu.memory_space<semaphore_mem>>) src(%dma_wait3A_277 : memref<8192x1024xf32, #tpu.memory_space<hbm>>) dst(%arg9 : memref<16x1024xf32, #tpu.memory_space<vmem>>)
    %parallel_loop3A_278 = arith.constant 0 : i32
    %parallel_loop3A_279 = arith.constant 1024 : i32
    %parallel_loop3A_280 = arith.constant 1 : i32
    scf.for %parallel_loop3A_394 = %parallel_loop3A_278 to %parallel_loop3A_279 step %parallel_loop3A_280  : i32 {
      %parallel_loop3A_395 = arith.constant 64 : i32
      %parallel_loop3A_396 = arith.divsi %parallel_loop3A_394, %parallel_loop3A_395 : i32
      %parallel_loop3A_397 = arith.constant 0 : i32
      %parallel_loop3A_398 = arith.cmpi sgt, %parallel_loop3A_394, %parallel_loop3A_397 : i32
      %parallel_loop3A_399 = arith.extui %parallel_loop3A_398 : i1 to i32
      %parallel_loop3A_400 = arith.constant 0 : i32
      %parallel_loop3A_401 = arith.cmpi slt, %parallel_loop3A_394, %parallel_loop3A_400 : i32
      %parallel_loop3A_402 = arith.extui %parallel_loop3A_401 : i1 to i32
      %parallel_loop3A_403 = arith.subi %parallel_loop3A_399, %parallel_loop3A_402 : i32
      %parallel_loop3A_404 = arith.constant 0 : i32
      %parallel_loop3A_405 = arith.cmpi sgt, %parallel_loop3A_395, %parallel_loop3A_404 : i32
      %parallel_loop3A_406 = arith.extui %parallel_loop3A_405 : i1 to i32
      %parallel_loop3A_407 = arith.constant 0 : i32
      %parallel_loop3A_408 = arith.cmpi slt, %parallel_loop3A_395, %parallel_loop3A_407 : i32
      %parallel_loop3A_409 = arith.extui %parallel_loop3A_408 : i1 to i32
      %parallel_loop3A_410 = arith.subi %parallel_loop3A_406, %parallel_loop3A_409 : i32
      %parallel_loop3A_411 = arith.cmpi ne, %parallel_loop3A_403, %parallel_loop3A_410 : i32
      %parallel_loop3A_412 = arith.remsi %parallel_loop3A_394, %parallel_loop3A_395 : i32
      %parallel_loop3A_413 = arith.constant 0 : i32
      %parallel_loop3A_414 = arith.cmpi ne, %parallel_loop3A_412, %parallel_loop3A_413 : i32
      %parallel_loop3A_415 = arith.andi %parallel_loop3A_411, %parallel_loop3A_414 : i1
      %parallel_loop3A_416 = arith.constant 1 : i32
      %parallel_loop3A_417 = arith.subi %parallel_loop3A_396, %parallel_loop3A_416 : i32
      %parallel_loop3A_418 = arith.select %parallel_loop3A_415, %parallel_loop3A_417, %parallel_loop3A_396 : i32
      %parallel_loop3A_419 = arith.constant 64 : i32
      %parallel_loop3A_420 = arith.constant 0 : i32
      %parallel_loop3A_421 = arith.cmpi eq, %parallel_loop3A_419, %parallel_loop3A_420 : i32
      %parallel_loop3A_422 = arith.constant 1 : i32
      %parallel_loop3A_423 = arith.select %parallel_loop3A_421, %parallel_loop3A_422, %parallel_loop3A_419 : i32
      %parallel_loop3A_424 = arith.remsi %parallel_loop3A_394, %parallel_loop3A_423 : i32
      %parallel_loop3A_425 = arith.constant 0 : i32
      %parallel_loop3A_426 = arith.cmpi ne, %parallel_loop3A_424, %parallel_loop3A_425 : i32
      %parallel_loop3A_427 = arith.constant 0 : i32
      %parallel_loop3A_428 = arith.cmpi slt, %parallel_loop3A_424, %parallel_loop3A_427 : i32
      %parallel_loop3A_429 = arith.constant 0 : i32
      %parallel_loop3A_430 = arith.cmpi slt, %parallel_loop3A_423, %parallel_loop3A_429 : i32
      %parallel_loop3A_431 = arith.xori %parallel_loop3A_428, %parallel_loop3A_430 : i1
      %parallel_loop3A_432 = arith.andi %parallel_loop3A_431, %parallel_loop3A_426 : i1
      %parallel_loop3A_433 = arith.addi %parallel_loop3A_424, %parallel_loop3A_423 : i32
      %parallel_loop3A_434 = arith.select %parallel_loop3A_432, %parallel_loop3A_433, %parallel_loop3A_424 : i32
      %parallel_loop3A_435 = arith.constant 16 : i32
      %parallel_loop3A_436 = arith.muli %parallel_loop3A_434, %parallel_loop3A_435 : i32
      %parallel_loop3A_437 = arith.index_cast %parallel_loop3A_418 : i32 to index
      %parallel_loop3A_438 = arith.index_cast %parallel_loop3A_436 : i32 to index
      %parallel_loop3A_439 = tpu.vector_load %arg9[%parallel_loop3A_437, %parallel_loop3A_438] {strides = array<i32>} : memref<16x1024xf32, #tpu.memory_space<vmem>>, vector<1x16xf32>,
      %parallel_loop3A_440 = vector.shape_cast %parallel_loop3A_439 : vector<1x16xf32> to vector<16xf32>
      %parallel_loop3A_441 = arith.constant 3.125000e-02 : f32
      %parallel_loop3A_442 = vector.broadcast %parallel_loop3A_441 : f32 to vector<16xf32>
      %parallel_loop3A_443 = arith.mulf %parallel_loop3A_440, %parallel_loop3A_442 : vector<16xf32>
      %parallel_loop3A_444 = arith.index_cast %parallel_loop3A_418 : i32 to index
      %parallel_loop3A_445 = arith.index_cast %parallel_loop3A_436 : i32 to index
      %parallel_loop3A_446 = tpu.vector_load %arg9[%parallel_loop3A_444, %parallel_loop3A_445] {strides = array<i32>} : memref<16x1024xf32, #tpu.memory_space<vmem>>, vector<1x16xf32>,
      %parallel_loop3A_447 = vector.shape_cast %parallel_loop3A_446 : vector<1x16xf32> to vector<16xf32>
      %parallel_loop3A_448 = vector.shape_cast %parallel_loop3A_443 : vector<16xf32> to vector<1x16xf32>
      tpu.vector_store %arg9[%parallel_loop3A_444, %parallel_loop3A_445], %parallel_loop3A_448 {strides = array<i32>} : memref<16x1024xf32, #tpu.memory_space<vmem>>, vector<1x16xf32>,
    } {sc.loop_unroll_factor = 16 : i64, sc.parallel_access}
    %add3A_281 = arith.constant 160 : i32
    %add3A_282 = arith.addi %mul3A_2, %add3A_281 : i32
    %dma_start3A_283 = arith.constant 0 : i32
    %dma_start3A_284 = tpu.memref_slice %arg4[%add3A_282, %dma_start3A_283] : memref<8192x1024xf32, #tpu.memory_space<hbm>> -> memref<16x1024xf32, #tpu.memory_space<hbm>>
    %dma_start3A_285 = arith.constant 0 : i32
    %dma_start3A_286 = tpu.memref_slice %arg4[%add3A_282, %dma_start3A_285] : memref<8192x1024xf32, #tpu.memory_space<hbm>> -> memref<16x1024xf32, #tpu.memory_space<hbm>>
    tpu.enqueue_dma source(%arg9 : memref<16x1024xf32, #tpu.memory_space<vmem>>) target(%dma_start3A_286 : memref<16x1024xf32, #tpu.memory_space<hbm>>) target_semaphore(%arg23 : memref<!tpu.dma_semaphore, #tpu.memory_space<semaphore_mem>>)
    %dma_wait3A_287 = arith.constant 0 : i32
    %dma_wait3A_288 = tpu.memref_slice %arg4[%add3A_236, %dma_wait3A_287] : memref<8192x1024xf32, #tpu.memory_space<hbm>> -> memref<16x1024xf32, #tpu.memory_space<hbm>>
    %dma_wait3A_289 = arith.constant 0 : i32
    %dma_wait3A_290 = tpu.memref_slice %arg4[%add3A_236, %dma_wait3A_289] : memref<8192x1024xf32, #tpu.memory_space<hbm>> -> memref<16x1024xf32, #tpu.memory_space<hbm>>
    tpu.wait_dma2 semaphore(%arg21 : memref<!tpu.dma_semaphore, #tpu.memory_space<semaphore_mem>>) src(%arg7 : memref<16x1024xf32, #tpu.memory_space<vmem>>) dst(%dma_wait3A_290 : memref<16x1024xf32, #tpu.memory_space<hbm>>)
    %dma_start3A_291 = arith.constant 240 : i32
    %dma_start3A_292 = tpu.memref_slice %arg5[%dma_start3A_291] : memref<256xi32, #tpu.memory_space<vmem>> -> memref<16xi32, #tpu.memory_space<vmem>>
    %dma_start3A_293 = arith.constant 0 : i32
    %dma_start3A_294 = arith.constant 0 : i32
    %dma_start3A_295 = tpu.memref_slice %arg2[%dma_start3A_293, %dma_start3A_294] : memref<8192x1024xf32, #tpu.memory_space<hbm>> -> memref<8192x1024xf32, #tpu.memory_space<hbm>>
    tpu.enqueue_indirect_dma source(%dma_start3A_295 : memref<8192x1024xf32, #tpu.memory_space<hbm>>) target(%arg7 : memref<16x1024xf32, #tpu.memory_space<vmem>>) offsets(%dma_start3A_292 : memref<16xi32, #tpu.memory_space<vmem>>) semaphore(%arg14 : memref<!tpu.dma_semaphore, #tpu.memory_space<semaphore_mem>>)
    %dma_wait3A_296 = arith.constant 176 : i32
    %dma_wait3A_297 = tpu.memref_slice %arg5[%dma_wait3A_296] : memref<256xi32, #tpu.memory_space<vmem>> -> memref<16xi32, #tpu.memory_space<vmem>>
    %dma_wait3A_298 = arith.constant 0 : i32
    %dma_wait3A_299 = arith.constant 0 : i32
    %dma_wait3A_300 = tpu.memref_slice %arg2[%dma_wait3A_298, %dma_wait3A_299] : memref<8192x1024xf32, #tpu.memory_space<hbm>> -> memref<8192x1024xf32, #tpu.memory_space<hbm>>
    tpu.wait_indirect_dma semaphore(%arg17 : memref<!tpu.dma_semaphore, #tpu.memory_space<semaphore_mem>>) src(%dma_wait3A_300 : memref<8192x1024xf32, #tpu.memory_space<hbm>>) dst(%arg10 : memref<16x1024xf32, #tpu.memory_space<vmem>>)
    %parallel_loop3A_301 = arith.constant 0 : i32
    %parallel_loop3A_302 = arith.constant 1024 : i32
    %parallel_loop3A_303 = arith.constant 1 : i32
    scf.for %parallel_loop3A_394 = %parallel_loop3A_301 to %parallel_loop3A_302 step %parallel_loop3A_303  : i32 {
      %parallel_loop3A_395 = arith.constant 64 : i32
      %parallel_loop3A_396 = arith.divsi %parallel_loop3A_394, %parallel_loop3A_395 : i32
      %parallel_loop3A_397 = arith.constant 0 : i32
      %parallel_loop3A_398 = arith.cmpi sgt, %parallel_loop3A_394, %parallel_loop3A_397 : i32
      %parallel_loop3A_399 = arith.extui %parallel_loop3A_398 : i1 to i32
      %parallel_loop3A_400 = arith.constant 0 : i32
      %parallel_loop3A_401 = arith.cmpi slt, %parallel_loop3A_394, %parallel_loop3A_400 : i32
      %parallel_loop3A_402 = arith.extui %parallel_loop3A_401 : i1 to i32
      %parallel_loop3A_403 = arith.subi %parallel_loop3A_399, %parallel_loop3A_402 : i32
      %parallel_loop3A_404 = arith.constant 0 : i32
      %parallel_loop3A_405 = arith.cmpi sgt, %parallel_loop3A_395, %parallel_loop3A_404 : i32
      %parallel_loop3A_406 = arith.extui %parallel_loop3A_405 : i1 to i32
      %parallel_loop3A_407 = arith.constant 0 : i32
      %parallel_loop3A_408 = arith.cmpi slt, %parallel_loop3A_395, %parallel_loop3A_407 : i32
      %parallel_loop3A_409 = arith.extui %parallel_loop3A_408 : i1 to i32
      %parallel_loop3A_410 = arith.subi %parallel_loop3A_406, %parallel_loop3A_409 : i32
      %parallel_loop3A_411 = arith.cmpi ne, %parallel_loop3A_403, %parallel_loop3A_410 : i32
      %parallel_loop3A_412 = arith.remsi %parallel_loop3A_394, %parallel_loop3A_395 : i32
      %parallel_loop3A_413 = arith.constant 0 : i32
      %parallel_loop3A_414 = arith.cmpi ne, %parallel_loop3A_412, %parallel_loop3A_413 : i32
      %parallel_loop3A_415 = arith.andi %parallel_loop3A_411, %parallel_loop3A_414 : i1
      %parallel_loop3A_416 = arith.constant 1 : i32
      %parallel_loop3A_417 = arith.subi %parallel_loop3A_396, %parallel_loop3A_416 : i32
      %parallel_loop3A_418 = arith.select %parallel_loop3A_415, %parallel_loop3A_417, %parallel_loop3A_396 : i32
      %parallel_loop3A_419 = arith.constant 64 : i32
      %parallel_loop3A_420 = arith.constant 0 : i32
      %parallel_loop3A_421 = arith.cmpi eq, %parallel_loop3A_419, %parallel_loop3A_420 : i32
      %parallel_loop3A_422 = arith.constant 1 : i32
      %parallel_loop3A_423 = arith.select %parallel_loop3A_421, %parallel_loop3A_422, %parallel_loop3A_419 : i32
      %parallel_loop3A_424 = arith.remsi %parallel_loop3A_394, %parallel_loop3A_423 : i32
      %parallel_loop3A_425 = arith.constant 0 : i32
      %parallel_loop3A_426 = arith.cmpi ne, %parallel_loop3A_424, %parallel_loop3A_425 : i32
      %parallel_loop3A_427 = arith.constant 0 : i32
      %parallel_loop3A_428 = arith.cmpi slt, %parallel_loop3A_424, %parallel_loop3A_427 : i32
      %parallel_loop3A_429 = arith.constant 0 : i32
      %parallel_loop3A_430 = arith.cmpi slt, %parallel_loop3A_423, %parallel_loop3A_429 : i32
      %parallel_loop3A_431 = arith.xori %parallel_loop3A_428, %parallel_loop3A_430 : i1
      %parallel_loop3A_432 = arith.andi %parallel_loop3A_431, %parallel_loop3A_426 : i1
      %parallel_loop3A_433 = arith.addi %parallel_loop3A_424, %parallel_loop3A_423 : i32
      %parallel_loop3A_434 = arith.select %parallel_loop3A_432, %parallel_loop3A_433, %parallel_loop3A_424 : i32
      %parallel_loop3A_435 = arith.constant 16 : i32
      %parallel_loop3A_436 = arith.muli %parallel_loop3A_434, %parallel_loop3A_435 : i32
      %parallel_loop3A_437 = arith.index_cast %parallel_loop3A_418 : i32 to index
      %parallel_loop3A_438 = arith.index_cast %parallel_loop3A_436 : i32 to index
      %parallel_loop3A_439 = tpu.vector_load %arg10[%parallel_loop3A_437, %parallel_loop3A_438] {strides = array<i32>} : memref<16x1024xf32, #tpu.memory_space<vmem>>, vector<1x16xf32>,
      %parallel_loop3A_440 = vector.shape_cast %parallel_loop3A_439 : vector<1x16xf32> to vector<16xf32>
      %parallel_loop3A_441 = arith.constant 3.125000e-02 : f32
      %parallel_loop3A_442 = vector.broadcast %parallel_loop3A_441 : f32 to vector<16xf32>
      %parallel_loop3A_443 = arith.mulf %parallel_loop3A_440, %parallel_loop3A_442 : vector<16xf32>
      %parallel_loop3A_444 = arith.index_cast %parallel_loop3A_418 : i32 to index
      %parallel_loop3A_445 = arith.index_cast %parallel_loop3A_436 : i32 to index
      %parallel_loop3A_446 = tpu.vector_load %arg10[%parallel_loop3A_444, %parallel_loop3A_445] {strides = array<i32>} : memref<16x1024xf32, #tpu.memory_space<vmem>>, vector<1x16xf32>,
      %parallel_loop3A_447 = vector.shape_cast %parallel_loop3A_446 : vector<1x16xf32> to vector<16xf32>
      %parallel_loop3A_448 = vector.shape_cast %parallel_loop3A_443 : vector<16xf32> to vector<1x16xf32>
      tpu.vector_store %arg10[%parallel_loop3A_444, %parallel_loop3A_445], %parallel_loop3A_448 {strides = array<i32>} : memref<16x1024xf32, #tpu.memory_space<vmem>>, vector<1x16xf32>,
    } {sc.loop_unroll_factor = 16 : i64, sc.parallel_access}
    %add3A_304 = arith.constant 176 : i32
    %add3A_305 = arith.addi %mul3A_2, %add3A_304 : i32
    %dma_start3A_306 = arith.constant 0 : i32
    %dma_start3A_307 = tpu.memref_slice %arg4[%add3A_305, %dma_start3A_306] : memref<8192x1024xf32, #tpu.memory_space<hbm>> -> memref<16x1024xf32, #tpu.memory_space<hbm>>
    %dma_start3A_308 = arith.constant 0 : i32
    %dma_start3A_309 = tpu.memref_slice %arg4[%add3A_305, %dma_start3A_308] : memref<8192x1024xf32, #tpu.memory_space<hbm>> -> memref<16x1024xf32, #tpu.memory_space<hbm>>
    tpu.enqueue_dma source(%arg10 : memref<16x1024xf32, #tpu.memory_space<vmem>>) target(%dma_start3A_309 : memref<16x1024xf32, #tpu.memory_space<hbm>>) target_semaphore(%arg24 : memref<!tpu.dma_semaphore, #tpu.memory_space<semaphore_mem>>)
    %dma_wait3A_310 = arith.constant 192 : i32
    %dma_wait3A_311 = tpu.memref_slice %arg5[%dma_wait3A_310] : memref<256xi32, #tpu.memory_space<vmem>> -> memref<16xi32, #tpu.memory_space<vmem>>
    %dma_wait3A_312 = arith.constant 0 : i32
    %dma_wait3A_313 = arith.constant 0 : i32
    %dma_wait3A_314 = tpu.memref_slice %arg2[%dma_wait3A_312, %dma_wait3A_313] : memref<8192x1024xf32, #tpu.memory_space<hbm>> -> memref<8192x1024xf32, #tpu.memory_space<hbm>>
    tpu.wait_indirect_dma semaphore(%arg18 : memref<!tpu.dma_semaphore, #tpu.memory_space<semaphore_mem>>) src(%dma_wait3A_314 : memref<8192x1024xf32, #tpu.memory_space<hbm>>) dst(%arg11 : memref<16x1024xf32, #tpu.memory_space<vmem>>)
    %parallel_loop3A_315 = arith.constant 0 : i32
    %parallel_loop3A_316 = arith.constant 1024 : i32
    %parallel_loop3A_317 = arith.constant 1 : i32
    scf.for %parallel_loop3A_394 = %parallel_loop3A_315 to %parallel_loop3A_316 step %parallel_loop3A_317  : i32 {
      %parallel_loop3A_395 = arith.constant 64 : i32
      %parallel_loop3A_396 = arith.divsi %parallel_loop3A_394, %parallel_loop3A_395 : i32
      %parallel_loop3A_397 = arith.constant 0 : i32
      %parallel_loop3A_398 = arith.cmpi sgt, %parallel_loop3A_394, %parallel_loop3A_397 : i32
      %parallel_loop3A_399 = arith.extui %parallel_loop3A_398 : i1 to i32
      %parallel_loop3A_400 = arith.constant 0 : i32
      %parallel_loop3A_401 = arith.cmpi slt, %parallel_loop3A_394, %parallel_loop3A_400 : i32
      %parallel_loop3A_402 = arith.extui %parallel_loop3A_401 : i1 to i32
      %parallel_loop3A_403 = arith.subi %parallel_loop3A_399, %parallel_loop3A_402 : i32
      %parallel_loop3A_404 = arith.constant 0 : i32
      %parallel_loop3A_405 = arith.cmpi sgt, %parallel_loop3A_395, %parallel_loop3A_404 : i32
      %parallel_loop3A_406 = arith.extui %parallel_loop3A_405 : i1 to i32
      %parallel_loop3A_407 = arith.constant 0 : i32
      %parallel_loop3A_408 = arith.cmpi slt, %parallel_loop3A_395, %parallel_loop3A_407 : i32
      %parallel_loop3A_409 = arith.extui %parallel_loop3A_408 : i1 to i32
      %parallel_loop3A_410 = arith.subi %parallel_loop3A_406, %parallel_loop3A_409 : i32
      %parallel_loop3A_411 = arith.cmpi ne, %parallel_loop3A_403, %parallel_loop3A_410 : i32
      %parallel_loop3A_412 = arith.remsi %parallel_loop3A_394, %parallel_loop3A_395 : i32
      %parallel_loop3A_413 = arith.constant 0 : i32
      %parallel_loop3A_414 = arith.cmpi ne, %parallel_loop3A_412, %parallel_loop3A_413 : i32
      %parallel_loop3A_415 = arith.andi %parallel_loop3A_411, %parallel_loop3A_414 : i1
      %parallel_loop3A_416 = arith.constant 1 : i32
      %parallel_loop3A_417 = arith.subi %parallel_loop3A_396, %parallel_loop3A_416 : i32
      %parallel_loop3A_418 = arith.select %parallel_loop3A_415, %parallel_loop3A_417, %parallel_loop3A_396 : i32
      %parallel_loop3A_419 = arith.constant 64 : i32
      %parallel_loop3A_420 = arith.constant 0 : i32
      %parallel_loop3A_421 = arith.cmpi eq, %parallel_loop3A_419, %parallel_loop3A_420 : i32
      %parallel_loop3A_422 = arith.constant 1 : i32
      %parallel_loop3A_423 = arith.select %parallel_loop3A_421, %parallel_loop3A_422, %parallel_loop3A_419 : i32
      %parallel_loop3A_424 = arith.remsi %parallel_loop3A_394, %parallel_loop3A_423 : i32
      %parallel_loop3A_425 = arith.constant 0 : i32
      %parallel_loop3A_426 = arith.cmpi ne, %parallel_loop3A_424, %parallel_loop3A_425 : i32
      %parallel_loop3A_427 = arith.constant 0 : i32
      %parallel_loop3A_428 = arith.cmpi slt, %parallel_loop3A_424, %parallel_loop3A_427 : i32
      %parallel_loop3A_429 = arith.constant 0 : i32
      %parallel_loop3A_430 = arith.cmpi slt, %parallel_loop3A_423, %parallel_loop3A_429 : i32
      %parallel_loop3A_431 = arith.xori %parallel_loop3A_428, %parallel_loop3A_430 : i1
      %parallel_loop3A_432 = arith.andi %parallel_loop3A_431, %parallel_loop3A_426 : i1
      %parallel_loop3A_433 = arith.addi %parallel_loop3A_424, %parallel_loop3A_423 : i32
      %parallel_loop3A_434 = arith.select %parallel_loop3A_432, %parallel_loop3A_433, %parallel_loop3A_424 : i32
      %parallel_loop3A_435 = arith.constant 16 : i32
      %parallel_loop3A_436 = arith.muli %parallel_loop3A_434, %parallel_loop3A_435 : i32
      %parallel_loop3A_437 = arith.index_cast %parallel_loop3A_418 : i32 to index
      %parallel_loop3A_438 = arith.index_cast %parallel_loop3A_436 : i32 to index
      %parallel_loop3A_439 = tpu.vector_load %arg11[%parallel_loop3A_437, %parallel_loop3A_438] {strides = array<i32>} : memref<16x1024xf32, #tpu.memory_space<vmem>>, vector<1x16xf32>,
      %parallel_loop3A_440 = vector.shape_cast %parallel_loop3A_439 : vector<1x16xf32> to vector<16xf32>
      %parallel_loop3A_441 = arith.constant 3.125000e-02 : f32
      %parallel_loop3A_442 = vector.broadcast %parallel_loop3A_441 : f32 to vector<16xf32>
      %parallel_loop3A_443 = arith.mulf %parallel_loop3A_440, %parallel_loop3A_442 : vector<16xf32>
      %parallel_loop3A_444 = arith.index_cast %parallel_loop3A_418 : i32 to index
      %parallel_loop3A_445 = arith.index_cast %parallel_loop3A_436 : i32 to index
      %parallel_loop3A_446 = tpu.vector_load %arg11[%parallel_loop3A_444, %parallel_loop3A_445] {strides = array<i32>} : memref<16x1024xf32, #tpu.memory_space<vmem>>, vector<1x16xf32>,
      %parallel_loop3A_447 = vector.shape_cast %parallel_loop3A_446 : vector<1x16xf32> to vector<16xf32>
      %parallel_loop3A_448 = vector.shape_cast %parallel_loop3A_443 : vector<16xf32> to vector<1x16xf32>
      tpu.vector_store %arg11[%parallel_loop3A_444, %parallel_loop3A_445], %parallel_loop3A_448 {strides = array<i32>} : memref<16x1024xf32, #tpu.memory_space<vmem>>, vector<1x16xf32>,
    } {sc.loop_unroll_factor = 16 : i64, sc.parallel_access}
    %add3A_318 = arith.constant 192 : i32
    %add3A_319 = arith.addi %mul3A_2, %add3A_318 : i32
    %dma_start3A_320 = arith.constant 0 : i32
    %dma_start3A_321 = tpu.memref_slice %arg4[%add3A_319, %dma_start3A_320] : memref<8192x1024xf32, #tpu.memory_space<hbm>> -> memref<16x1024xf32, #tpu.memory_space<hbm>>
    %dma_start3A_322 = arith.constant 0 : i32
    %dma_start3A_323 = tpu.memref_slice %arg4[%add3A_319, %dma_start3A_322] : memref<8192x1024xf32, #tpu.memory_space<hbm>> -> memref<16x1024xf32, #tpu.memory_space<hbm>>
    tpu.enqueue_dma source(%arg11 : memref<16x1024xf32, #tpu.memory_space<vmem>>) target(%dma_start3A_323 : memref<16x1024xf32, #tpu.memory_space<hbm>>) target_semaphore(%arg25 : memref<!tpu.dma_semaphore, #tpu.memory_space<semaphore_mem>>)
    %dma_wait3A_324 = arith.constant 208 : i32
    %dma_wait3A_325 = tpu.memref_slice %arg5[%dma_wait3A_324] : memref<256xi32, #tpu.memory_space<vmem>> -> memref<16xi32, #tpu.memory_space<vmem>>
    %dma_wait3A_326 = arith.constant 0 : i32
    %dma_wait3A_327 = arith.constant 0 : i32
    %dma_wait3A_328 = tpu.memref_slice %arg2[%dma_wait3A_326, %dma_wait3A_327] : memref<8192x1024xf32, #tpu.memory_space<hbm>> -> memref<8192x1024xf32, #tpu.memory_space<hbm>>
    tpu.wait_indirect_dma semaphore(%arg19 : memref<!tpu.dma_semaphore, #tpu.memory_space<semaphore_mem>>) src(%dma_wait3A_328 : memref<8192x1024xf32, #tpu.memory_space<hbm>>) dst(%arg12 : memref<16x1024xf32, #tpu.memory_space<vmem>>)
    %parallel_loop3A_329 = arith.constant 0 : i32
    %parallel_loop3A_330 = arith.constant 1024 : i32
    %parallel_loop3A_331 = arith.constant 1 : i32
    scf.for %parallel_loop3A_394 = %parallel_loop3A_329 to %parallel_loop3A_330 step %parallel_loop3A_331  : i32 {
      %parallel_loop3A_395 = arith.constant 64 : i32
      %parallel_loop3A_396 = arith.divsi %parallel_loop3A_394, %parallel_loop3A_395 : i32
      %parallel_loop3A_397 = arith.constant 0 : i32
      %parallel_loop3A_398 = arith.cmpi sgt, %parallel_loop3A_394, %parallel_loop3A_397 : i32
      %parallel_loop3A_399 = arith.extui %parallel_loop3A_398 : i1 to i32
      %parallel_loop3A_400 = arith.constant 0 : i32
      %parallel_loop3A_401 = arith.cmpi slt, %parallel_loop3A_394, %parallel_loop3A_400 : i32
      %parallel_loop3A_402 = arith.extui %parallel_loop3A_401 : i1 to i32
      %parallel_loop3A_403 = arith.subi %parallel_loop3A_399, %parallel_loop3A_402 : i32
      %parallel_loop3A_404 = arith.constant 0 : i32
      %parallel_loop3A_405 = arith.cmpi sgt, %parallel_loop3A_395, %parallel_loop3A_404 : i32
      %parallel_loop3A_406 = arith.extui %parallel_loop3A_405 : i1 to i32
      %parallel_loop3A_407 = arith.constant 0 : i32
      %parallel_loop3A_408 = arith.cmpi slt, %parallel_loop3A_395, %parallel_loop3A_407 : i32
      %parallel_loop3A_409 = arith.extui %parallel_loop3A_408 : i1 to i32
      %parallel_loop3A_410 = arith.subi %parallel_loop3A_406, %parallel_loop3A_409 : i32
      %parallel_loop3A_411 = arith.cmpi ne, %parallel_loop3A_403, %parallel_loop3A_410 : i32
      %parallel_loop3A_412 = arith.remsi %parallel_loop3A_394, %parallel_loop3A_395 : i32
      %parallel_loop3A_413 = arith.constant 0 : i32
      %parallel_loop3A_414 = arith.cmpi ne, %parallel_loop3A_412, %parallel_loop3A_413 : i32
      %parallel_loop3A_415 = arith.andi %parallel_loop3A_411, %parallel_loop3A_414 : i1
      %parallel_loop3A_416 = arith.constant 1 : i32
      %parallel_loop3A_417 = arith.subi %parallel_loop3A_396, %parallel_loop3A_416 : i32
      %parallel_loop3A_418 = arith.select %parallel_loop3A_415, %parallel_loop3A_417, %parallel_loop3A_396 : i32
      %parallel_loop3A_419 = arith.constant 64 : i32
      %parallel_loop3A_420 = arith.constant 0 : i32
      %parallel_loop3A_421 = arith.cmpi eq, %parallel_loop3A_419, %parallel_loop3A_420 : i32
      %parallel_loop3A_422 = arith.constant 1 : i32
      %parallel_loop3A_423 = arith.select %parallel_loop3A_421, %parallel_loop3A_422, %parallel_loop3A_419 : i32
      %parallel_loop3A_424 = arith.remsi %parallel_loop3A_394, %parallel_loop3A_423 : i32
      %parallel_loop3A_425 = arith.constant 0 : i32
      %parallel_loop3A_426 = arith.cmpi ne, %parallel_loop3A_424, %parallel_loop3A_425 : i32
      %parallel_loop3A_427 = arith.constant 0 : i32
      %parallel_loop3A_428 = arith.cmpi slt, %parallel_loop3A_424, %parallel_loop3A_427 : i32
      %parallel_loop3A_429 = arith.constant 0 : i32
      %parallel_loop3A_430 = arith.cmpi slt, %parallel_loop3A_423, %parallel_loop3A_429 : i32
      %parallel_loop3A_431 = arith.xori %parallel_loop3A_428, %parallel_loop3A_430 : i1
      %parallel_loop3A_432 = arith.andi %parallel_loop3A_431, %parallel_loop3A_426 : i1
      %parallel_loop3A_433 = arith.addi %parallel_loop3A_424, %parallel_loop3A_423 : i32
      %parallel_loop3A_434 = arith.select %parallel_loop3A_432, %parallel_loop3A_433, %parallel_loop3A_424 : i32
      %parallel_loop3A_435 = arith.constant 16 : i32
      %parallel_loop3A_436 = arith.muli %parallel_loop3A_434, %parallel_loop3A_435 : i32
      %parallel_loop3A_437 = arith.index_cast %parallel_loop3A_418 : i32 to index
      %parallel_loop3A_438 = arith.index_cast %parallel_loop3A_436 : i32 to index
      %parallel_loop3A_439 = tpu.vector_load %arg12[%parallel_loop3A_437, %parallel_loop3A_438] {strides = array<i32>} : memref<16x1024xf32, #tpu.memory_space<vmem>>, vector<1x16xf32>,
      %parallel_loop3A_440 = vector.shape_cast %parallel_loop3A_439 : vector<1x16xf32> to vector<16xf32>
      %parallel_loop3A_441 = arith.constant 3.125000e-02 : f32
      %parallel_loop3A_442 = vector.broadcast %parallel_loop3A_441 : f32 to vector<16xf32>
      %parallel_loop3A_443 = arith.mulf %parallel_loop3A_440, %parallel_loop3A_442 : vector<16xf32>
      %parallel_loop3A_444 = arith.index_cast %parallel_loop3A_418 : i32 to index
      %parallel_loop3A_445 = arith.index_cast %parallel_loop3A_436 : i32 to index
      %parallel_loop3A_446 = tpu.vector_load %arg12[%parallel_loop3A_444, %parallel_loop3A_445] {strides = array<i32>} : memref<16x1024xf32, #tpu.memory_space<vmem>>, vector<1x16xf32>,
      %parallel_loop3A_447 = vector.shape_cast %parallel_loop3A_446 : vector<1x16xf32> to vector<16xf32>
      %parallel_loop3A_448 = vector.shape_cast %parallel_loop3A_443 : vector<16xf32> to vector<1x16xf32>
      tpu.vector_store %arg12[%parallel_loop3A_444, %parallel_loop3A_445], %parallel_loop3A_448 {strides = array<i32>} : memref<16x1024xf32, #tpu.memory_space<vmem>>, vector<1x16xf32>,
    } {sc.loop_unroll_factor = 16 : i64, sc.parallel_access}
    %add3A_332 = arith.constant 208 : i32
    %add3A_333 = arith.addi %mul3A_2, %add3A_332 : i32
    %dma_start3A_334 = arith.constant 0 : i32
    %dma_start3A_335 = tpu.memref_slice %arg4[%add3A_333, %dma_start3A_334] : memref<8192x1024xf32, #tpu.memory_space<hbm>> -> memref<16x1024xf32, #tpu.memory_space<hbm>>
    %dma_start3A_336 = arith.constant 0 : i32
    %dma_start3A_337 = tpu.memref_slice %arg4[%add3A_333, %dma_start3A_336] : memref<8192x1024xf32, #tpu.memory_space<hbm>> -> memref<16x1024xf32, #tpu.memory_space<hbm>>
    tpu.enqueue_dma source(%arg12 : memref<16x1024xf32, #tpu.memory_space<vmem>>) target(%dma_start3A_337 : memref<16x1024xf32, #tpu.memory_space<hbm>>) target_semaphore(%arg26 : memref<!tpu.dma_semaphore, #tpu.memory_space<semaphore_mem>>)
    %dma_wait3A_338 = arith.constant 224 : i32
    %dma_wait3A_339 = tpu.memref_slice %arg5[%dma_wait3A_338] : memref<256xi32, #tpu.memory_space<vmem>> -> memref<16xi32, #tpu.memory_space<vmem>>
    %dma_wait3A_340 = arith.constant 0 : i32
    %dma_wait3A_341 = arith.constant 0 : i32
    %dma_wait3A_342 = tpu.memref_slice %arg2[%dma_wait3A_340, %dma_wait3A_341] : memref<8192x1024xf32, #tpu.memory_space<hbm>> -> memref<8192x1024xf32, #tpu.memory_space<hbm>>
    tpu.wait_indirect_dma semaphore(%arg13 : memref<!tpu.dma_semaphore, #tpu.memory_space<semaphore_mem>>) src(%dma_wait3A_342 : memref<8192x1024xf32, #tpu.memory_space<hbm>>) dst(%arg6 : memref<16x1024xf32, #tpu.memory_space<vmem>>)
    %parallel_loop3A_343 = arith.constant 0 : i32
    %parallel_loop3A_344 = arith.constant 1024 : i32
    %parallel_loop3A_345 = arith.constant 1 : i32
    scf.for %parallel_loop3A_394 = %parallel_loop3A_343 to %parallel_loop3A_344 step %parallel_loop3A_345  : i32 {
      %parallel_loop3A_395 = arith.constant 64 : i32
      %parallel_loop3A_396 = arith.divsi %parallel_loop3A_394, %parallel_loop3A_395 : i32
      %parallel_loop3A_397 = arith.constant 0 : i32
      %parallel_loop3A_398 = arith.cmpi sgt, %parallel_loop3A_394, %parallel_loop3A_397 : i32
      %parallel_loop3A_399 = arith.extui %parallel_loop3A_398 : i1 to i32
      %parallel_loop3A_400 = arith.constant 0 : i32
      %parallel_loop3A_401 = arith.cmpi slt, %parallel_loop3A_394, %parallel_loop3A_400 : i32
      %parallel_loop3A_402 = arith.extui %parallel_loop3A_401 : i1 to i32
      %parallel_loop3A_403 = arith.subi %parallel_loop3A_399, %parallel_loop3A_402 : i32
      %parallel_loop3A_404 = arith.constant 0 : i32
      %parallel_loop3A_405 = arith.cmpi sgt, %parallel_loop3A_395, %parallel_loop3A_404 : i32
      %parallel_loop3A_406 = arith.extui %parallel_loop3A_405 : i1 to i32
      %parallel_loop3A_407 = arith.constant 0 : i32
      %parallel_loop3A_408 = arith.cmpi slt, %parallel_loop3A_395, %parallel_loop3A_407 : i32
      %parallel_loop3A_409 = arith.extui %parallel_loop3A_408 : i1 to i32
      %parallel_loop3A_410 = arith.subi %parallel_loop3A_406, %parallel_loop3A_409 : i32
      %parallel_loop3A_411 = arith.cmpi ne, %parallel_loop3A_403, %parallel_loop3A_410 : i32
      %parallel_loop3A_412 = arith.remsi %parallel_loop3A_394, %parallel_loop3A_395 : i32
      %parallel_loop3A_413 = arith.constant 0 : i32
      %parallel_loop3A_414 = arith.cmpi ne, %parallel_loop3A_412, %parallel_loop3A_413 : i32
      %parallel_loop3A_415 = arith.andi %parallel_loop3A_411, %parallel_loop3A_414 : i1
      %parallel_loop3A_416 = arith.constant 1 : i32
      %parallel_loop3A_417 = arith.subi %parallel_loop3A_396, %parallel_loop3A_416 : i32
      %parallel_loop3A_418 = arith.select %parallel_loop3A_415, %parallel_loop3A_417, %parallel_loop3A_396 : i32
      %parallel_loop3A_419 = arith.constant 64 : i32
      %parallel_loop3A_420 = arith.constant 0 : i32
      %parallel_loop3A_421 = arith.cmpi eq, %parallel_loop3A_419, %parallel_loop3A_420 : i32
      %parallel_loop3A_422 = arith.constant 1 : i32
      %parallel_loop3A_423 = arith.select %parallel_loop3A_421, %parallel_loop3A_422, %parallel_loop3A_419 : i32
      %parallel_loop3A_424 = arith.remsi %parallel_loop3A_394, %parallel_loop3A_423 : i32
      %parallel_loop3A_425 = arith.constant 0 : i32
      %parallel_loop3A_426 = arith.cmpi ne, %parallel_loop3A_424, %parallel_loop3A_425 : i32
      %parallel_loop3A_427 = arith.constant 0 : i32
      %parallel_loop3A_428 = arith.cmpi slt, %parallel_loop3A_424, %parallel_loop3A_427 : i32
      %parallel_loop3A_429 = arith.constant 0 : i32
      %parallel_loop3A_430 = arith.cmpi slt, %parallel_loop3A_423, %parallel_loop3A_429 : i32
      %parallel_loop3A_431 = arith.xori %parallel_loop3A_428, %parallel_loop3A_430 : i1
      %parallel_loop3A_432 = arith.andi %parallel_loop3A_431, %parallel_loop3A_426 : i1
      %parallel_loop3A_433 = arith.addi %parallel_loop3A_424, %parallel_loop3A_423 : i32
      %parallel_loop3A_434 = arith.select %parallel_loop3A_432, %parallel_loop3A_433, %parallel_loop3A_424 : i32
      %parallel_loop3A_435 = arith.constant 16 : i32
      %parallel_loop3A_436 = arith.muli %parallel_loop3A_434, %parallel_loop3A_435 : i32
      %parallel_loop3A_437 = arith.index_cast %parallel_loop3A_418 : i32 to index
      %parallel_loop3A_438 = arith.index_cast %parallel_loop3A_436 : i32 to index
      %parallel_loop3A_439 = tpu.vector_load %arg6[%parallel_loop3A_437, %parallel_loop3A_438] {strides = array<i32>} : memref<16x1024xf32, #tpu.memory_space<vmem>>, vector<1x16xf32>,
      %parallel_loop3A_440 = vector.shape_cast %parallel_loop3A_439 : vector<1x16xf32> to vector<16xf32>
      %parallel_loop3A_441 = arith.constant 3.125000e-02 : f32
      %parallel_loop3A_442 = vector.broadcast %parallel_loop3A_441 : f32 to vector<16xf32>
      %parallel_loop3A_443 = arith.mulf %parallel_loop3A_440, %parallel_loop3A_442 : vector<16xf32>
      %parallel_loop3A_444 = arith.index_cast %parallel_loop3A_418 : i32 to index
      %parallel_loop3A_445 = arith.index_cast %parallel_loop3A_436 : i32 to index
      %parallel_loop3A_446 = tpu.vector_load %arg6[%parallel_loop3A_444, %parallel_loop3A_445] {strides = array<i32>} : memref<16x1024xf32, #tpu.memory_space<vmem>>, vector<1x16xf32>,
      %parallel_loop3A_447 = vector.shape_cast %parallel_loop3A_446 : vector<1x16xf32> to vector<16xf32>
      %parallel_loop3A_448 = vector.shape_cast %parallel_loop3A_443 : vector<16xf32> to vector<1x16xf32>
      tpu.vector_store %arg6[%parallel_loop3A_444, %parallel_loop3A_445], %parallel_loop3A_448 {strides = array<i32>} : memref<16x1024xf32, #tpu.memory_space<vmem>>, vector<1x16xf32>,
    } {sc.loop_unroll_factor = 16 : i64, sc.parallel_access}
    %add3A_346 = arith.constant 224 : i32
    %add3A_347 = arith.addi %mul3A_2, %add3A_346 : i32
    %dma_start3A_348 = arith.constant 0 : i32
    %dma_start3A_349 = tpu.memref_slice %arg4[%add3A_347, %dma_start3A_348] : memref<8192x1024xf32, #tpu.memory_space<hbm>> -> memref<16x1024xf32, #tpu.memory_space<hbm>>
    %dma_start3A_350 = arith.constant 0 : i32
    %dma_start3A_351 = tpu.memref_slice %arg4[%add3A_347, %dma_start3A_350] : memref<8192x1024xf32, #tpu.memory_space<hbm>> -> memref<16x1024xf32, #tpu.memory_space<hbm>>
    tpu.enqueue_dma source(%arg6 : memref<16x1024xf32, #tpu.memory_space<vmem>>) target(%dma_start3A_351 : memref<16x1024xf32, #tpu.memory_space<hbm>>) target_semaphore(%arg20 : memref<!tpu.dma_semaphore, #tpu.memory_space<semaphore_mem>>)
    %dma_wait3A_352 = arith.constant 240 : i32
    %dma_wait3A_353 = tpu.memref_slice %arg5[%dma_wait3A_352] : memref<256xi32, #tpu.memory_space<vmem>> -> memref<16xi32, #tpu.memory_space<vmem>>
    %dma_wait3A_354 = arith.constant 0 : i32
    %dma_wait3A_355 = arith.constant 0 : i32
    %dma_wait3A_356 = tpu.memref_slice %arg2[%dma_wait3A_354, %dma_wait3A_355] : memref<8192x1024xf32, #tpu.memory_space<hbm>> -> memref<8192x1024xf32, #tpu.memory_space<hbm>>
    tpu.wait_indirect_dma semaphore(%arg14 : memref<!tpu.dma_semaphore, #tpu.memory_space<semaphore_mem>>) src(%dma_wait3A_356 : memref<8192x1024xf32, #tpu.memory_space<hbm>>) dst(%arg7 : memref<16x1024xf32, #tpu.memory_space<vmem>>)
    %parallel_loop3A_357 = arith.constant 0 : i32
    %parallel_loop3A_358 = arith.constant 1024 : i32
    %parallel_loop3A_359 = arith.constant 1 : i32
    scf.for %parallel_loop3A_394 = %parallel_loop3A_357 to %parallel_loop3A_358 step %parallel_loop3A_359  : i32 {
      %parallel_loop3A_395 = arith.constant 64 : i32
      %parallel_loop3A_396 = arith.divsi %parallel_loop3A_394, %parallel_loop3A_395 : i32
      %parallel_loop3A_397 = arith.constant 0 : i32
      %parallel_loop3A_398 = arith.cmpi sgt, %parallel_loop3A_394, %parallel_loop3A_397 : i32
      %parallel_loop3A_399 = arith.extui %parallel_loop3A_398 : i1 to i32
      %parallel_loop3A_400 = arith.constant 0 : i32
      %parallel_loop3A_401 = arith.cmpi slt, %parallel_loop3A_394, %parallel_loop3A_400 : i32
      %parallel_loop3A_402 = arith.extui %parallel_loop3A_401 : i1 to i32
      %parallel_loop3A_403 = arith.subi %parallel_loop3A_399, %parallel_loop3A_402 : i32
      %parallel_loop3A_404 = arith.constant 0 : i32
      %parallel_loop3A_405 = arith.cmpi sgt, %parallel_loop3A_395, %parallel_loop3A_404 : i32
      %parallel_loop3A_406 = arith.extui %parallel_loop3A_405 : i1 to i32
      %parallel_loop3A_407 = arith.constant 0 : i32
      %parallel_loop3A_408 = arith.cmpi slt, %parallel_loop3A_395, %parallel_loop3A_407 : i32
      %parallel_loop3A_409 = arith.extui %parallel_loop3A_408 : i1 to i32
      %parallel_loop3A_410 = arith.subi %parallel_loop3A_406, %parallel_loop3A_409 : i32
      %parallel_loop3A_411 = arith.cmpi ne, %parallel_loop3A_403, %parallel_loop3A_410 : i32
      %parallel_loop3A_412 = arith.remsi %parallel_loop3A_394, %parallel_loop3A_395 : i32
      %parallel_loop3A_413 = arith.constant 0 : i32
      %parallel_loop3A_414 = arith.cmpi ne, %parallel_loop3A_412, %parallel_loop3A_413 : i32
      %parallel_loop3A_415 = arith.andi %parallel_loop3A_411, %parallel_loop3A_414 : i1
      %parallel_loop3A_416 = arith.constant 1 : i32
      %parallel_loop3A_417 = arith.subi %parallel_loop3A_396, %parallel_loop3A_416 : i32
      %parallel_loop3A_418 = arith.select %parallel_loop3A_415, %parallel_loop3A_417, %parallel_loop3A_396 : i32
      %parallel_loop3A_419 = arith.constant 64 : i32
      %parallel_loop3A_420 = arith.constant 0 : i32
      %parallel_loop3A_421 = arith.cmpi eq, %parallel_loop3A_419, %parallel_loop3A_420 : i32
      %parallel_loop3A_422 = arith.constant 1 : i32
      %parallel_loop3A_423 = arith.select %parallel_loop3A_421, %parallel_loop3A_422, %parallel_loop3A_419 : i32
      %parallel_loop3A_424 = arith.remsi %parallel_loop3A_394, %parallel_loop3A_423 : i32
      %parallel_loop3A_425 = arith.constant 0 : i32
      %parallel_loop3A_426 = arith.cmpi ne, %parallel_loop3A_424, %parallel_loop3A_425 : i32
      %parallel_loop3A_427 = arith.constant 0 : i32
      %parallel_loop3A_428 = arith.cmpi slt, %parallel_loop3A_424, %parallel_loop3A_427 : i32
      %parallel_loop3A_429 = arith.constant 0 : i32
      %parallel_loop3A_430 = arith.cmpi slt, %parallel_loop3A_423, %parallel_loop3A_429 : i32
      %parallel_loop3A_431 = arith.xori %parallel_loop3A_428, %parallel_loop3A_430 : i1
      %parallel_loop3A_432 = arith.andi %parallel_loop3A_431, %parallel_loop3A_426 : i1
      %parallel_loop3A_433 = arith.addi %parallel_loop3A_424, %parallel_loop3A_423 : i32
      %parallel_loop3A_434 = arith.select %parallel_loop3A_432, %parallel_loop3A_433, %parallel_loop3A_424 : i32
      %parallel_loop3A_435 = arith.constant 16 : i32
      %parallel_loop3A_436 = arith.muli %parallel_loop3A_434, %parallel_loop3A_435 : i32
      %parallel_loop3A_437 = arith.index_cast %parallel_loop3A_418 : i32 to index
      %parallel_loop3A_438 = arith.index_cast %parallel_loop3A_436 : i32 to index
      %parallel_loop3A_439 = tpu.vector_load %arg7[%parallel_loop3A_437, %parallel_loop3A_438] {strides = array<i32>} : memref<16x1024xf32, #tpu.memory_space<vmem>>, vector<1x16xf32>,
      %parallel_loop3A_440 = vector.shape_cast %parallel_loop3A_439 : vector<1x16xf32> to vector<16xf32>
      %parallel_loop3A_441 = arith.constant 3.125000e-02 : f32
      %parallel_loop3A_442 = vector.broadcast %parallel_loop3A_441 : f32 to vector<16xf32>
      %parallel_loop3A_443 = arith.mulf %parallel_loop3A_440, %parallel_loop3A_442 : vector<16xf32>
      %parallel_loop3A_444 = arith.index_cast %parallel_loop3A_418 : i32 to index
      %parallel_loop3A_445 = arith.index_cast %parallel_loop3A_436 : i32 to index
      %parallel_loop3A_446 = tpu.vector_load %arg7[%parallel_loop3A_444, %parallel_loop3A_445] {strides = array<i32>} : memref<16x1024xf32, #tpu.memory_space<vmem>>, vector<1x16xf32>,
      %parallel_loop3A_447 = vector.shape_cast %parallel_loop3A_446 : vector<1x16xf32> to vector<16xf32>
      %parallel_loop3A_448 = vector.shape_cast %parallel_loop3A_443 : vector<16xf32> to vector<1x16xf32>
      tpu.vector_store %arg7[%parallel_loop3A_444, %parallel_loop3A_445], %parallel_loop3A_448 {strides = array<i32>} : memref<16x1024xf32, #tpu.memory_space<vmem>>, vector<1x16xf32>,
    } {sc.loop_unroll_factor = 16 : i64, sc.parallel_access}
    %add3A_360 = arith.constant 240 : i32
    %add3A_361 = arith.addi %mul3A_2, %add3A_360 : i32
    %dma_start3A_362 = arith.constant 0 : i32
    %dma_start3A_363 = tpu.memref_slice %arg4[%add3A_361, %dma_start3A_362] : memref<8192x1024xf32, #tpu.memory_space<hbm>> -> memref<16x1024xf32, #tpu.memory_space<hbm>>
    %dma_start3A_364 = arith.constant 0 : i32
    %dma_start3A_365 = tpu.memref_slice %arg4[%add3A_361, %dma_start3A_364] : memref<8192x1024xf32, #tpu.memory_space<hbm>> -> memref<16x1024xf32, #tpu.memory_space<hbm>>
    tpu.enqueue_dma source(%arg7 : memref<16x1024xf32, #tpu.memory_space<vmem>>) target(%dma_start3A_365 : memref<16x1024xf32, #tpu.memory_space<hbm>>) target_semaphore(%arg21 : memref<!tpu.dma_semaphore, #tpu.memory_space<semaphore_mem>>)
    %dma_wait3A_366 = arith.constant 0 : i32
    %dma_wait3A_367 = tpu.memref_slice %arg4[%add3A_259, %dma_wait3A_366] : memref<8192x1024xf32, #tpu.memory_space<hbm>> -> memref<16x1024xf32, #tpu.memory_space<hbm>>
    %dma_wait3A_368 = arith.constant 0 : i32
    %dma_wait3A_369 = tpu.memref_slice %arg4[%add3A_259, %dma_wait3A_368] : memref<8192x1024xf32, #tpu.memory_space<hbm>> -> memref<16x1024xf32, #tpu.memory_space<hbm>>
    tpu.wait_dma2 semaphore(%arg22 : memref<!tpu.dma_semaphore, #tpu.memory_space<semaphore_mem>>) src(%arg8 : memref<16x1024xf32, #tpu.memory_space<vmem>>) dst(%dma_wait3A_369 : memref<16x1024xf32, #tpu.memory_space<hbm>>)
    %dma_wait3A_370 = arith.constant 0 : i32
    %dma_wait3A_371 = tpu.memref_slice %arg4[%add3A_282, %dma_wait3A_370] : memref<8192x1024xf32, #tpu.memory_space<hbm>> -> memref<16x1024xf32, #tpu.memory_space<hbm>>
    %dma_wait3A_372 = arith.constant 0 : i32
    %dma_wait3A_373 = tpu.memref_slice %arg4[%add3A_282, %dma_wait3A_372] : memref<8192x1024xf32, #tpu.memory_space<hbm>> -> memref<16x1024xf32, #tpu.memory_space<hbm>>
    tpu.wait_dma2 semaphore(%arg23 : memref<!tpu.dma_semaphore, #tpu.memory_space<semaphore_mem>>) src(%arg9 : memref<16x1024xf32, #tpu.memory_space<vmem>>) dst(%dma_wait3A_373 : memref<16x1024xf32, #tpu.memory_space<hbm>>)
    %dma_wait3A_374 = arith.constant 0 : i32
    %dma_wait3A_375 = tpu.memref_slice %arg4[%add3A_305, %dma_wait3A_374] : memref<8192x1024xf32, #tpu.memory_space<hbm>> -> memref<16x1024xf32, #tpu.memory_space<hbm>>
    %dma_wait3A_376 = arith.constant 0 : i32
    %dma_wait3A_377 = tpu.memref_slice %arg4[%add3A_305, %dma_wait3A_376] : memref<8192x1024xf32, #tpu.memory_space<hbm>> -> memref<16x1024xf32, #tpu.memory_space<hbm>>
    tpu.wait_dma2 semaphore(%arg24 : memref<!tpu.dma_semaphore, #tpu.memory_space<semaphore_mem>>) src(%arg10 : memref<16x1024xf32, #tpu.memory_space<vmem>>) dst(%dma_wait3A_377 : memref<16x1024xf32, #tpu.memory_space<hbm>>)
    %dma_wait3A_378 = arith.constant 0 : i32
    %dma_wait3A_379 = tpu.memref_slice %arg4[%add3A_319, %dma_wait3A_378] : memref<8192x1024xf32, #tpu.memory_space<hbm>> -> memref<16x1024xf32, #tpu.memory_space<hbm>>
    %dma_wait3A_380 = arith.constant 0 : i32
    %dma_wait3A_381 = tpu.memref_slice %arg4[%add3A_319, %dma_wait3A_380] : memref<8192x1024xf32, #tpu.memory_space<hbm>> -> memref<16x1024xf32, #tpu.memory_space<hbm>>
    tpu.wait_dma2 semaphore(%arg25 : memref<!tpu.dma_semaphore, #tpu.memory_space<semaphore_mem>>) src(%arg11 : memref<16x1024xf32, #tpu.memory_space<vmem>>) dst(%dma_wait3A_381 : memref<16x1024xf32, #tpu.memory_space<hbm>>)
    %dma_wait3A_382 = arith.constant 0 : i32
    %dma_wait3A_383 = tpu.memref_slice %arg4[%add3A_333, %dma_wait3A_382] : memref<8192x1024xf32, #tpu.memory_space<hbm>> -> memref<16x1024xf32, #tpu.memory_space<hbm>>
    %dma_wait3A_384 = arith.constant 0 : i32
    %dma_wait3A_385 = tpu.memref_slice %arg4[%add3A_333, %dma_wait3A_384] : memref<8192x1024xf32, #tpu.memory_space<hbm>> -> memref<16x1024xf32, #tpu.memory_space<hbm>>
    tpu.wait_dma2 semaphore(%arg26 : memref<!tpu.dma_semaphore, #tpu.memory_space<semaphore_mem>>) src(%arg12 : memref<16x1024xf32, #tpu.memory_space<vmem>>) dst(%dma_wait3A_385 : memref<16x1024xf32, #tpu.memory_space<hbm>>)
    %dma_wait3A_386 = arith.constant 0 : i32
    %dma_wait3A_387 = tpu.memref_slice %arg4[%add3A_347, %dma_wait3A_386] : memref<8192x1024xf32, #tpu.memory_space<hbm>> -> memref<16x1024xf32, #tpu.memory_space<hbm>>
    %dma_wait3A_388 = arith.constant 0 : i32
    %dma_wait3A_389 = tpu.memref_slice %arg4[%add3A_347, %dma_wait3A_388] : memref<8192x1024xf32, #tpu.memory_space<hbm>> -> memref<16x1024xf32, #tpu.memory_space<hbm>>
    tpu.wait_dma2 semaphore(%arg20 : memref<!tpu.dma_semaphore, #tpu.memory_space<semaphore_mem>>) src(%arg6 : memref<16x1024xf32, #tpu.memory_space<vmem>>) dst(%dma_wait3A_389 : memref<16x1024xf32, #tpu.memory_space<hbm>>)
    %dma_wait3A_390 = arith.constant 0 : i32
    %dma_wait3A_391 = tpu.memref_slice %arg4[%add3A_361, %dma_wait3A_390] : memref<8192x1024xf32, #tpu.memory_space<hbm>> -> memref<16x1024xf32, #tpu.memory_space<hbm>>
    %dma_wait3A_392 = arith.constant 0 : i32
    %dma_wait3A_393 = tpu.memref_slice %arg4[%add3A_361, %dma_wait3A_392] : memref<8192x1024xf32, #tpu.memory_space<hbm>> -> memref<16x1024xf32, #tpu.memory_space<hbm>>
    tpu.wait_dma2 semaphore(%arg21 : memref<!tpu.dma_semaphore, #tpu.memory_space<semaphore_mem>>) src(%arg7 : memref<16x1024xf32, #tpu.memory_space<vmem>>) dst(%dma_wait3A_393 : memref<16x1024xf32, #tpu.memory_space<hbm>>)
    return
  }
}

</mosaic_0001>

<sc_bundles>
// kernel: kernel.3.cloned.1.call-start
scs
__scs_entry_jumppad:
0x0: {  	(pc) =	sbr.rel $0x88, $3  }
0x1: {  	(tag) =	ssettag $0x0;
	lr =	simm.s32 $0x1  }
0x2: {  	[smem:$0x3F9F] =	sst lr;
	_ =	strace $0xD0000000  }
0x3: {  	_ = 	snop  }
0x4: {  	_ = 	snop  }
0x5: {  	_ = 	snop  }
0x6: {  	_ = 	snop  }
0x7: {  	_ = 	snop  }
__scs_overlays_trampoline_lowered:
0x8: {  	[smem:$0x3FAE] =	sst s0  }
0x9: {  	[smem:$0x3FAF] =	sst s1  }
0xa: {  	[smem:$0x3FB0] =	sst s2  }
0xb: {  	[smem:$0x3FB1] =	sst s3  }
0xc: {  	[smem:$0x3FB2] =	sst s4  }
0xd: {  	[smem:$0x3FB3] =	sst s5  }
0xe: {  	[smem:$0x3FB4] =	sst s6  }
0xf: {  	[smem:$0x3FB5] =	sst s7  }
0x10: {  	[smem:$0x3FB6] =	sst s8  }
0x11: {  	[smem:$0x3FB7] =	sst s9;
	s0 =	simm.s32 @!p0 $0x0  }
0x12: {  	s1 =	sld [smem:$0x3F9D];
	s0 =	simm.s32 @p0 $0x1  }
0x13: {  	[smem:$0x3FB8] =	sst s0;
	s0 =	simm.s32 @!p1 $0x0  }
0x14: {  	s2 =	sld [smem:$0x3F9C];
	s0 =	simm.s32 @p1 $0x1  }
0x15: {  	[smem:$0x3FB9] =	sst s0;
	s0 =	simm.s32 @!p2 $0x0  }
0x16: {  	s3 =	sld [smem:$0x3FDB];
	s0 =	simm.s32 @p2 $0x1  }
0x17: {  	s4 =	simm.s32 $0x1BF5;
	[smem:$0x3FBB] =	sst s0  }
0x18: {  	s0 =	sld [smem:$0x3F9E];
	_ =	swait.ge [sflag:s4], $0x0  }
0x19: {  	s7 =	sld [smem:$0x3F9F]  }
0x1a: {  	s8 =	sadd.s32 $0xFFFFE003, lr  }
0x1b: {  	s9 =	sadd.s32 $0xFFFFFEF7, lr;
	s5 =	simm.s32 $0xFFFFFFFF;
	p2 =	slt.u32 s8, $0xFFFFF086  }
0x1c: {  	p1 =	slt.u32 s9, $0xF7A;
	s5 =	simm.s32 @!p2 $0x0  }
0x1d: {  	s5 =	simm.s32 @p1 $0x1;
	p0 =	seq.s32 s7, s2  }
0x1e: {  	s7 =	smul.u32 @!p0 $0xF7A, s2;
	p2 =	seq.s32 @!p0 s5, $0x0  }
0x1f: {  	s9 =	smul.u32 $0xF7A, s1;
	s8 =	simm.s32 @!p0 $0x1BF5;
	p2 =	por !p2, p0  }
0x20: {  	[sflag:s8] =	ssyncset.s32 @!p0 $0xFFFFF086;
	s6 =	sadd.s32 @!p0 s3, s7;
	s7 =	simm.s32 @!p0 $0x108  }
0x21: {  	s3 =	sadd.s32 s3, s9;
	s6 =	sadd.s32 @!p0 $0x88, s6;
	s7 =	simm.s32 @p2 $0x1082  }
0x22: {  	[simem:s7], [sflag:s8] =	dma.local @!p0 [hbm:s6], $0xF7A  }
0x23: {  	s9 =	sor.u32 $0xD0000000, s2;
	s6 =	simm.s32 $0x108;
	_ =	swait.ge @!p0 [sflag:s8], $0x0  }
0x24: {  	s3 =	sadd.s32 $0x88, s3;
	s6 =	simm.s32 @!p1 $0x1082;
	[sflag:s4] =	ssyncset.s32 $0xFFFFF086  }
0x25: {  	[simem:s6], [sflag:s4] =	dma.local [hbm:s3], $0xF7A  }
0x26: {  	[smem:$0x3F9F] =	sst s1;
	(tag) =	ssettag s2;
	_ =	strace s9  }
0x27: {  	s1 =	sld [smem:$0x3FAF]  }
0x28: {  	s2 =	sld [smem:$0x3FB0]  }
0x29: {  	s4 =	sld [smem:$0x3FB2]  }
0x2a: {  	p0 =	seq.s32 s5, $0x0;
	s5 =	sld [smem:$0x3FB3]  }
0x2b: {  	s6 =	sld [smem:$0x3FB4]  }
0x2c: {  	s7 =	sld [smem:$0x3FB5]  }
0x2d: {  	s3 =	simm.s32 $0x108;
	s8 =	sld [smem:$0x3FB6]  }
0x2e: {  	s3 =	simm.s32 @!p0 $0x1082;
	s9 =	sld [smem:$0x3FB7]  }
0x2f: {  	lr =	sadd.s32 s0, s3;
	s0 =	sld [smem:$0x3FAE]  }
0x30: {  	s3 =	sld [smem:$0x3FB1]  }
0x31: {  	[smem:$0x3FBA] =	sst s10  }
0x32: {  	s10 =	sld [smem:$0x3FB8];
	_ =	sdelay $0x3  }
0x33: {  	p0 =	seq.s32 s10, $0x1;
	s10 =	sld [smem:$0x3FBA];
	_ =	sdelay $0x3  }
0x34: {  	[smem:$0x3FBA] =	sst s10  }
0x35: {  	s10 =	sld [smem:$0x3FB9];
	_ =	sdelay $0x3  }
0x36: {  	p1 =	seq.s32 s10, $0x1;
	s10 =	sld [smem:$0x3FBA];
	_ =	sdelay $0x3  }
0x37: {  	[smem:$0x3FBA] =	sst s10  }
0x38: {  	s10 =	sld [smem:$0x3FBB]  }
0x39: {  	_ = 	snop;
	(pc) =	sbr.ind lr, $3  }
0x3a: {  	_ = 	snop  }
0x3b: {  	_ = 	snop  }
0x3c: {  	p2 =	seq.s32 s10, $0x1;
	s10 =	sld [smem:$0x3FBA]  }
0x3d: {  	_ =	shalt  }
0x3e: {  	_ =	shalt  }
0x3f: {  	_ =	shalt  }
0x40: {  	_ =	shalt  }
0x41: {  	_ =	shalt  }
0x42: {  	_ =	shalt  }
0x43: {  	_ =	shalt  }
0x44: {  	_ =	shalt  }
0x45: {  	_ =	shalt  }
0x46: {  	_ =	shalt  }
0x47: {  	_ =	shalt  }
0x48: {  	_ =	shalt  }
0x49: {  	_ =	shalt  }
0x4a: {  	_ =	shalt  }
0x4b: {  	_ =	shalt  }
0x4c: {  	_ =	shalt  }
0x4d: {  	_ =	shalt  }
0x4e: {  	_ =	shalt  }
0x4f: {  	_ =	shalt  }
0x50: {  	_ =	shalt  }
0x51: {  	_ =	shalt  }
0x52: {  	_ =	shalt  }
0x53: {  	_ =	shalt  }
0x54: {  	_ =	shalt  }
0x55: {  	_ =	shalt  }
0x56: {  	_ =	shalt  }
0x57: {  	_ =	shalt  }
0x58: {  	_ =	shalt  }
0x59: {  	_ =	shalt  }
0x5a: {  	_ =	shalt  }
0x5b: {  	_ =	shalt  }
0x5c: {  	_ =	shalt  }
0x5d: {  	_ =	shalt  }
0x5e: {  	_ =	shalt  }
0x5f: {  	_ =	shalt  }
0x60: {  	_ =	shalt  }
0x61: {  	_ =	shalt  }
0x62: {  	_ =	shalt  }
0x63: {  	_ =	shalt  }
0x64: {  	_ =	shalt  }
0x65: {  	_ =	shalt  }
0x66: {  	_ =	shalt  }
0x67: {  	_ =	shalt  }
0x68: {  	_ =	shalt  }
0x69: {  	_ =	shalt  }
0x6a: {  	_ =	shalt  }
0x6b: {  	_ =	shalt  }
0x6c: {  	_ =	shalt  }
0x6d: {  	_ =	shalt  }
0x6e: {  	_ =	shalt  }
0x6f: {  	_ =	shalt  }
0x70: {  	_ =	shalt  }
0x71: {  	_ =	shalt  }
0x72: {  	_ =	shalt  }
0x73: {  	_ =	shalt  }
0x74: {  	_ =	shalt  }
0x75: {  	_ =	shalt  }
0x76: {  	_ =	shalt  }
0x77: {  	_ =	shalt  }
0x78: {  	_ =	shalt  }
0x79: {  	_ =	shalt  }
0x7a: {  	_ =	shalt  }
0x7b: {  	_ =	shalt  }
0x7c: {  	_ =	shalt  }
0x7d: {  	_ =	shalt  }
0x7e: {  	_ =	shalt  }
0x7f: {  	_ =	shalt  }
0x80: {  	_ =	shalt  }
0x81: {  	_ =	shalt  }
0x82: {  	_ =	shalt  }
0x83: {  	_ =	shalt  }
0x84: {  	_ =	shalt  }
0x85: {  	_ =	shalt  }
0x86: {  	_ =	shalt  }
0x87: {  	_ =	shalt  }
.Lfunc_end0:
.L_simem_size_0:
called_computation_lowered:
.L_overlay_start_0:
0x88: {  	s2 =	sld [smem:$0x3FD9]  }
0x89: {  	s3 =	sld [smem:$0x3FFE];
	_ =	sdelay $0x1  }
0x8a: {  	s1 =	srdreg.scid  }
0x8b: {  	s0 =	sand.u32 $0x1, s1  }
0x8c: {  	s18 =	sshll.u32 s0, $0xA;
	s2 =	sadd.s32 s3, s2  }
0x8d: {  	s2 =	sadd.s32 s2, s18  }
0x8e: {  	[smem:$0x3FC6] =	sst s2  }
0x8f: {  	_ = 	snop  }
0x90: {  	s2 =	sld [smem:$0x3FC9]  }
0x91: {  	s19 =	sld [smem:$0x3FC8]  }
0x92: {  	s4 =	sld [smem:$0x3FD0];
	(tm) =	ssettm $0x1  }
0x93: {  	s5 =	sld [smem:$0x3FFB];
	_ =	sdelay $0x3  }
0x94: {  	_ =	strace s5  }
0x95: {  	s5 =	sld [smem:$0x3FFC];
	_ =	sdelay $0x3  }
0x96: {  	_ =	strace s5  }
0x97: {  	s5 =	sld [smem:$0x3FFD];
	_ =	sdelay $0x3  }
0x98: {  	_ =	strace s5  }
0x99: {  	_ =	strace $0x8FFFFFFF  }
0x9a: {  	s20 =	sld [smem:$0x3FDB];
	_ =	sdelay $0x1  }
0x9b: {  	s6 =	simm.s32 $_scs_section_size  }
0x9c: {  	s7 =	simm.s32 $_size__tile_overlayer_lowered;
	s8 =	simm.s32 $_tile_overlayer_lowered  }
0x9d: {  	s23 =	simm.s32 $0x1BFF;
	s22 =	sshll.u32 s8, $0x1;
	s5 =	sadd.s32 s6, s20  }
0x9e: {  	s9 =	simm.s32 $0x0;
	s21 =	sshll.u32 s7, $0x1;
	s7 =	sadd.s32 s22, s5  }
0x9f: {  	[timem:s9], [sflag:s23] =	dma.local [hbm:s7], s21  }
0xa0: {  	_ =	swait.ge [sflag:s23], s21  }
0xa1: {  	s6 =	ssub.s32 $0x0, s21;
	[sflag:s23] =	ssyncset.done $0x0  }
0xa2: {  	[sflag:s23] =	ssyncadd.s32 s6;
	_ =	sdelay $0x1  }
0xa3: {  	s24 =	simm.s32 $0x1B8B  }
0xa4: {  	_ =	swait.ge [sflag:s24], $0x1  }
0xa5: {  	[sflag:s24] =	ssyncset.done $0x0  }
0xa6: {  	s25 =	simm.s32 $0x1B8E;
	[sflag:s24] =	ssyncadd.s32 $0xFFFFFFFF  }
0xa7: {  	s26 =	simm.s32 $execute0_lowered;
	[smem:$0x3FD2] =	sst s25  }
0xa8: {  	s6 =	sshll.u32 s26, $0x1;
	_ =	strace $0x80000046;
	[dreg:$0x1] =	wrdreg $0xFFFFFFFF  }
0xa9: {  	s28 =	simm.s32 $_size_execute0_lowered;
	s5 =	sadd.s32 s5, s6;
	[dreg:$0x0] =	wrdreg $0x0  }
0xaa: {  	s6 =	sshll.u32 s28, $0x1;
	[dreg:$0x2] =	wrdreg s5  }
0xab: {  	[dreg:$0x3] =	wrdreg s6  }
0xac: {  	[dreg:$0x4] =	wrdreg $0xC0  }
0xad: {  	_ =	task [dreg:s9], $0x5FFFF  }
0xae: {  	[dreg:$0x1] =	wrdreg $0xFFFFFFFF  }
0xaf: {  	[dreg:$0x0] =	wrdreg $0x60  }
0xb0: {  	[dreg:$0x2] =	wrdreg s19  }
0xb1: {  	[dreg:$0x3] =	wrdreg s2  }
0xb2: {  	[dreg:$0x4] =	wrdreg s4  }
0xb3: {  	[dreg:$0x5] =	wrdreg $0x9  }
0xb4: {  	_ =	task.clear_ibuf [dreg:s9], $0x6FFFF;
	_ =	strace $0x90000046  }
0xb5: {  	s29 =	simm.s32 $0x9;
	_ =	strace $0x80000048  }
0xb6: {  	_ =	swait.ge [sflag:s29], $0x1  }
0xb7: {  	[sflag:s29] =	ssyncadd.s32 $0xFFFFFFFF  }
0xb8: {  	_ =	strace $0x90000048  }
0xb9: {  	_ =	sfence  }
0xba: {  	s30 =	sld [smem:$0x0];
	_ =	sdelay $0x2  }
0xbb: {  	s31 =	sshll.u32 s1, $0xD;
	s1 =	sshrl.u32 s1, $0x2  }
0xbc: {  	s3 =	sand.u32 $0x4000, s31;
	s1 =	sadd.s32 s1, s30  }
0xbd: {  	s0 =	sor.u32 s3, s0;
	s1 =	sshll.u32 s1, $0x11  }
0xbe: {  	s0 =	sor.u32 s1, s0  }
0xbf: {  	s0 =	sadd.s32 $0x8F2B, s0  }
0xc0: {  	[sflag:s0] =	ssyncadd.remote.s32 $0x1  }
0xc1: {  	_ =	sfence.sel $0xFFFF  }
0xc2: {  	[dreg:$0x0] =	wrdreg $0xFFFFFFFF;
	(pc) =	sbr.abs _section_cstart, $3  }
0xc3: {  	[dreg:$0x1] =	wrdreg $0xFFFFFFFF  }
0xc4: {  	_ =	task.clear_ibuf [dreg:s9], $0x2FFFF;
	_ =	strace $0x9FFFFFFF  }
0xc5: {  	(tm) =	ssettm $0x7FFFFFFF  }
tec
execute0_lowered:
.L_overlay_start_1:
0x0: {  	(tag) =	ssettag $0x1  }
0x1: {  	s1 =	rddreg [dreg:$0x0]  }
0x2: {  	s0 =	rddreg [dreg:$0x1]  }
0x3: {  	s2 =	rddreg [dreg:$0x2];
	s4 =	srdreg.scid  }
0x4: {  	s3 =	simm.s32 $0x0;
	s6 =	stileid.u32;
	s4 =	sand.u32 $0x1, s4  }
0x5: {  	s6 =	sshll.u32 s6, $0x9;
	s5 =	ssub.s32 $0x2, s4;
	s4 =	sshll.u32 s4, $0x8  }
0x6: {  	[smem:$0x7FF] =	sst s3;
	s7 =	sshrl.u32 s5, $0x1;
	s4 =	sor.u32 s4, s6  }
0x7: {  	_ =	strace $0x80000047;
	s5 =	ssub.s32 s5, s7;
	s6 =	sshrl.u32 s4, $0x3  }
0x8: {  	s26 =	sor.u32 $0x40, s4;
	s4 =	sshll.u32 s4, $0x7;
	s6 =	sadd.s32 s0, s6  }
0x9: {  	s10 =	sshrl.u32 s26, $0x3;
	s4 =	sadd.s32 s2, s4;
	[dreg:$0x4] =	wrdreg s6  }
0xa: {  	s14 =	sshll.u32 s26, $0x7;
	s26 =	smax.u32 s5, $0x1;
	[dreg:$0x6] =	wrdreg s4  }
0xb: {  	s0 =	sadd.s32 s0, s10;
	[dreg:$0x16] =	wrdreg s26  }
0xc: {  	s11 =	sadd.s32 $0x800, s4;
	[dreg:$0x5] =	wrdreg s0  }
0xd: {  	s12 =	sadd.s32 $0x1000, s4;
	[dreg:$0x7] =	wrdreg s11  }
0xe: {  	s13 =	sadd.s32 $0x1800, s4;
	[dreg:$0x8] =	wrdreg s12  }
0xf: {  	s29 =	simm.s32 $0x100;
	s15 =	sadd.s32 $0x2800, s4;
	[dreg:$0x9] =	wrdreg s13  }
0x10: {  	s28 =	simm.s32 $0x8;
	s16 =	sadd.s32 $0x3000, s4;
	[dreg:$0xb] =	wrdreg s15  }
0x11: {  	s30 =	simm.s32 $0x4;
	s17 =	sadd.s32 $0x3800, s4;
	[dreg:$0xc] =	wrdreg s16  }
0x12: {  	s31 =	simm.s32 $0x9;
	s18 =	sadd.s32 $0x4000, s4;
	[dreg:$0xd] =	wrdreg s17  }
0x13: {  	s8 =	sadd.s32 $0x200, s1;
	s19 =	sadd.s32 $0x4800, s4;
	[dreg:$0xe] =	wrdreg s18  }
0x14: {  	s9 =	sadd.s32 $0x300, s1;
	s20 =	sadd.s32 $0x5000, s4;
	[dreg:$0xf] =	wrdreg s19  }
0x15: {  	s7 =	simm.s32 $0x3;
	s21 =	sadd.s32 $0x5800, s4;
	[dreg:$0x10] =	wrdreg s20  }
0x16: {  	s5 =	simm.s32 $0x7;
	s22 =	sadd.s32 $0x6000, s4;
	[dreg:$0x11] =	wrdreg s21  }
0x17: {  	s6 =	sadd.s32 $0x100, s1;
	s23 =	sadd.s32 $0x6800, s4;
	[dreg:$0x12] =	wrdreg s22  }
0x18: {  	s24 =	sadd.s32 $0x7000, s4;
	s25 =	sadd.s32 $0x7800, s4;
	[dreg:$0x13] =	wrdreg s23  }
0x19: {  	s10 =	simm.s32 $0x4100;
	s26 =	simm.s32 $0x6;
	[dreg:$0x14] =	wrdreg s24  }
0x1a: {  	s4 =	simm.s32 $0xB;
	s0 =	sadd.s32 s2, s14;
	[dreg:$0x15] =	wrdreg s25  }
0x1b: {  	s21 =	simm.s32 $0x10100;
	s25 =	simm.s32 $0x1;
	s22 =	simm.s32 $0x14100  }
0x1c: {  	v2 =	vlaneseq.u32;
	s23 =	simm.s32 $0x2;
	s24 =	simm.s32 $0x18100;
	s2 =	simm.s32 $0xA  }
0x1d: {  	vm0 =	vmmov $0xffff;
	v1 =	vshrl.u32 v2, $0x3;
	s11 =	simm.s32 $0xC;
	s12 =	simm.s32 $0xD;
	s13 =	simm.s32 $0xE  }
0x1e: {  	v0 =	vand.u32 $0x7, v2;
	v2 =	vor.u32 $0x8, v2;
	v1 =	vmul.u32 $0x8, v1;
	s14 =	simm.s32 $0x0;
	[dreg:$0xa] =	wrdreg s0;
	s0 =	simm.s32 $0x5  }
.LBB2_1:
0x1f: {  	s15 =	rddreg [dreg:$0x4]  }
0x20: {  	[tilespmem:s3], [sflag:$0xF] =	stream.linear.gather [hbm4b:s15+s3], $0x40, $0x38;
	[tilespmem:$0x1C100] =	vst v63  }
0x21: {  	s19 =	rddreg [dreg:$0x5];
	s16 =	simm.s32 $0x40;
	s20 =	simm.s32 $0xF  }
0x22: {  	[tilespmem:s16], [sflag:$0x10] =	stream.linear.gather [hbm4b:s19+s3], $0xC0, $0x38;
	[tilespmem:$0x1C100] =	vst v63  }
0x23: {  	_ =	swait.ge [sflag:s20], $0x40  }
0x24: {  	[sflag:s20] =	ssyncset.done $0x0  }
0x25: {  	[sflag:s20] =	ssyncadd.s32 $0xFFFFFFC0  }
0x26: {  	v3 =	vld [tilespmem:$0x0];
	_ =	sdelay $0x4  }
0x27: {  	v4 =	vshll.u32 v3, $0x3  }
0x28: {  	v3 =	vand.u32 $0x7, v3;
	v4 =	vand.u32 $0xFFFFFFC0, v4  }
0x29: {  	v3 =	vor.u32 v3, v4  }
0x2a: {  	v4 =	vperm.xlane v3, v0;
	_ =	sdelay $0x1  }
0x2b: {  	v4 =	vadd.s32 v1, v4;
	_ =	sdelay $0x4  }
0x2c: {  	[tilespmem:s29], [sflag:$0x1] =	stream.indirect_vreg.gather [hbm4b:s1+s3], $0x80, v4, vm0, $0xb8;
	[tilespmem:$0x1C100] =	vst v63  }
0x2d: {  	s16 =	simm.s32 $0x900;
	v3 =	vperm.xlane v3, v2  }
0x2e: {  	[tilespmem:s16], [sflag:$0x1] =	stream.indirect_vreg.gather [hbm4b:s6+s3], $0x80, v4, vm0, $0xb8;
	[tilespmem:$0x1C100] =	vst v63  }
0x2f: {  	s17 =	simm.s32 $0x1100;
	v3 =	vadd.s32 v1, v3  }
0x30: {  	[tilespmem:s17], [sflag:$0x1] =	stream.indirect_vreg.gather [hbm4b:s8+s3], $0x80, v4, vm0, $0xb8;
	[tilespmem:$0x1C100] =	vst v63  }
0x31: {  	s18 =	simm.s32 $0x1900  }
0x32: {  	[tilespmem:s18], [sflag:$0x1] =	stream.indirect_vreg.gather [hbm4b:s9+s3], $0x80, v4, vm0, $0xb8;
	[tilespmem:$0x1C100] =	vst v63  }
0x33: {  	s19 =	simm.s32 $0x2100  }
0x34: {  	[tilespmem:s19], [sflag:$0x1] =	stream.indirect_vreg.gather [hbm4b:s1+s3], $0x80, v3, vm0, $0xb8;
	[tilespmem:$0x1C100] =	vst v63  }
0x35: {  	s20 =	simm.s32 $0x2900  }
0x36: {  	[tilespmem:s20], [sflag:$0x1] =	stream.indirect_vreg.gather [hbm4b:s6+s3], $0x80, v3, vm0, $0xb8;
	[tilespmem:$0x1C100] =	vst v63  }
0x37: {  	s16 =	simm.s32 $0x3100  }
0x38: {  	[tilespmem:s16], [sflag:$0x1] =	stream.indirect_vreg.gather [hbm4b:s8+s3], $0x80, v3, vm0, $0xb8;
	[tilespmem:$0x1C100] =	vst v63  }
0x39: {  	s17 =	simm.s32 $0x3900  }
0x3a: {  	[tilespmem:s17], [sflag:$0x1] =	stream.indirect_vreg.gather [hbm4b:s9+s3], $0x80, v3, vm0, $0xb8;
	[tilespmem:$0x1C100] =	vst v63  }
0x3b: {  	v3 =	vld [tilespmem:$0x10];
	_ =	sdelay $0x4  }
0x3c: {  	v4 =	vshll.u32 v3, $0x3  }
0x3d: {  	v3 =	vand.u32 $0x7, v3;
	v4 =	vand.u32 $0xFFFFFFC0, v4  }
0x3e: {  	v3 =	vor.u32 v3, v4  }
0x3f: {  	v4 =	vperm.xlane v3, v0;
	_ =	sdelay $0x1  }
0x40: {  	v4 =	vadd.s32 v1, v4;
	_ =	sdelay $0x4  }
0x41: {  	[tilespmem:s10], [sflag:$0x2] =	stream.indirect_vreg.gather [hbm4b:s1+s3], $0x80, v4, vm0, $0xb8;
	[tilespmem:$0x1C100] =	vst v63  }
0x42: {  	s18 =	simm.s32 $0x4900;
	v3 =	vperm.xlane v3, v2  }
0x43: {  	[tilespmem:s18], [sflag:$0x2] =	stream.indirect_vreg.gather [hbm4b:s6+s3], $0x80, v4, vm0, $0xb8;
	[tilespmem:$0x1C100] =	vst v63  }
0x44: {  	s19 =	simm.s32 $0x5100;
	v3 =	vadd.s32 v1, v3  }
0x45: {  	[tilespmem:s19], [sflag:$0x2] =	stream.indirect_vreg.gather [hbm4b:s8+s3], $0x80, v4, vm0, $0xb8;
	[tilespmem:$0x1C100] =	vst v63  }
0x46: {  	s20 =	simm.s32 $0x5900  }
0x47: {  	[tilespmem:s20], [sflag:$0x2] =	stream.indirect_vreg.gather [hbm4b:s9+s3], $0x80, v4, vm0, $0xb8;
	[tilespmem:$0x1C100] =	vst v63  }
0x48: {  	s16 =	simm.s32 $0x6100  }
0x49: {  	[tilespmem:s16], [sflag:$0x2] =	stream.indirect_vreg.gather [hbm4b:s1+s3], $0x80, v3, vm0, $0xb8;
	[tilespmem:$0x1C100] =	vst v63  }
0x4a: {  	s17 =	simm.s32 $0x6900  }
0x4b: {  	[tilespmem:s17], [sflag:$0x2] =	stream.indirect_vreg.gather [hbm4b:s6+s3], $0x80, v3, vm0, $0xb8;
	[tilespmem:$0x1C100] =	vst v63  }
0x4c: {  	s18 =	simm.s32 $0x7100  }
0x4d: {  	[tilespmem:s18], [sflag:$0x2] =	stream.indirect_vreg.gather [hbm4b:s8+s3], $0x80, v3, vm0, $0xb8;
	[tilespmem:$0x1C100] =	vst v63  }
0x4e: {  	s19 =	simm.s32 $0x7900  }
0x4f: {  	[tilespmem:s19], [sflag:$0x2] =	stream.indirect_vreg.gather [hbm4b:s9+s3], $0x80, v3, vm0, $0xb8;
	[tilespmem:$0x1C100] =	vst v63  }
0x50: {  	v3 =	vld [tilespmem:$0x20];
	_ =	sdelay $0x4  }
0x51: {  	v4 =	vshll.u32 v3, $0x3  }
0x52: {  	v3 =	vand.u32 $0x7, v3;
	v4 =	vand.u32 $0xFFFFFFC0, v4  }
0x53: {  	v3 =	vor.u32 v3, v4  }
0x54: {  	v4 =	vperm.xlane v3, v0;
	_ =	sdelay $0x1  }
0x55: {  	v4 =	vadd.s32 v1, v4;
	_ =	sdelay $0x3  }
0x56: {  	s20 =	simm.s32 $0x8100  }
0x57: {  	[tilespmem:s20], [sflag:$0x3] =	stream.indirect_vreg.gather [hbm4b:s1+s3], $0x80, v4, vm0, $0xb8;
	[tilespmem:$0x1C100] =	vst v63  }
0x58: {  	s16 =	simm.s32 $0x8900;
	v3 =	vperm.xlane v3, v2  }
0x59: {  	[tilespmem:s16], [sflag:$0x3] =	stream.indirect_vreg.gather [hbm4b:s6+s3], $0x80, v4, vm0, $0xb8;
	[tilespmem:$0x1C100] =	vst v63  }
0x5a: {  	s17 =	simm.s32 $0x9100;
	v3 =	vadd.s32 v1, v3  }
0x5b: {  	[tilespmem:s17], [sflag:$0x3] =	stream.indirect_vreg.gather [hbm4b:s8+s3], $0x80, v4, vm0, $0xb8;
	[tilespmem:$0x1C100] =	vst v63  }
0x5c: {  	s18 =	simm.s32 $0x9900  }
0x5d: {  	[tilespmem:s18], [sflag:$0x3] =	stream.indirect_vreg.gather [hbm4b:s9+s3], $0x80, v4, vm0, $0xb8;
	[tilespmem:$0x1C100] =	vst v63  }
0x5e: {  	s19 =	simm.s32 $0xA100  }
0x5f: {  	[tilespmem:s19], [sflag:$0x3] =	stream.indirect_vreg.gather [hbm4b:s1+s3], $0x80, v3, vm0, $0xb8;
	[tilespmem:$0x1C100] =	vst v63  }
0x60: {  	s20 =	simm.s32 $0xA900  }
0x61: {  	[tilespmem:s20], [sflag:$0x3] =	stream.indirect_vreg.gather [hbm4b:s6+s3], $0x80, v3, vm0, $0xb8;
	[tilespmem:$0x1C100] =	vst v63  }
0x62: {  	s16 =	simm.s32 $0xB100  }
0x63: {  	[tilespmem:s16], [sflag:$0x3] =	stream.indirect_vreg.gather [hbm4b:s8+s3], $0x80, v3, vm0, $0xb8;
	[tilespmem:$0x1C100] =	vst v63  }
0x64: {  	s17 =	simm.s32 $0xB900  }
0x65: {  	[tilespmem:s17], [sflag:$0x3] =	stream.indirect_vreg.gather [hbm4b:s9+s3], $0x80, v3, vm0, $0xb8;
	[tilespmem:$0x1C100] =	vst v63  }
0x66: {  	v3 =	vld [tilespmem:$0x30];
	_ =	sdelay $0x4  }
0x67: {  	v4 =	vshll.u32 v3, $0x3  }
0x68: {  	v3 =	vand.u32 $0x7, v3;
	v4 =	vand.u32 $0xFFFFFFC0, v4  }
0x69: {  	v3 =	vor.u32 v3, v4  }
0x6a: {  	v4 =	vperm.xlane v3, v0;
	_ =	sdelay $0x1  }
0x6b: {  	v4 =	vadd.s32 v1, v4;
	_ =	sdelay $0x3  }
0x6c: {  	s18 =	simm.s32 $0xC100  }
0x6d: {  	[tilespmem:s18], [sflag:$0x4] =	stream.indirect_vreg.gather [hbm4b:s1+s3], $0x80, v4, vm0, $0xb8;
	[tilespmem:$0x1C100] =	vst v63  }
0x6e: {  	s19 =	simm.s32 $0xC900;
	v3 =	vperm.xlane v3, v2  }
0x6f: {  	[tilespmem:s19], [sflag:$0x4] =	stream.indirect_vreg.gather [hbm4b:s6+s3], $0x80, v4, vm0, $0xb8;
	[tilespmem:$0x1C100] =	vst v63  }
0x70: {  	s20 =	simm.s32 $0xD100;
	v3 =	vadd.s32 v1, v3  }
0x71: {  	[tilespmem:s20], [sflag:$0x4] =	stream.indirect_vreg.gather [hbm4b:s8+s3], $0x80, v4, vm0, $0xb8;
	[tilespmem:$0x1C100] =	vst v63  }
0x72: {  	s16 =	simm.s32 $0xD900  }
0x73: {  	[tilespmem:s16], [sflag:$0x4] =	stream.indirect_vreg.gather [hbm4b:s9+s3], $0x80, v4, vm0, $0xb8;
	[tilespmem:$0x1C100] =	vst v63  }
0x74: {  	s17 =	simm.s32 $0xE100  }
0x75: {  	[tilespmem:s17], [sflag:$0x4] =	stream.indirect_vreg.gather [hbm4b:s1+s3], $0x80, v3, vm0, $0xb8;
	[tilespmem:$0x1C100] =	vst v63  }
0x76: {  	s18 =	simm.s32 $0xE900  }
0x77: {  	[tilespmem:s18], [sflag:$0x4] =	stream.indirect_vreg.gather [hbm4b:s6+s3], $0x80, v3, vm0, $0xb8;
	[tilespmem:$0x1C100] =	vst v63  }
0x78: {  	s19 =	simm.s32 $0xF100  }
0x79: {  	[tilespmem:s19], [sflag:$0x4] =	stream.indirect_vreg.gather [hbm4b:s8+s3], $0x80, v3, vm0, $0xb8;
	[tilespmem:$0x1C100] =	vst v63  }
0x7a: {  	s20 =	simm.s32 $0xF900;
	s16 =	simm.s32 $0x10  }
0x7b: {  	[tilespmem:s20], [sflag:$0x4] =	stream.indirect_vreg.gather [hbm4b:s9+s3], $0x80, v3, vm0, $0xb8;
	[tilespmem:$0x1C100] =	vst v63  }
0x7c: {  	_ =	swait.ge [sflag:s16], $0xC0  }
0x7d: {  	[sflag:s16] =	ssyncset.done $0x0  }
0x7e: {  	[sflag:s16] =	ssyncadd.s32 $0xFFFFFF40  }
0x7f: {  	v3 =	vld [tilespmem:$0x40];
	_ =	sdelay $0x4  }
0x80: {  	v4 =	vshll.u32 v3, $0x3  }
0x81: {  	v3 =	vand.u32 $0x7, v3;
	v4 =	vand.u32 $0xFFFFFFC0, v4  }
0x82: {  	v3 =	vor.u32 v3, v4  }
0x83: {  	v4 =	vperm.xlane v3, v0;
	_ =	sdelay $0x1  }
0x84: {  	v4 =	vadd.s32 v1, v4;
	_ =	sdelay $0x4  }
0x85: {  	[tilespmem:s21], [sflag:$0x5] =	stream.indirect_vreg.gather [hbm4b:s1+s3], $0x80, v4, vm0, $0xb8;
	[tilespmem:$0x1C100] =	vst v63  }
0x86: {  	s17 =	simm.s32 $0x10900;
	v3 =	vperm.xlane v3, v2  }
0x87: {  	[tilespmem:s17], [sflag:$0x5] =	stream.indirect_vreg.gather [hbm4b:s6+s3], $0x80, v4, vm0, $0xb8;
	[tilespmem:$0x1C100] =	vst v63  }
0x88: {  	s18 =	simm.s32 $0x11100;
	v3 =	vadd.s32 v1, v3  }
0x89: {  	[tilespmem:s18], [sflag:$0x5] =	stream.indirect_vreg.gather [hbm4b:s8+s3], $0x80, v4, vm0, $0xb8;
	[tilespmem:$0x1C100] =	vst v63  }
0x8a: {  	s19 =	simm.s32 $0x11900  }
0x8b: {  	[tilespmem:s19], [sflag:$0x5] =	stream.indirect_vreg.gather [hbm4b:s9+s3], $0x80, v4, vm0, $0xb8;
	[tilespmem:$0x1C100] =	vst v63  }
0x8c: {  	s20 =	simm.s32 $0x12100  }
0x8d: {  	[tilespmem:s20], [sflag:$0x5] =	stream.indirect_vreg.gather [hbm4b:s1+s3], $0x80, v3, vm0, $0xb8;
	[tilespmem:$0x1C100] =	vst v63  }
0x8e: {  	s16 =	simm.s32 $0x12900  }
0x8f: {  	[tilespmem:s16], [sflag:$0x5] =	stream.indirect_vreg.gather [hbm4b:s6+s3], $0x80, v3, vm0, $0xb8;
	[tilespmem:$0x1C100] =	vst v63  }
0x90: {  	s17 =	simm.s32 $0x13100;
	s19 =	simm.s32 $0x0  }
0x91: {  	[tilespmem:s17], [sflag:$0x5] =	stream.indirect_vreg.gather [hbm4b:s8+s3], $0x80, v3, vm0, $0xb8;
	[tilespmem:$0x1C100] =	vst v63  }
0x92: {  	s18 =	simm.s32 $0x13900;
	s15 =	sand.u32 $0x2000, s19  }
0x93: {  	[tilespmem:s18], [sflag:$0x5] =	stream.indirect_vreg.gather [hbm4b:s9+s3], $0x80, v3, vm0, $0xb8;
	[tilespmem:$0x1C100] =	vst v63  }
0x94: {  	s20 =	sand.u32 $0x1800, s3;
	s17 =	simm.s32 $0x0;
	_ =	swait.ge [sflag:s25], $0x4000  }
0x95: {  	s15 =	sor.u32 s20, s15;
	s17 =	sand.u32 $0x380, s17;
	[sflag:s25] =	ssyncset.done $0x0  }
0x96: {  	s15 =	sor.u32 s15, s17;
	[sflag:s25] =	ssyncadd.s32 $0xFFFFC000  }
0x97: {  	v3 =	vld [tilespmem:s15+$0x570]  }
0x98: {  	v4 =	vld [tilespmem:s15+$0x100]  }
0x99: {  	v5 =	vld [tilespmem:s15+$0x110]  }
0x9a: {  	v8 =	vld [tilespmem:s15+$0x120]  }
0x9b: {  	v9 =	vld [tilespmem:s15+$0x130]  }
0x9c: {  	v10 =	vld [tilespmem:s15+$0x140];
	v3 =	vmul.f32 $3.125000000e-02, v3  }
0x9d: {  	v7 =	vld [tilespmem:s15+$0x150];
	v4 =	vmul.f32 $3.125000000e-02, v4  }
0x9e: {  	v6 =	vld [tilespmem:s15+$0x160];
	v11 =	vmul.f32 $3.125000000e-02, v5;
	[tilespmem:s15+$0x570] =	vst v3  }
0x9f: {  	v5 =	vld [tilespmem:s15+$0x170];
	[tilespmem:s15+$0x100] =	vst v4;
	v4 =	vmul.f32 $3.125000000e-02, v8  }
0xa0: {  	v9 =	vmul.f32 $3.125000000e-02, v9;
	[tilespmem:s15+$0x110] =	vst v11;
	v3 =	vld [tilespmem:s15+$0x500]  }
0xa1: {  	s16 =	simm.s32 $0x0;
	s17 =	simm.s32 $0x0;
	v8 =	vmul.f32 $3.125000000e-02, v10;
	[tilespmem:s15+$0x120] =	vst v4;
	v4 =	vld [tilespmem:s15+$0x510]  }
.LBB2_2:
0xa2: {  	s16 =	sadd.s32 $0x10, s16;
	[tilespmem:s15+$0x130] =	vst v9;
	v7 =	vmul.f32 $3.125000000e-02, v7;
	v9 =	vld [tilespmem:s15+$0x520]  }
0xa3: {  	s17 =	sadd.s32 $0x800, s17;
	s20 =	sshll.u32 s16, $0x4;
	p0 =	slt.u32 s16, $0x3F0;
	[tilespmem:s15+$0x140] =	vst v8;
	v6 =	vmul.f32 $3.125000000e-02, v6;
	v8 =	vld [tilespmem:s15+$0x530]  }
0xa4: {  	s18 =	sand.u32 $0x1800, s17;
	s19 =	sshll.u32 s16, $0x1;
	s20 =	sand.u32 $0x2000, s20;
	[tilespmem:s15+$0x150] =	vst v7;
	v5 =	vmul.f32 $3.125000000e-02, v5;
	v7 =	vld [tilespmem:s15+$0x540]  }
0xa5: {  	s19 =	sand.u32 $0x380, s19;
	s18 =	sor.u32 s18, s20;
	[tilespmem:s15+$0x160] =	vst v6;
	v3 =	vmul.f32 $3.125000000e-02, v3;
	v6 =	vld [tilespmem:s15+$0x550]  }
0xa6: {  	s18 =	sor.u32 s18, s19;
	[tilespmem:s15+$0x170] =	vst v5;
	v4 =	vmul.f32 $3.125000000e-02, v4;
	v5 =	vld [tilespmem:s15+$0x560]  }
0xa7: {  	v10 =	vld [tilespmem:s18+$0x570];
	[tilespmem:s15+$0x500] =	vst v3;
	v3 =	vmul.f32 $3.125000000e-02, v9  }
0xa8: {  	v9 =	vld [tilespmem:s18+$0x100];
	[tilespmem:s15+$0x510] =	vst v4;
	v4 =	vmul.f32 $3.125000000e-02, v8  }
0xa9: {  	v8 =	vld [tilespmem:s18+$0x110];
	[tilespmem:s15+$0x520] =	vst v3;
	v3 =	vmul.f32 $3.125000000e-02, v7  }
0xaa: {  	v11 =	vld [tilespmem:s18+$0x120];
	[tilespmem:s15+$0x530] =	vst v4;
	v4 =	vmul.f32 $3.125000000e-02, v6  }
0xab: {  	v12 =	vld [tilespmem:s18+$0x130];
	[tilespmem:s15+$0x540] =	vst v3;
	v3 =	vmul.f32 $3.125000000e-02, v5  }
0xac: {  	v13 =	vld [tilespmem:s18+$0x140];
	v5 =	vmul.f32 $3.125000000e-02, v10;
	[tilespmem:s15+$0x550] =	vst v4  }
.Ltmp0:
0xad: {  	v4 =	vmul.f32 $3.125000000e-02, v9;
	v7 =	vld [tilespmem:s18+$0x150];
	[tilespmem:s15+$0x560] =	vst v3;
	s15 =	smov.u32 s18;
	(pc) =	sbr.rel @p0 .LBB2_2-.Ltmp0, $4  }
0xae: {  	v3 =	vmul.f32 $3.125000000e-02, v8;
	v6 =	vld [tilespmem:s15+$0x160];
	[tilespmem:s15+$0x570] =	vst v5  }
0xaf: {  	[tilespmem:s15+$0x100] =	vst v4;
	v4 =	vmul.f32 $3.125000000e-02, v11;
	v5 =	vld [tilespmem:s15+$0x170]  }
0xb0: {  	[tilespmem:s15+$0x110] =	vst v3;
	v9 =	vmul.f32 $3.125000000e-02, v12;
	v3 =	vld [tilespmem:s15+$0x500]  }
0xb1: {  	[tilespmem:s15+$0x120] =	vst v4;
	v8 =	vmul.f32 $3.125000000e-02, v13;
	v4 =	vld [tilespmem:s15+$0x510]  }
0xb2: {  	[tilespmem:s15+$0x130] =	vst v9;
	v7 =	vmul.f32 $3.125000000e-02, v7;
	v9 =	vld [tilespmem:s15+$0x520]  }
0xb3: {  	[tilespmem:s15+$0x140] =	vst v8;
	v6 =	vmul.f32 $3.125000000e-02, v6;
	v8 =	vld [tilespmem:s15+$0x530]  }
0xb4: {  	[tilespmem:s15+$0x150] =	vst v7;
	v5 =	vmul.f32 $3.125000000e-02, v5;
	v7 =	vld [tilespmem:s15+$0x540]  }
0xb5: {  	[tilespmem:s15+$0x160] =	vst v6;
	v3 =	vmul.f32 $3.125000000e-02, v3;
	v6 =	vld [tilespmem:s15+$0x550]  }
0xb6: {  	[tilespmem:s15+$0x170] =	vst v5;
	v4 =	vmul.f32 $3.125000000e-02, v4;
	v5 =	vld [tilespmem:s15+$0x560]  }
0xb7: {  	[tilespmem:s15+$0x500] =	vst v3;
	v3 =	vmul.f32 $3.125000000e-02, v9  }
0xb8: {  	[tilespmem:s15+$0x510] =	vst v4;
	v4 =	vmul.f32 $3.125000000e-02, v8  }
0xb9: {  	[tilespmem:s15+$0x520] =	vst v3;
	v3 =	vmul.f32 $3.125000000e-02, v7  }
0xba: {  	[tilespmem:s15+$0x530] =	vst v4;
	v4 =	vmul.f32 $3.125000000e-02, v6  }
0xbb: {  	[tilespmem:s15+$0x540] =	vst v3;
	v3 =	vmul.f32 $3.125000000e-02, v5  }
0xbc: {  	[tilespmem:s15+$0x550] =	vst v4  }
0xbd: {  	[tilespmem:s15+$0x560] =	vst v3  }
0xbe: {  	s15 =	simm.s32 $0x0;
	s16 =	rddreg [dreg:$0x6]  }
0xbf: {  	[hbm4b:s16+s15] =	stream.linear.scatter [tilespmem:s29], [sflag:$0x8], $0x4000, $0x38;
	[tilespmem:$0x1C100] =	vst v63  }
0xc0: {  	v3 =	vld [tilespmem:$0x50];
	_ =	sdelay $0x4  }
0xc1: {  	v4 =	vshll.u32 v3, $0x3  }
0xc2: {  	v3 =	vand.u32 $0x7, v3;
	v4 =	vand.u32 $0xFFFFFFC0, v4  }
0xc3: {  	v3 =	vor.u32 v3, v4  }
0xc4: {  	v4 =	vperm.xlane v3, v0;
	_ =	sdelay $0x1  }
0xc5: {  	v4 =	vadd.s32 v1, v4;
	_ =	sdelay $0x4  }
0xc6: {  	[tilespmem:s22], [sflag:$0x6] =	stream.indirect_vreg.gather [hbm4b:s1+s15], $0x80, v4, vm0, $0xb8;
	[tilespmem:$0x1C100] =	vst v63  }
0xc7: {  	s17 =	simm.s32 $0x14900;
	v3 =	vperm.xlane v3, v2  }
0xc8: {  	[tilespmem:s17], [sflag:$0x6] =	stream.indirect_vreg.gather [hbm4b:s6+s15], $0x80, v4, vm0, $0xb8;
	[tilespmem:$0x1C100] =	vst v63  }
0xc9: {  	s18 =	simm.s32 $0x15100;
	v3 =	vadd.s32 v1, v3  }
0xca: {  	[tilespmem:s18], [sflag:$0x6] =	stream.indirect_vreg.gather [hbm4b:s8+s15], $0x80, v4, vm0, $0xb8;
	[tilespmem:$0x1C100] =	vst v63  }
0xcb: {  	s19 =	simm.s32 $0x15900  }
0xcc: {  	[tilespmem:s19], [sflag:$0x6] =	stream.indirect_vreg.gather [hbm4b:s9+s15], $0x80, v4, vm0, $0xb8;
	[tilespmem:$0x1C100] =	vst v63  }
0xcd: {  	s20 =	simm.s32 $0x16100  }
0xce: {  	[tilespmem:s20], [sflag:$0x6] =	stream.indirect_vreg.gather [hbm4b:s1+s15], $0x80, v3, vm0, $0xb8;
	[tilespmem:$0x1C100] =	vst v63  }
0xcf: {  	s17 =	simm.s32 $0x16900  }
0xd0: {  	[tilespmem:s17], [sflag:$0x6] =	stream.indirect_vreg.gather [hbm4b:s6+s15], $0x80, v3, vm0, $0xb8;
	[tilespmem:$0x1C100] =	vst v63  }
0xd1: {  	s18 =	simm.s32 $0x17100;
	s20 =	simm.s32 $0x0  }
0xd2: {  	[tilespmem:s18], [sflag:$0x6] =	stream.indirect_vreg.gather [hbm4b:s8+s15], $0x80, v3, vm0, $0xb8;
	[tilespmem:$0x1C100] =	vst v63  }
0xd3: {  	s19 =	simm.s32 $0x17900;
	s16 =	sand.u32 $0x2000, s20  }
0xd4: {  	[tilespmem:s19], [sflag:$0x6] =	stream.indirect_vreg.gather [hbm4b:s9+s15], $0x80, v3, vm0, $0xb8;
	[tilespmem:$0x1C100] =	vst v63  }
0xd5: {  	s17 =	sand.u32 $0x1800, s15;
	s18 =	simm.s32 $0x0;
	_ =	swait.ge [sflag:s23], $0x4000  }
0xd6: {  	s16 =	sor.u32 s17, s16;
	s18 =	sand.u32 $0x380, s18;
	[sflag:s23] =	ssyncset.done $0x0  }
0xd7: {  	s16 =	sor.u32 s16, s18;
	[sflag:s23] =	ssyncadd.s32 $0xFFFFC000  }
0xd8: {  	v3 =	vld [tilespmem:s16+$0x4570]  }
0xd9: {  	v4 =	vld [tilespmem:s16+$0x4100]  }
0xda: {  	v5 =	vld [tilespmem:s16+$0x4110]  }
0xdb: {  	v8 =	vld [tilespmem:s16+$0x4120]  }
0xdc: {  	v9 =	vld [tilespmem:s16+$0x4130]  }
0xdd: {  	v10 =	vld [tilespmem:s16+$0x4140];
	v3 =	vmul.f32 $3.125000000e-02, v3  }
0xde: {  	v7 =	vld [tilespmem:s16+$0x4150];
	v4 =	vmul.f32 $3.125000000e-02, v4  }
0xdf: {  	v6 =	vld [tilespmem:s16+$0x4160];
	v11 =	vmul.f32 $3.125000000e-02, v5;
	[tilespmem:s16+$0x4570] =	vst v3  }
0xe0: {  	v5 =	vld [tilespmem:s16+$0x4170];
	[tilespmem:s16+$0x4100] =	vst v4;
	v4 =	vmul.f32 $3.125000000e-02, v8  }
0xe1: {  	v9 =	vmul.f32 $3.125000000e-02, v9;
	[tilespmem:s16+$0x4110] =	vst v11;
	v3 =	vld [tilespmem:s16+$0x4500]  }
0xe2: {  	s17 =	simm.s32 $0x0;
	v8 =	vmul.f32 $3.125000000e-02, v10;
	[tilespmem:s16+$0x4120] =	vst v4;
	v4 =	vld [tilespmem:s16+$0x4510]  }
.LBB2_4:
0xe3: {  	s17 =	sadd.s32 $0x10, s17;
	[tilespmem:s16+$0x4130] =	vst v9;
	v7 =	vmul.f32 $3.125000000e-02, v7;
	v9 =	vld [tilespmem:s16+$0x4520]  }
0xe4: {  	s15 =	sadd.s32 $0x800, s15;
	s18 =	sshll.u32 s17, $0x4;
	p0 =	slt.u32 s17, $0x3F0;
	[tilespmem:s16+$0x4140] =	vst v8;
	v6 =	vmul.f32 $3.125000000e-02, v6;
	v8 =	vld [tilespmem:s16+$0x4530]  }
0xe5: {  	s19 =	sand.u32 $0x1800, s15;
	s20 =	sshll.u32 s17, $0x1;
	s18 =	sand.u32 $0x2000, s18;
	[tilespmem:s16+$0x4150] =	vst v7;
	v5 =	vmul.f32 $3.125000000e-02, v5;
	v7 =	vld [tilespmem:s16+$0x4540]  }
0xe6: {  	s20 =	sand.u32 $0x380, s20;
	s18 =	sor.u32 s19, s18;
	[tilespmem:s16+$0x4160] =	vst v6;
	v3 =	vmul.f32 $3.125000000e-02, v3;
	v6 =	vld [tilespmem:s16+$0x4550]  }
0xe7: {  	s18 =	sor.u32 s18, s20;
	[tilespmem:s16+$0x4170] =	vst v5;
	v4 =	vmul.f32 $3.125000000e-02, v4;
	v5 =	vld [tilespmem:s16+$0x4560]  }
0xe8: {  	v10 =	vld [tilespmem:s18+$0x4570];
	[tilespmem:s16+$0x4500] =	vst v3;
	v3 =	vmul.f32 $3.125000000e-02, v9  }
0xe9: {  	v9 =	vld [tilespmem:s18+$0x4100];
	[tilespmem:s16+$0x4510] =	vst v4;
	v4 =	vmul.f32 $3.125000000e-02, v8  }
0xea: {  	v8 =	vld [tilespmem:s18+$0x4110];
	[tilespmem:s16+$0x4520] =	vst v3;
	v3 =	vmul.f32 $3.125000000e-02, v7  }
0xeb: {  	v11 =	vld [tilespmem:s18+$0x4120];
	[tilespmem:s16+$0x4530] =	vst v4;
	v4 =	vmul.f32 $3.125000000e-02, v6  }
0xec: {  	v12 =	vld [tilespmem:s18+$0x4130];
	[tilespmem:s16+$0x4540] =	vst v3;
	v3 =	vmul.f32 $3.125000000e-02, v5  }
0xed: {  	v13 =	vld [tilespmem:s18+$0x4140];
	v5 =	vmul.f32 $3.125000000e-02, v10;
	[tilespmem:s16+$0x4550] =	vst v4  }
.Ltmp1:
0xee: {  	v4 =	vmul.f32 $3.125000000e-02, v9;
	v7 =	vld [tilespmem:s18+$0x4150];
	[tilespmem:s16+$0x4560] =	vst v3;
	s16 =	smov.u32 s18;
	(pc) =	sbr.rel @p0 .LBB2_4-.Ltmp1, $4  }
0xef: {  	v3 =	vmul.f32 $3.125000000e-02, v8;
	v6 =	vld [tilespmem:s16+$0x4160];
	[tilespmem:s16+$0x4570] =	vst v5  }
0xf0: {  	[tilespmem:s16+$0x4100] =	vst v4;
	v4 =	vmul.f32 $3.125000000e-02, v11;
	v5 =	vld [tilespmem:s16+$0x4170]  }
0xf1: {  	[tilespmem:s16+$0x4110] =	vst v3;
	v9 =	vmul.f32 $3.125000000e-02, v12;
	v3 =	vld [tilespmem:s16+$0x4500]  }
0xf2: {  	[tilespmem:s16+$0x4120] =	vst v4;
	v8 =	vmul.f32 $3.125000000e-02, v13;
	v4 =	vld [tilespmem:s16+$0x4510]  }
0xf3: {  	[tilespmem:s16+$0x4130] =	vst v9;
	v7 =	vmul.f32 $3.125000000e-02, v7;
	v9 =	vld [tilespmem:s16+$0x4520]  }
0xf4: {  	[tilespmem:s16+$0x4140] =	vst v8;
	v6 =	vmul.f32 $3.125000000e-02, v6;
	v8 =	vld [tilespmem:s16+$0x4530]  }
0xf5: {  	[tilespmem:s16+$0x4150] =	vst v7;
	v5 =	vmul.f32 $3.125000000e-02, v5;
	v7 =	vld [tilespmem:s16+$0x4540]  }
0xf6: {  	[tilespmem:s16+$0x4160] =	vst v6;
	v3 =	vmul.f32 $3.125000000e-02, v3;
	v6 =	vld [tilespmem:s16+$0x4550]  }
0xf7: {  	[tilespmem:s16+$0x4170] =	vst v5;
	v4 =	vmul.f32 $3.125000000e-02, v4;
	v5 =	vld [tilespmem:s16+$0x4560]  }
0xf8: {  	[tilespmem:s16+$0x4500] =	vst v3;
	v3 =	vmul.f32 $3.125000000e-02, v9  }
0xf9: {  	[tilespmem:s16+$0x4510] =	vst v4;
	v4 =	vmul.f32 $3.125000000e-02, v8  }
0xfa: {  	[tilespmem:s16+$0x4520] =	vst v3;
	v3 =	vmul.f32 $3.125000000e-02, v7  }
0xfb: {  	[tilespmem:s16+$0x4530] =	vst v4;
	v4 =	vmul.f32 $3.125000000e-02, v6  }
0xfc: {  	[tilespmem:s16+$0x4540] =	vst v3;
	v3 =	vmul.f32 $3.125000000e-02, v5  }
0xfd: {  	[tilespmem:s16+$0x4550] =	vst v4  }
0xfe: {  	[tilespmem:s16+$0x4560] =	vst v3  }
0xff: {  	s15 =	simm.s32 $0x0;
	s16 =	rddreg [dreg:$0x7]  }
0x100: {  	[hbm4b:s16+s15] =	stream.linear.scatter [tilespmem:s10], [sflag:$0x9], $0x4000, $0x38;
	[tilespmem:$0x1C100] =	vst v63  }
0x101: {  	v3 =	vld [tilespmem:$0x60];
	_ =	sdelay $0x4  }
0x102: {  	v4 =	vshll.u32 v3, $0x3  }
0x103: {  	v3 =	vand.u32 $0x7, v3;
	v4 =	vand.u32 $0xFFFFFFC0, v4  }
0x104: {  	v3 =	vor.u32 v3, v4  }
0x105: {  	v4 =	vperm.xlane v3, v0;
	_ =	sdelay $0x1  }
0x106: {  	v4 =	vadd.s32 v1, v4;
	_ =	sdelay $0x4  }
0x107: {  	[tilespmem:s24], [sflag:$0x7] =	stream.indirect_vreg.gather [hbm4b:s1+s15], $0x80, v4, vm0, $0xb8;
	[tilespmem:$0x1C100] =	vst v63  }
0x108: {  	s17 =	simm.s32 $0x18900;
	v3 =	vperm.xlane v3, v2  }
0x109: {  	[tilespmem:s17], [sflag:$0x7] =	stream.indirect_vreg.gather [hbm4b:s6+s15], $0x80, v4, vm0, $0xb8;
	[tilespmem:$0x1C100] =	vst v63  }
0x10a: {  	s18 =	simm.s32 $0x19100;
	v3 =	vadd.s32 v1, v3  }
0x10b: {  	[tilespmem:s18], [sflag:$0x7] =	stream.indirect_vreg.gather [hbm4b:s8+s15], $0x80, v4, vm0, $0xb8;
	[tilespmem:$0x1C100] =	vst v63  }
0x10c: {  	s19 =	simm.s32 $0x19900  }
0x10d: {  	[tilespmem:s19], [sflag:$0x7] =	stream.indirect_vreg.gather [hbm4b:s9+s15], $0x80, v4, vm0, $0xb8;
	[tilespmem:$0x1C100] =	vst v63  }
0x10e: {  	s20 =	simm.s32 $0x1A100  }
0x10f: {  	[tilespmem:s20], [sflag:$0x7] =	stream.indirect_vreg.gather [hbm4b:s1+s15], $0x80, v3, vm0, $0xb8;
	[tilespmem:$0x1C100] =	vst v63  }
0x110: {  	s17 =	simm.s32 $0x1A900  }
0x111: {  	[tilespmem:s17], [sflag:$0x7] =	stream.indirect_vreg.gather [hbm4b:s6+s15], $0x80, v3, vm0, $0xb8;
	[tilespmem:$0x1C100] =	vst v63  }
0x112: {  	s18 =	simm.s32 $0x1B100;
	s20 =	simm.s32 $0x0  }
0x113: {  	[tilespmem:s18], [sflag:$0x7] =	stream.indirect_vreg.gather [hbm4b:s8+s15], $0x80, v3, vm0, $0xb8;
	[tilespmem:$0x1C100] =	vst v63  }
0x114: {  	s19 =	simm.s32 $0x1B900;
	s16 =	sand.u32 $0x2000, s20  }
0x115: {  	[tilespmem:s19], [sflag:$0x7] =	stream.indirect_vreg.gather [hbm4b:s9+s15], $0x80, v3, vm0, $0xb8;
	[tilespmem:$0x1C100] =	vst v63  }
0x116: {  	s17 =	sand.u32 $0x1800, s15;
	s18 =	simm.s32 $0x0;
	_ =	swait.ge [sflag:s7], $0x4000  }
0x117: {  	s16 =	sor.u32 s17, s16;
	s18 =	sand.u32 $0x380, s18;
	[sflag:s7] =	ssyncset.done $0x0  }
0x118: {  	s16 =	sor.u32 s16, s18;
	[sflag:s7] =	ssyncadd.s32 $0xFFFFC000  }
0x119: {  	v3 =	vld [tilespmem:s16+$0x8570]  }
0x11a: {  	v4 =	vld [tilespmem:s16+$0x8100]  }
0x11b: {  	v5 =	vld [tilespmem:s16+$0x8110]  }
0x11c: {  	v8 =	vld [tilespmem:s16+$0x8120]  }
0x11d: {  	v9 =	vld [tilespmem:s16+$0x8130]  }
0x11e: {  	v10 =	vld [tilespmem:s16+$0x8140];
	v3 =	vmul.f32 $3.125000000e-02, v3  }
0x11f: {  	v7 =	vld [tilespmem:s16+$0x8150];
	v4 =	vmul.f32 $3.125000000e-02, v4  }
0x120: {  	v6 =	vld [tilespmem:s16+$0x8160];
	v11 =	vmul.f32 $3.125000000e-02, v5;
	[tilespmem:s16+$0x8570] =	vst v3  }
0x121: {  	v5 =	vld [tilespmem:s16+$0x8170];
	[tilespmem:s16+$0x8100] =	vst v4;
	v4 =	vmul.f32 $3.125000000e-02, v8  }
0x122: {  	v9 =	vmul.f32 $3.125000000e-02, v9;
	[tilespmem:s16+$0x8110] =	vst v11;
	v3 =	vld [tilespmem:s16+$0x8500]  }
0x123: {  	s17 =	simm.s32 $0x0;
	v8 =	vmul.f32 $3.125000000e-02, v10;
	[tilespmem:s16+$0x8120] =	vst v4;
	v4 =	vld [tilespmem:s16+$0x8510]  }
.LBB2_6:
0x124: {  	s17 =	sadd.s32 $0x10, s17;
	[tilespmem:s16+$0x8130] =	vst v9;
	v7 =	vmul.f32 $3.125000000e-02, v7;
	v9 =	vld [tilespmem:s16+$0x8520]  }
0x125: {  	s15 =	sadd.s32 $0x800, s15;
	s18 =	sshll.u32 s17, $0x4;
	p0 =	slt.u32 s17, $0x3F0;
	[tilespmem:s16+$0x8140] =	vst v8;
	v6 =	vmul.f32 $3.125000000e-02, v6;
	v8 =	vld [tilespmem:s16+$0x8530]  }
0x126: {  	s19 =	sand.u32 $0x1800, s15;
	s20 =	sshll.u32 s17, $0x1;
	s18 =	sand.u32 $0x2000, s18;
	[tilespmem:s16+$0x8150] =	vst v7;
	v5 =	vmul.f32 $3.125000000e-02, v5;
	v7 =	vld [tilespmem:s16+$0x8540]  }
0x127: {  	s20 =	sand.u32 $0x380, s20;
	s18 =	sor.u32 s19, s18;
	[tilespmem:s16+$0x8160] =	vst v6;
	v3 =	vmul.f32 $3.125000000e-02, v3;
	v6 =	vld [tilespmem:s16+$0x8550]  }
0x128: {  	s18 =	sor.u32 s18, s20;
	[tilespmem:s16+$0x8170] =	vst v5;
	v4 =	vmul.f32 $3.125000000e-02, v4;
	v5 =	vld [tilespmem:s16+$0x8560]  }
0x129: {  	v10 =	vld [tilespmem:s18+$0x8570];
	[tilespmem:s16+$0x8500] =	vst v3;
	v3 =	vmul.f32 $3.125000000e-02, v9  }
0x12a: {  	v9 =	vld [tilespmem:s18+$0x8100];
	[tilespmem:s16+$0x8510] =	vst v4;
	v4 =	vmul.f32 $3.125000000e-02, v8  }
0x12b: {  	v8 =	vld [tilespmem:s18+$0x8110];
	[tilespmem:s16+$0x8520] =	vst v3;
	v3 =	vmul.f32 $3.125000000e-02, v7  }
0x12c: {  	v11 =	vld [tilespmem:s18+$0x8120];
	[tilespmem:s16+$0x8530] =	vst v4;
	v4 =	vmul.f32 $3.125000000e-02, v6  }
0x12d: {  	v12 =	vld [tilespmem:s18+$0x8130];
	[tilespmem:s16+$0x8540] =	vst v3;
	v3 =	vmul.f32 $3.125000000e-02, v5  }
0x12e: {  	v13 =	vld [tilespmem:s18+$0x8140];
	v5 =	vmul.f32 $3.125000000e-02, v10;
	[tilespmem:s16+$0x8550] =	vst v4  }
.Ltmp2:
0x12f: {  	v4 =	vmul.f32 $3.125000000e-02, v9;
	v7 =	vld [tilespmem:s18+$0x8150];
	[tilespmem:s16+$0x8560] =	vst v3;
	s16 =	smov.u32 s18;
	(pc) =	sbr.rel @p0 .LBB2_6-.Ltmp2, $4  }
0x130: {  	v3 =	vmul.f32 $3.125000000e-02, v8;
	v6 =	vld [tilespmem:s16+$0x8160];
	[tilespmem:s16+$0x8570] =	vst v5  }
0x131: {  	[tilespmem:s16+$0x8100] =	vst v4;
	v4 =	vmul.f32 $3.125000000e-02, v11;
	v5 =	vld [tilespmem:s16+$0x8170]  }
0x132: {  	[tilespmem:s16+$0x8110] =	vst v3;
	v9 =	vmul.f32 $3.125000000e-02, v12;
	v3 =	vld [tilespmem:s16+$0x8500]  }
0x133: {  	[tilespmem:s16+$0x8120] =	vst v4;
	v8 =	vmul.f32 $3.125000000e-02, v13;
	v4 =	vld [tilespmem:s16+$0x8510]  }
0x134: {  	[tilespmem:s16+$0x8130] =	vst v9;
	v7 =	vmul.f32 $3.125000000e-02, v7;
	v9 =	vld [tilespmem:s16+$0x8520]  }
0x135: {  	[tilespmem:s16+$0x8140] =	vst v8;
	v6 =	vmul.f32 $3.125000000e-02, v6;
	v8 =	vld [tilespmem:s16+$0x8530]  }
0x136: {  	[tilespmem:s16+$0x8150] =	vst v7;
	v5 =	vmul.f32 $3.125000000e-02, v5;
	v7 =	vld [tilespmem:s16+$0x8540]  }
0x137: {  	[tilespmem:s16+$0x8160] =	vst v6;
	v3 =	vmul.f32 $3.125000000e-02, v3;
	v6 =	vld [tilespmem:s16+$0x8550]  }
0x138: {  	[tilespmem:s16+$0x8170] =	vst v5;
	v4 =	vmul.f32 $3.125000000e-02, v4;
	v5 =	vld [tilespmem:s16+$0x8560]  }
0x139: {  	[tilespmem:s16+$0x8500] =	vst v3;
	v3 =	vmul.f32 $3.125000000e-02, v9  }
0x13a: {  	[tilespmem:s16+$0x8510] =	vst v4;
	v4 =	vmul.f32 $3.125000000e-02, v8  }
0x13b: {  	[tilespmem:s16+$0x8520] =	vst v3;
	v3 =	vmul.f32 $3.125000000e-02, v7  }
0x13c: {  	[tilespmem:s16+$0x8530] =	vst v4;
	v4 =	vmul.f32 $3.125000000e-02, v6  }
0x13d: {  	[tilespmem:s16+$0x8540] =	vst v3;
	v3 =	vmul.f32 $3.125000000e-02, v5  }
0x13e: {  	[tilespmem:s16+$0x8550] =	vst v4  }
0x13f: {  	[tilespmem:s16+$0x8560] =	vst v3  }
0x140: {  	s15 =	simm.s32 $0x0;
	s17 =	simm.s32 $0x8100;
	s16 =	rddreg [dreg:$0x8]  }
0x141: {  	[hbm4b:s16+s15] =	stream.linear.scatter [tilespmem:s17], [sflag:$0xA], $0x4000, $0x38;
	[tilespmem:$0x1C100] =	vst v63  }
0x142: {  	_ =	swait.ge [sflag:s28], $0x4000  }
0x143: {  	[sflag:s28] =	ssyncset.done $0x0  }
0x144: {  	[sflag:s28] =	ssyncadd.s32 $0xFFFFC000  }
0x145: {  	v3 =	vld [tilespmem:$0x70];
	_ =	sdelay $0x4  }
0x146: {  	v4 =	vshll.u32 v3, $0x3  }
0x147: {  	v3 =	vand.u32 $0x7, v3;
	v4 =	vand.u32 $0xFFFFFFC0, v4  }
0x148: {  	v3 =	vor.u32 v3, v4  }
0x149: {  	v4 =	vperm.xlane v3, v0;
	_ =	sdelay $0x1  }
0x14a: {  	v4 =	vadd.s32 v1, v4;
	_ =	sdelay $0x4  }
0x14b: {  	[tilespmem:s29], [sflag:$0x1] =	stream.indirect_vreg.gather [hbm4b:s1+s15], $0x80, v4, vm0, $0xb8;
	[tilespmem:$0x1C100] =	vst v63  }
0x14c: {  	s20 =	simm.s32 $0x900;
	v3 =	vperm.xlane v3, v2  }
0x14d: {  	[tilespmem:s20], [sflag:$0x1] =	stream.indirect_vreg.gather [hbm4b:s6+s15], $0x80, v4, vm0, $0xb8;
	[tilespmem:$0x1C100] =	vst v63  }
0x14e: {  	s17 =	simm.s32 $0x1100;
	v3 =	vadd.s32 v1, v3  }
0x14f: {  	[tilespmem:s17], [sflag:$0x1] =	stream.indirect_vreg.gather [hbm4b:s8+s15], $0x80, v4, vm0, $0xb8;
	[tilespmem:$0x1C100] =	vst v63  }
0x150: {  	s18 =	simm.s32 $0x1900  }
0x151: {  	[tilespmem:s18], [sflag:$0x1] =	stream.indirect_vreg.gather [hbm4b:s9+s15], $0x80, v4, vm0, $0xb8;
	[tilespmem:$0x1C100] =	vst v63  }
0x152: {  	s19 =	simm.s32 $0x2100  }
0x153: {  	[tilespmem:s19], [sflag:$0x1] =	stream.indirect_vreg.gather [hbm4b:s1+s15], $0x80, v3, vm0, $0xb8;
	[tilespmem:$0x1C100] =	vst v63  }
0x154: {  	s20 =	simm.s32 $0x2900  }
0x155: {  	[tilespmem:s20], [sflag:$0x1] =	stream.indirect_vreg.gather [hbm4b:s6+s15], $0x80, v3, vm0, $0xb8;
	[tilespmem:$0x1C100] =	vst v63  }
0x156: {  	s17 =	simm.s32 $0x3100;
	s19 =	simm.s32 $0x0  }
0x157: {  	[tilespmem:s17], [sflag:$0x1] =	stream.indirect_vreg.gather [hbm4b:s8+s15], $0x80, v3, vm0, $0xb8;
	[tilespmem:$0x1C100] =	vst v63  }
0x158: {  	s18 =	simm.s32 $0x3900;
	s16 =	sand.u32 $0x2000, s19  }
0x159: {  	[tilespmem:s18], [sflag:$0x1] =	stream.indirect_vreg.gather [hbm4b:s9+s15], $0x80, v3, vm0, $0xb8;
	[tilespmem:$0x1C100] =	vst v63  }
0x15a: {  	s20 =	sand.u32 $0x1800, s15;
	s18 =	simm.s32 $0x0;
	_ =	swait.ge [sflag:s30], $0x4000  }
0x15b: {  	s16 =	sor.u32 s20, s16;
	s18 =	sand.u32 $0x380, s18;
	[sflag:s30] =	ssyncset.done $0x0  }
0x15c: {  	s16 =	sor.u32 s16, s18;
	[sflag:s30] =	ssyncadd.s32 $0xFFFFC000  }
0x15d: {  	v3 =	vld [tilespmem:s16+$0xC570]  }
0x15e: {  	v4 =	vld [tilespmem:s16+$0xC100]  }
0x15f: {  	v5 =	vld [tilespmem:s16+$0xC110]  }
0x160: {  	v8 =	vld [tilespmem:s16+$0xC120]  }
0x161: {  	v9 =	vld [tilespmem:s16+$0xC130]  }
0x162: {  	v10 =	vld [tilespmem:s16+$0xC140];
	v3 =	vmul.f32 $3.125000000e-02, v3  }
0x163: {  	v7 =	vld [tilespmem:s16+$0xC150];
	v4 =	vmul.f32 $3.125000000e-02, v4  }
0x164: {  	v6 =	vld [tilespmem:s16+$0xC160];
	v11 =	vmul.f32 $3.125000000e-02, v5;
	[tilespmem:s16+$0xC570] =	vst v3  }
0x165: {  	v5 =	vld [tilespmem:s16+$0xC170];
	[tilespmem:s16+$0xC100] =	vst v4;
	v4 =	vmul.f32 $3.125000000e-02, v8  }
0x166: {  	v9 =	vmul.f32 $3.125000000e-02, v9;
	[tilespmem:s16+$0xC110] =	vst v11;
	v3 =	vld [tilespmem:s16+$0xC500]  }
0x167: {  	s17 =	simm.s32 $0x0;
	v8 =	vmul.f32 $3.125000000e-02, v10;
	[tilespmem:s16+$0xC120] =	vst v4;
	v4 =	vld [tilespmem:s16+$0xC510]  }
.LBB2_8:
0x168: {  	s17 =	sadd.s32 $0x10, s17;
	[tilespmem:s16+$0xC130] =	vst v9;
	v7 =	vmul.f32 $3.125000000e-02, v7;
	v9 =	vld [tilespmem:s16+$0xC520]  }
0x169: {  	s15 =	sadd.s32 $0x800, s15;
	s18 =	sshll.u32 s17, $0x4;
	p0 =	slt.u32 s17, $0x3F0;
	[tilespmem:s16+$0xC140] =	vst v8;
	v6 =	vmul.f32 $3.125000000e-02, v6;
	v8 =	vld [tilespmem:s16+$0xC530]  }
0x16a: {  	s19 =	sand.u32 $0x1800, s15;
	s20 =	sshll.u32 s17, $0x1;
	s18 =	sand.u32 $0x2000, s18;
	[tilespmem:s16+$0xC150] =	vst v7;
	v5 =	vmul.f32 $3.125000000e-02, v5;
	v7 =	vld [tilespmem:s16+$0xC540]  }
0x16b: {  	s20 =	sand.u32 $0x380, s20;
	s18 =	sor.u32 s19, s18;
	[tilespmem:s16+$0xC160] =	vst v6;
	v3 =	vmul.f32 $3.125000000e-02, v3;
	v6 =	vld [tilespmem:s16+$0xC550]  }
0x16c: {  	s18 =	sor.u32 s18, s20;
	[tilespmem:s16+$0xC170] =	vst v5;
	v4 =	vmul.f32 $3.125000000e-02, v4;
	v5 =	vld [tilespmem:s16+$0xC560]  }
0x16d: {  	v10 =	vld [tilespmem:s18+$0xC570];
	[tilespmem:s16+$0xC500] =	vst v3;
	v3 =	vmul.f32 $3.125000000e-02, v9  }
0x16e: {  	v9 =	vld [tilespmem:s18+$0xC100];
	[tilespmem:s16+$0xC510] =	vst v4;
	v4 =	vmul.f32 $3.125000000e-02, v8  }
0x16f: {  	v8 =	vld [tilespmem:s18+$0xC110];
	[tilespmem:s16+$0xC520] =	vst v3;
	v3 =	vmul.f32 $3.125000000e-02, v7  }
0x170: {  	v11 =	vld [tilespmem:s18+$0xC120];
	[tilespmem:s16+$0xC530] =	vst v4;
	v4 =	vmul.f32 $3.125000000e-02, v6  }
0x171: {  	v12 =	vld [tilespmem:s18+$0xC130];
	[tilespmem:s16+$0xC540] =	vst v3;
	v3 =	vmul.f32 $3.125000000e-02, v5  }
0x172: {  	v13 =	vld [tilespmem:s18+$0xC140];
	v5 =	vmul.f32 $3.125000000e-02, v10;
	[tilespmem:s16+$0xC550] =	vst v4  }
.Ltmp3:
0x173: {  	v4 =	vmul.f32 $3.125000000e-02, v9;
	v7 =	vld [tilespmem:s18+$0xC150];
	[tilespmem:s16+$0xC560] =	vst v3;
	s16 =	smov.u32 s18;
	(pc) =	sbr.rel @p0 .LBB2_8-.Ltmp3, $4  }
0x174: {  	v3 =	vmul.f32 $3.125000000e-02, v8;
	v6 =	vld [tilespmem:s16+$0xC160];
	[tilespmem:s16+$0xC570] =	vst v5  }
0x175: {  	[tilespmem:s16+$0xC100] =	vst v4;
	v4 =	vmul.f32 $3.125000000e-02, v11;
	v5 =	vld [tilespmem:s16+$0xC170]  }
0x176: {  	[tilespmem:s16+$0xC110] =	vst v3;
	v9 =	vmul.f32 $3.125000000e-02, v12;
	v3 =	vld [tilespmem:s16+$0xC500]  }
0x177: {  	[tilespmem:s16+$0xC120] =	vst v4;
	v8 =	vmul.f32 $3.125000000e-02, v13;
	v4 =	vld [tilespmem:s16+$0xC510]  }
0x178: {  	[tilespmem:s16+$0xC130] =	vst v9;
	v7 =	vmul.f32 $3.125000000e-02, v7;
	v9 =	vld [tilespmem:s16+$0xC520]  }
0x179: {  	[tilespmem:s16+$0xC140] =	vst v8;
	v6 =	vmul.f32 $3.125000000e-02, v6;
	v8 =	vld [tilespmem:s16+$0xC530]  }
0x17a: {  	[tilespmem:s16+$0xC150] =	vst v7;
	v5 =	vmul.f32 $3.125000000e-02, v5;
	v7 =	vld [tilespmem:s16+$0xC540]  }
0x17b: {  	[tilespmem:s16+$0xC160] =	vst v6;
	v3 =	vmul.f32 $3.125000000e-02, v3;
	v6 =	vld [tilespmem:s16+$0xC550]  }
0x17c: {  	[tilespmem:s16+$0xC170] =	vst v5;
	v4 =	vmul.f32 $3.125000000e-02, v4;
	v5 =	vld [tilespmem:s16+$0xC560]  }
0x17d: {  	[tilespmem:s16+$0xC500] =	vst v3;
	v3 =	vmul.f32 $3.125000000e-02, v9  }
0x17e: {  	[tilespmem:s16+$0xC510] =	vst v4;
	v4 =	vmul.f32 $3.125000000e-02, v8  }
0x17f: {  	[tilespmem:s16+$0xC520] =	vst v3;
	v3 =	vmul.f32 $3.125000000e-02, v7  }
0x180: {  	[tilespmem:s16+$0xC530] =	vst v4;
	v4 =	vmul.f32 $3.125000000e-02, v6  }
0x181: {  	[tilespmem:s16+$0xC540] =	vst v3;
	v3 =	vmul.f32 $3.125000000e-02, v5  }
0x182: {  	[tilespmem:s16+$0xC550] =	vst v4  }
0x183: {  	[tilespmem:s16+$0xC560] =	vst v3  }
0x184: {  	s15 =	simm.s32 $0x0;
	s17 =	simm.s32 $0xC100;
	s16 =	rddreg [dreg:$0x9]  }
0x185: {  	[hbm4b:s16+s15] =	stream.linear.scatter [tilespmem:s17], [sflag:$0xB], $0x4000, $0x38;
	[tilespmem:$0x1C100] =	vst v63  }
0x186: {  	_ =	swait.ge [sflag:s31], $0x4000  }
0x187: {  	[sflag:s31] =	ssyncset.done $0x0  }
0x188: {  	[sflag:s31] =	ssyncadd.s32 $0xFFFFC000  }
0x189: {  	v3 =	vld [tilespmem:$0x80];
	_ =	sdelay $0x4  }
0x18a: {  	v4 =	vshll.u32 v3, $0x3  }
0x18b: {  	v3 =	vand.u32 $0x7, v3;
	v4 =	vand.u32 $0xFFFFFFC0, v4  }
0x18c: {  	v3 =	vor.u32 v3, v4  }
0x18d: {  	v4 =	vperm.xlane v3, v0;
	_ =	sdelay $0x1  }
0x18e: {  	v4 =	vadd.s32 v1, v4;
	_ =	sdelay $0x4  }
0x18f: {  	[tilespmem:s10], [sflag:$0x2] =	stream.indirect_vreg.gather [hbm4b:s1+s15], $0x80, v4, vm0, $0xb8;
	[tilespmem:$0x1C100] =	vst v63  }
0x190: {  	s20 =	simm.s32 $0x4900;
	v3 =	vperm.xlane v3, v2  }
0x191: {  	[tilespmem:s20], [sflag:$0x2] =	stream.indirect_vreg.gather [hbm4b:s6+s15], $0x80, v4, vm0, $0xb8;
	[tilespmem:$0x1C100] =	vst v63  }
0x192: {  	s17 =	simm.s32 $0x5100;
	v3 =	vadd.s32 v1, v3  }
0x193: {  	[tilespmem:s17], [sflag:$0x2] =	stream.indirect_vreg.gather [hbm4b:s8+s15], $0x80, v4, vm0, $0xb8;
	[tilespmem:$0x1C100] =	vst v63  }
0x194: {  	s18 =	simm.s32 $0x5900  }
0x195: {  	[tilespmem:s18], [sflag:$0x2] =	stream.indirect_vreg.gather [hbm4b:s9+s15], $0x80, v4, vm0, $0xb8;
	[tilespmem:$0x1C100] =	vst v63  }
0x196: {  	s19 =	simm.s32 $0x6100  }
0x197: {  	[tilespmem:s19], [sflag:$0x2] =	stream.indirect_vreg.gather [hbm4b:s1+s15], $0x80, v3, vm0, $0xb8;
	[tilespmem:$0x1C100] =	vst v63  }
0x198: {  	s20 =	simm.s32 $0x6900  }
0x199: {  	[tilespmem:s20], [sflag:$0x2] =	stream.indirect_vreg.gather [hbm4b:s6+s15], $0x80, v3, vm0, $0xb8;
	[tilespmem:$0x1C100] =	vst v63  }
0x19a: {  	s17 =	simm.s32 $0x7100;
	s19 =	simm.s32 $0x0  }
0x19b: {  	[tilespmem:s17], [sflag:$0x2] =	stream.indirect_vreg.gather [hbm4b:s8+s15], $0x80, v3, vm0, $0xb8;
	[tilespmem:$0x1C100] =	vst v63  }
0x19c: {  	s18 =	simm.s32 $0x7900;
	s16 =	sand.u32 $0x2000, s19  }
0x19d: {  	[tilespmem:s18], [sflag:$0x2] =	stream.indirect_vreg.gather [hbm4b:s9+s15], $0x80, v3, vm0, $0xb8;
	[tilespmem:$0x1C100] =	vst v63  }
0x19e: {  	s20 =	sand.u32 $0x1800, s15;
	s18 =	simm.s32 $0x0;
	_ =	swait.ge [sflag:s0], $0x4000  }
0x19f: {  	s16 =	sor.u32 s20, s16;
	s18 =	sand.u32 $0x380, s18;
	[sflag:s0] =	ssyncset.done $0x0  }
0x1a0: {  	s17 =	sor.u32 s16, s18;
	[sflag:s0] =	ssyncadd.s32 $0xFFFFC000  }
0x1a1: {  	s16 =	sadd.s32 $0x10100, s17;
	v3 =	vld [tilespmem:s17+$0x10100]  }
0x1a2: {  	v4 =	vld [tilespmem:s16+$0x470]  }
0x1a3: {  	v5 =	vld [tilespmem:s16+$0x10]  }
0x1a4: {  	v8 =	vld [tilespmem:s16+$0x20]  }
0x1a5: {  	v9 =	vld [tilespmem:s16+$0x30]  }
0x1a6: {  	v10 =	vld [tilespmem:s16+$0x40];
	v3 =	vmul.f32 $3.125000000e-02, v3  }
0x1a7: {  	v6 =	vld [tilespmem:s16+$0x50];
	v11 =	vmul.f32 $3.125000000e-02, v4  }
0x1a8: {  	v7 =	vld [tilespmem:s16+$0x60];
	[tilespmem:s17+$0x10100] =	vst v3;
	v3 =	vmul.f32 $3.125000000e-02, v5  }
0x1a9: {  	v4 =	vld [tilespmem:s16+$0x70];
	v5 =	vmul.f32 $3.125000000e-02, v8;
	[tilespmem:s16+$0x470] =	vst v11  }
0x1aa: {  	v9 =	vmul.f32 $3.125000000e-02, v9;
	[tilespmem:s16+$0x10] =	vst v3;
	v3 =	vld [tilespmem:s16+$0x400]  }
0x1ab: {  	s17 =	simm.s32 $0x0;
	v8 =	vmul.f32 $3.125000000e-02, v10;
	[tilespmem:s16+$0x20] =	vst v5;
	v5 =	vld [tilespmem:s16+$0x410]  }
.LBB2_10:
0x1ac: {  	s17 =	sadd.s32 $0x10, s17;
	[tilespmem:s16+$0x30] =	vst v9;
	v6 =	vmul.f32 $3.125000000e-02, v6;
	v9 =	vld [tilespmem:s16+$0x420]  }
0x1ad: {  	s15 =	sadd.s32 $0x800, s15;
	s18 =	sshll.u32 s17, $0x4;
	p0 =	slt.u32 s17, $0x3F0;
	[tilespmem:s16+$0x40] =	vst v8;
	v7 =	vmul.f32 $3.125000000e-02, v7;
	v8 =	vld [tilespmem:s16+$0x430]  }
0x1ae: {  	s19 =	sand.u32 $0x1800, s15;
	s20 =	sshll.u32 s17, $0x1;
	s18 =	sand.u32 $0x2000, s18;
	[tilespmem:s16+$0x50] =	vst v6;
	v4 =	vmul.f32 $3.125000000e-02, v4;
	v6 =	vld [tilespmem:s16+$0x440]  }
0x1af: {  	s20 =	sand.u32 $0x380, s20;
	s18 =	sor.u32 s19, s18;
	[tilespmem:s16+$0x60] =	vst v7;
	v3 =	vmul.f32 $3.125000000e-02, v3;
	v7 =	vld [tilespmem:s16+$0x450]  }
0x1b0: {  	s18 =	sor.u32 s18, s20;
	[tilespmem:s16+$0x70] =	vst v4;
	v4 =	vmul.f32 $3.125000000e-02, v5;
	v5 =	vld [tilespmem:s16+$0x460]  }
0x1b1: {  	s19 =	sadd.s32 $0x10100, s18;
	v10 =	vld [tilespmem:s18+$0x10100];
	[tilespmem:s16+$0x400] =	vst v3;
	v3 =	vmul.f32 $3.125000000e-02, v9  }
0x1b2: {  	v9 =	vld [tilespmem:s19+$0x470];
	[tilespmem:s16+$0x410] =	vst v4;
	v4 =	vmul.f32 $3.125000000e-02, v8  }
0x1b3: {  	v8 =	vld [tilespmem:s19+$0x10];
	[tilespmem:s16+$0x420] =	vst v3;
	v3 =	vmul.f32 $3.125000000e-02, v6  }
0x1b4: {  	v11 =	vld [tilespmem:s19+$0x20];
	[tilespmem:s16+$0x430] =	vst v4;
	v4 =	vmul.f32 $3.125000000e-02, v7  }
0x1b5: {  	v12 =	vld [tilespmem:s19+$0x30];
	[tilespmem:s16+$0x440] =	vst v3;
	v3 =	vmul.f32 $3.125000000e-02, v5  }
0x1b6: {  	v5 =	vmul.f32 $3.125000000e-02, v10;
	v10 =	vld [tilespmem:s19+$0x40];
	[tilespmem:s16+$0x450] =	vst v4  }
.Ltmp4:
0x1b7: {  	v6 =	vld [tilespmem:s19+$0x50];
	v9 =	vmul.f32 $3.125000000e-02, v9;
	[tilespmem:s16+$0x460] =	vst v3;
	s16 =	smov.u32 s19;
	(pc) =	sbr.rel @p0 .LBB2_10-.Ltmp4, $4  }
0x1b8: {  	[tilespmem:s18+$0x10100] =	vst v5;
	v3 =	vmul.f32 $3.125000000e-02, v8;
	v7 =	vld [tilespmem:s16+$0x60]  }
0x1b9: {  	v5 =	vmul.f32 $3.125000000e-02, v11;
	v4 =	vld [tilespmem:s16+$0x70];
	[tilespmem:s16+$0x470] =	vst v9  }
0x1ba: {  	[tilespmem:s16+$0x10] =	vst v3;
	v9 =	vmul.f32 $3.125000000e-02, v12;
	v3 =	vld [tilespmem:s16+$0x400]  }
0x1bb: {  	[tilespmem:s16+$0x20] =	vst v5;
	v8 =	vmul.f32 $3.125000000e-02, v10;
	v5 =	vld [tilespmem:s16+$0x410]  }
0x1bc: {  	[tilespmem:s16+$0x30] =	vst v9;
	v6 =	vmul.f32 $3.125000000e-02, v6;
	v9 =	vld [tilespmem:s16+$0x420]  }
0x1bd: {  	[tilespmem:s16+$0x40] =	vst v8;
	v7 =	vmul.f32 $3.125000000e-02, v7;
	v8 =	vld [tilespmem:s16+$0x430]  }
0x1be: {  	[tilespmem:s16+$0x50] =	vst v6;
	v4 =	vmul.f32 $3.125000000e-02, v4;
	v6 =	vld [tilespmem:s16+$0x440]  }
0x1bf: {  	[tilespmem:s16+$0x60] =	vst v7;
	v3 =	vmul.f32 $3.125000000e-02, v3;
	v7 =	vld [tilespmem:s16+$0x450]  }
0x1c0: {  	[tilespmem:s16+$0x70] =	vst v4;
	v4 =	vmul.f32 $3.125000000e-02, v5;
	v5 =	vld [tilespmem:s16+$0x460]  }
0x1c1: {  	[tilespmem:s16+$0x400] =	vst v3;
	v3 =	vmul.f32 $3.125000000e-02, v9  }
0x1c2: {  	[tilespmem:s16+$0x410] =	vst v4;
	v4 =	vmul.f32 $3.125000000e-02, v8  }
0x1c3: {  	[tilespmem:s16+$0x420] =	vst v3;
	v3 =	vmul.f32 $3.125000000e-02, v6  }
0x1c4: {  	[tilespmem:s16+$0x430] =	vst v4;
	v4 =	vmul.f32 $3.125000000e-02, v7  }
0x1c5: {  	[tilespmem:s16+$0x440] =	vst v3;
	v3 =	vmul.f32 $3.125000000e-02, v5  }
0x1c6: {  	[tilespmem:s16+$0x450] =	vst v4  }
0x1c7: {  	[tilespmem:s16+$0x460] =	vst v3  }
0x1c8: {  	s15 =	simm.s32 $0x0;
	s16 =	rddreg [dreg:$0xa]  }
0x1c9: {  	[hbm4b:s16+s15] =	stream.linear.scatter [tilespmem:s21], [sflag:$0xC], $0x4000, $0x38;
	[tilespmem:$0x1C100] =	vst v63  }
0x1ca: {  	_ =	swait.ge [sflag:s2], $0x4000  }
0x1cb: {  	[sflag:s2] =	ssyncset.done $0x0  }
0x1cc: {  	[sflag:s2] =	ssyncadd.s32 $0xFFFFC000  }
0x1cd: {  	v3 =	vld [tilespmem:$0x90];
	_ =	sdelay $0x4  }
0x1ce: {  	v4 =	vshll.u32 v3, $0x3  }
0x1cf: {  	v3 =	vand.u32 $0x7, v3;
	v4 =	vand.u32 $0xFFFFFFC0, v4  }
0x1d0: {  	v3 =	vor.u32 v3, v4  }
0x1d1: {  	v4 =	vperm.xlane v3, v0;
	_ =	sdelay $0x1  }
0x1d2: {  	v4 =	vadd.s32 v1, v4;
	_ =	sdelay $0x3  }
0x1d3: {  	s20 =	simm.s32 $0x8100  }
0x1d4: {  	[tilespmem:s20], [sflag:$0x3] =	stream.indirect_vreg.gather [hbm4b:s1+s15], $0x80, v4, vm0, $0xb8;
	[tilespmem:$0x1C100] =	vst v63  }
0x1d5: {  	s17 =	simm.s32 $0x8900;
	v3 =	vperm.xlane v3, v2  }
0x1d6: {  	[tilespmem:s17], [sflag:$0x3] =	stream.indirect_vreg.gather [hbm4b:s6+s15], $0x80, v4, vm0, $0xb8;
	[tilespmem:$0x1C100] =	vst v63  }
0x1d7: {  	s18 =	simm.s32 $0x9100;
	v3 =	vadd.s32 v1, v3  }
0x1d8: {  	[tilespmem:s18], [sflag:$0x3] =	stream.indirect_vreg.gather [hbm4b:s8+s15], $0x80, v4, vm0, $0xb8;
	[tilespmem:$0x1C100] =	vst v63  }
0x1d9: {  	s19 =	simm.s32 $0x9900  }
0x1da: {  	[tilespmem:s19], [sflag:$0x3] =	stream.indirect_vreg.gather [hbm4b:s9+s15], $0x80, v4, vm0, $0xb8;
	[tilespmem:$0x1C100] =	vst v63  }
0x1db: {  	s20 =	simm.s32 $0xA100  }
0x1dc: {  	[tilespmem:s20], [sflag:$0x3] =	stream.indirect_vreg.gather [hbm4b:s1+s15], $0x80, v3, vm0, $0xb8;
	[tilespmem:$0x1C100] =	vst v63  }
0x1dd: {  	s17 =	simm.s32 $0xA900  }
0x1de: {  	[tilespmem:s17], [sflag:$0x3] =	stream.indirect_vreg.gather [hbm4b:s6+s15], $0x80, v3, vm0, $0xb8;
	[tilespmem:$0x1C100] =	vst v63  }
0x1df: {  	s18 =	simm.s32 $0xB100;
	s20 =	simm.s32 $0x0  }
0x1e0: {  	[tilespmem:s18], [sflag:$0x3] =	stream.indirect_vreg.gather [hbm4b:s8+s15], $0x80, v3, vm0, $0xb8;
	[tilespmem:$0x1C100] =	vst v63  }
0x1e1: {  	s19 =	simm.s32 $0xB900;
	s16 =	sand.u32 $0x2000, s20  }
0x1e2: {  	[tilespmem:s19], [sflag:$0x3] =	stream.indirect_vreg.gather [hbm4b:s9+s15], $0x80, v3, vm0, $0xb8;
	[tilespmem:$0x1C100] =	vst v63  }
0x1e3: {  	s17 =	sand.u32 $0x1800, s15;
	s18 =	simm.s32 $0x0;
	_ =	swait.ge [sflag:s26], $0x4000  }
0x1e4: {  	s16 =	sor.u32 s17, s16;
	s18 =	sand.u32 $0x380, s18;
	[sflag:s26] =	ssyncset.done $0x0  }
0x1e5: {  	s17 =	sor.u32 s16, s18;
	[sflag:s26] =	ssyncadd.s32 $0xFFFFC000  }
0x1e6: {  	s16 =	sadd.s32 $0x14100, s17;
	v3 =	vld [tilespmem:s17+$0x14100]  }
0x1e7: {  	v4 =	vld [tilespmem:s16+$0x470]  }
0x1e8: {  	v5 =	vld [tilespmem:s16+$0x10]  }
0x1e9: {  	v8 =	vld [tilespmem:s16+$0x20]  }
0x1ea: {  	v9 =	vld [tilespmem:s16+$0x30]  }
0x1eb: {  	v10 =	vld [tilespmem:s16+$0x40];
	v3 =	vmul.f32 $3.125000000e-02, v3  }
0x1ec: {  	v6 =	vld [tilespmem:s16+$0x50];
	v11 =	vmul.f32 $3.125000000e-02, v4  }
0x1ed: {  	v7 =	vld [tilespmem:s16+$0x60];
	[tilespmem:s17+$0x14100] =	vst v3;
	v3 =	vmul.f32 $3.125000000e-02, v5  }
0x1ee: {  	v4 =	vld [tilespmem:s16+$0x70];
	v5 =	vmul.f32 $3.125000000e-02, v8;
	[tilespmem:s16+$0x470] =	vst v11  }
0x1ef: {  	v9 =	vmul.f32 $3.125000000e-02, v9;
	[tilespmem:s16+$0x10] =	vst v3;
	v3 =	vld [tilespmem:s16+$0x400]  }
0x1f0: {  	s17 =	simm.s32 $0x0;
	v8 =	vmul.f32 $3.125000000e-02, v10;
	[tilespmem:s16+$0x20] =	vst v5;
	v5 =	vld [tilespmem:s16+$0x410]  }
.LBB2_12:
0x1f1: {  	s17 =	sadd.s32 $0x10, s17;
	[tilespmem:s16+$0x30] =	vst v9;
	v6 =	vmul.f32 $3.125000000e-02, v6;
	v9 =	vld [tilespmem:s16+$0x420]  }
0x1f2: {  	s15 =	sadd.s32 $0x800, s15;
	s18 =	sshll.u32 s17, $0x4;
	p0 =	slt.u32 s17, $0x3F0;
	[tilespmem:s16+$0x40] =	vst v8;
	v7 =	vmul.f32 $3.125000000e-02, v7;
	v8 =	vld [tilespmem:s16+$0x430]  }
0x1f3: {  	s19 =	sand.u32 $0x1800, s15;
	s20 =	sshll.u32 s17, $0x1;
	s18 =	sand.u32 $0x2000, s18;
	[tilespmem:s16+$0x50] =	vst v6;
	v4 =	vmul.f32 $3.125000000e-02, v4;
	v6 =	vld [tilespmem:s16+$0x440]  }
0x1f4: {  	s20 =	sand.u32 $0x380, s20;
	s18 =	sor.u32 s19, s18;
	[tilespmem:s16+$0x60] =	vst v7;
	v3 =	vmul.f32 $3.125000000e-02, v3;
	v7 =	vld [tilespmem:s16+$0x450]  }
0x1f5: {  	s18 =	sor.u32 s18, s20;
	[tilespmem:s16+$0x70] =	vst v4;
	v4 =	vmul.f32 $3.125000000e-02, v5;
	v5 =	vld [tilespmem:s16+$0x460]  }
0x1f6: {  	s19 =	sadd.s32 $0x14100, s18;
	v10 =	vld [tilespmem:s18+$0x14100];
	[tilespmem:s16+$0x400] =	vst v3;
	v3 =	vmul.f32 $3.125000000e-02, v9  }
0x1f7: {  	v9 =	vld [tilespmem:s19+$0x470];
	[tilespmem:s16+$0x410] =	vst v4;
	v4 =	vmul.f32 $3.125000000e-02, v8  }
0x1f8: {  	v8 =	vld [tilespmem:s19+$0x10];
	[tilespmem:s16+$0x420] =	vst v3;
	v3 =	vmul.f32 $3.125000000e-02, v6  }
0x1f9: {  	v11 =	vld [tilespmem:s19+$0x20];
	[tilespmem:s16+$0x430] =	vst v4;
	v4 =	vmul.f32 $3.125000000e-02, v7  }
0x1fa: {  	v12 =	vld [tilespmem:s19+$0x30];
	[tilespmem:s16+$0x440] =	vst v3;
	v3 =	vmul.f32 $3.125000000e-02, v5  }
0x1fb: {  	v5 =	vmul.f32 $3.125000000e-02, v10;
	v10 =	vld [tilespmem:s19+$0x40];
	[tilespmem:s16+$0x450] =	vst v4  }
.Ltmp5:
0x1fc: {  	v6 =	vld [tilespmem:s19+$0x50];
	v9 =	vmul.f32 $3.125000000e-02, v9;
	[tilespmem:s16+$0x460] =	vst v3;
	s16 =	smov.u32 s19;
	(pc) =	sbr.rel @p0 .LBB2_12-.Ltmp5, $4  }
0x1fd: {  	[tilespmem:s18+$0x14100] =	vst v5;
	v3 =	vmul.f32 $3.125000000e-02, v8;
	v7 =	vld [tilespmem:s16+$0x60]  }
0x1fe: {  	v5 =	vmul.f32 $3.125000000e-02, v11;
	v4 =	vld [tilespmem:s16+$0x70];
	[tilespmem:s16+$0x470] =	vst v9  }
0x1ff: {  	[tilespmem:s16+$0x10] =	vst v3;
	v9 =	vmul.f32 $3.125000000e-02, v12;
	v3 =	vld [tilespmem:s16+$0x400]  }
0x200: {  	[tilespmem:s16+$0x20] =	vst v5;
	v8 =	vmul.f32 $3.125000000e-02, v10;
	v5 =	vld [tilespmem:s16+$0x410]  }
0x201: {  	[tilespmem:s16+$0x30] =	vst v9;
	v6 =	vmul.f32 $3.125000000e-02, v6;
	v9 =	vld [tilespmem:s16+$0x420]  }
0x202: {  	[tilespmem:s16+$0x40] =	vst v8;
	v7 =	vmul.f32 $3.125000000e-02, v7;
	v8 =	vld [tilespmem:s16+$0x430]  }
0x203: {  	[tilespmem:s16+$0x50] =	vst v6;
	v4 =	vmul.f32 $3.125000000e-02, v4;
	v6 =	vld [tilespmem:s16+$0x440]  }
0x204: {  	[tilespmem:s16+$0x60] =	vst v7;
	v3 =	vmul.f32 $3.125000000e-02, v3;
	v7 =	vld [tilespmem:s16+$0x450]  }
0x205: {  	[tilespmem:s16+$0x70] =	vst v4;
	v4 =	vmul.f32 $3.125000000e-02, v5;
	v5 =	vld [tilespmem:s16+$0x460]  }
0x206: {  	[tilespmem:s16+$0x400] =	vst v3;
	v3 =	vmul.f32 $3.125000000e-02, v9  }
0x207: {  	[tilespmem:s16+$0x410] =	vst v4;
	v4 =	vmul.f32 $3.125000000e-02, v8  }
0x208: {  	[tilespmem:s16+$0x420] =	vst v3;
	v3 =	vmul.f32 $3.125000000e-02, v6  }
0x209: {  	[tilespmem:s16+$0x430] =	vst v4;
	v4 =	vmul.f32 $3.125000000e-02, v7  }
0x20a: {  	[tilespmem:s16+$0x440] =	vst v3;
	v3 =	vmul.f32 $3.125000000e-02, v5  }
0x20b: {  	[tilespmem:s16+$0x450] =	vst v4  }
0x20c: {  	[tilespmem:s16+$0x460] =	vst v3  }
0x20d: {  	s15 =	simm.s32 $0x0;
	s16 =	rddreg [dreg:$0xb]  }
0x20e: {  	[hbm4b:s16+s15] =	stream.linear.scatter [tilespmem:s22], [sflag:$0xD], $0x4000, $0x38;
	[tilespmem:$0x1C100] =	vst v63  }
0x20f: {  	_ =	swait.ge [sflag:s4], $0x4000  }
0x210: {  	[sflag:s4] =	ssyncset.done $0x0  }
0x211: {  	[sflag:s4] =	ssyncadd.s32 $0xFFFFC000  }
0x212: {  	v3 =	vld [tilespmem:$0xA0];
	_ =	sdelay $0x4  }
0x213: {  	v4 =	vshll.u32 v3, $0x3  }
0x214: {  	v3 =	vand.u32 $0x7, v3;
	v4 =	vand.u32 $0xFFFFFFC0, v4  }
0x215: {  	v3 =	vor.u32 v3, v4  }
0x216: {  	v4 =	vperm.xlane v3, v0;
	_ =	sdelay $0x1  }
0x217: {  	v4 =	vadd.s32 v1, v4;
	_ =	sdelay $0x3  }
0x218: {  	s20 =	simm.s32 $0xC100  }
0x219: {  	[tilespmem:s20], [sflag:$0x4] =	stream.indirect_vreg.gather [hbm4b:s1+s15], $0x80, v4, vm0, $0xb8;
	[tilespmem:$0x1C100] =	vst v63  }
0x21a: {  	s17 =	simm.s32 $0xC900;
	v3 =	vperm.xlane v3, v2  }
0x21b: {  	[tilespmem:s17], [sflag:$0x4] =	stream.indirect_vreg.gather [hbm4b:s6+s15], $0x80, v4, vm0, $0xb8;
	[tilespmem:$0x1C100] =	vst v63  }
0x21c: {  	s18 =	simm.s32 $0xD100;
	v3 =	vadd.s32 v1, v3  }
0x21d: {  	[tilespmem:s18], [sflag:$0x4] =	stream.indirect_vreg.gather [hbm4b:s8+s15], $0x80, v4, vm0, $0xb8;
	[tilespmem:$0x1C100] =	vst v63  }
0x21e: {  	s19 =	simm.s32 $0xD900  }
0x21f: {  	[tilespmem:s19], [sflag:$0x4] =	stream.indirect_vreg.gather [hbm4b:s9+s15], $0x80, v4, vm0, $0xb8;
	[tilespmem:$0x1C100] =	vst v63  }
0x220: {  	s20 =	simm.s32 $0xE100  }
0x221: {  	[tilespmem:s20], [sflag:$0x4] =	stream.indirect_vreg.gather [hbm4b:s1+s15], $0x80, v3, vm0, $0xb8;
	[tilespmem:$0x1C100] =	vst v63  }
0x222: {  	s17 =	simm.s32 $0xE900  }
0x223: {  	[tilespmem:s17], [sflag:$0x4] =	stream.indirect_vreg.gather [hbm4b:s6+s15], $0x80, v3, vm0, $0xb8;
	[tilespmem:$0x1C100] =	vst v63  }
0x224: {  	s18 =	simm.s32 $0xF100;
	s20 =	simm.s32 $0x0  }
0x225: {  	[tilespmem:s18], [sflag:$0x4] =	stream.indirect_vreg.gather [hbm4b:s8+s15], $0x80, v3, vm0, $0xb8;
	[tilespmem:$0x1C100] =	vst v63  }
0x226: {  	s19 =	simm.s32 $0xF900;
	s16 =	sand.u32 $0x2000, s20  }
0x227: {  	[tilespmem:s19], [sflag:$0x4] =	stream.indirect_vreg.gather [hbm4b:s9+s15], $0x80, v3, vm0, $0xb8;
	[tilespmem:$0x1C100] =	vst v63  }
0x228: {  	s17 =	sand.u32 $0x1800, s15;
	s18 =	simm.s32 $0x0;
	_ =	swait.ge [sflag:s5], $0x4000  }
0x229: {  	s16 =	sor.u32 s17, s16;
	s18 =	sand.u32 $0x380, s18;
	[sflag:s5] =	ssyncset.done $0x0  }
0x22a: {  	s17 =	sor.u32 s16, s18;
	[sflag:s5] =	ssyncadd.s32 $0xFFFFC000  }
0x22b: {  	s16 =	sadd.s32 $0x18100, s17;
	v3 =	vld [tilespmem:s17+$0x18100]  }
0x22c: {  	v4 =	vld [tilespmem:s16+$0x470]  }
0x22d: {  	v5 =	vld [tilespmem:s16+$0x10]  }
0x22e: {  	v8 =	vld [tilespmem:s16+$0x20]  }
0x22f: {  	v9 =	vld [tilespmem:s16+$0x30]  }
0x230: {  	v10 =	vld [tilespmem:s16+$0x40];
	v3 =	vmul.f32 $3.125000000e-02, v3  }
0x231: {  	v6 =	vld [tilespmem:s16+$0x50];
	v11 =	vmul.f32 $3.125000000e-02, v4  }
0x232: {  	v7 =	vld [tilespmem:s16+$0x60];
	[tilespmem:s17+$0x18100] =	vst v3;
	v3 =	vmul.f32 $3.125000000e-02, v5  }
0x233: {  	v4 =	vld [tilespmem:s16+$0x70];
	v5 =	vmul.f32 $3.125000000e-02, v8;
	[tilespmem:s16+$0x470] =	vst v11  }
0x234: {  	v9 =	vmul.f32 $3.125000000e-02, v9;
	[tilespmem:s16+$0x10] =	vst v3;
	v3 =	vld [tilespmem:s16+$0x400]  }
0x235: {  	s17 =	simm.s32 $0x0;
	v8 =	vmul.f32 $3.125000000e-02, v10;
	[tilespmem:s16+$0x20] =	vst v5;
	v5 =	vld [tilespmem:s16+$0x410]  }
.LBB2_14:
0x236: {  	s17 =	sadd.s32 $0x10, s17;
	[tilespmem:s16+$0x30] =	vst v9;
	v6 =	vmul.f32 $3.125000000e-02, v6;
	v9 =	vld [tilespmem:s16+$0x420]  }
0x237: {  	s15 =	sadd.s32 $0x800, s15;
	s18 =	sshll.u32 s17, $0x4;
	p0 =	slt.u32 s17, $0x3F0;
	[tilespmem:s16+$0x40] =	vst v8;
	v7 =	vmul.f32 $3.125000000e-02, v7;
	v8 =	vld [tilespmem:s16+$0x430]  }
0x238: {  	s19 =	sand.u32 $0x1800, s15;
	s20 =	sshll.u32 s17, $0x1;
	s18 =	sand.u32 $0x2000, s18;
	[tilespmem:s16+$0x50] =	vst v6;
	v4 =	vmul.f32 $3.125000000e-02, v4;
	v6 =	vld [tilespmem:s16+$0x440]  }
0x239: {  	s20 =	sand.u32 $0x380, s20;
	s18 =	sor.u32 s19, s18;
	[tilespmem:s16+$0x60] =	vst v7;
	v3 =	vmul.f32 $3.125000000e-02, v3;
	v7 =	vld [tilespmem:s16+$0x450]  }
0x23a: {  	s18 =	sor.u32 s18, s20;
	[tilespmem:s16+$0x70] =	vst v4;
	v4 =	vmul.f32 $3.125000000e-02, v5;
	v5 =	vld [tilespmem:s16+$0x460]  }
0x23b: {  	s19 =	sadd.s32 $0x18100, s18;
	v10 =	vld [tilespmem:s18+$0x18100];
	[tilespmem:s16+$0x400] =	vst v3;
	v3 =	vmul.f32 $3.125000000e-02, v9  }
0x23c: {  	v9 =	vld [tilespmem:s19+$0x470];
	[tilespmem:s16+$0x410] =	vst v4;
	v4 =	vmul.f32 $3.125000000e-02, v8  }
0x23d: {  	v8 =	vld [tilespmem:s19+$0x10];
	[tilespmem:s16+$0x420] =	vst v3;
	v3 =	vmul.f32 $3.125000000e-02, v6  }
0x23e: {  	v11 =	vld [tilespmem:s19+$0x20];
	[tilespmem:s16+$0x430] =	vst v4;
	v4 =	vmul.f32 $3.125000000e-02, v7  }
0x23f: {  	v12 =	vld [tilespmem:s19+$0x30];
	[tilespmem:s16+$0x440] =	vst v3;
	v3 =	vmul.f32 $3.125000000e-02, v5  }
0x240: {  	v5 =	vmul.f32 $3.125000000e-02, v10;
	v10 =	vld [tilespmem:s19+$0x40];
	[tilespmem:s16+$0x450] =	vst v4  }
.Ltmp6:
0x241: {  	v6 =	vld [tilespmem:s19+$0x50];
	v9 =	vmul.f32 $3.125000000e-02, v9;
	[tilespmem:s16+$0x460] =	vst v3;
	s16 =	smov.u32 s19;
	(pc) =	sbr.rel @p0 .LBB2_14-.Ltmp6, $4  }
0x242: {  	[tilespmem:s18+$0x18100] =	vst v5;
	v3 =	vmul.f32 $3.125000000e-02, v8;
	v7 =	vld [tilespmem:s16+$0x60]  }
0x243: {  	v5 =	vmul.f32 $3.125000000e-02, v11;
	v4 =	vld [tilespmem:s16+$0x70];
	[tilespmem:s16+$0x470] =	vst v9  }
0x244: {  	[tilespmem:s16+$0x10] =	vst v3;
	v9 =	vmul.f32 $3.125000000e-02, v12;
	v3 =	vld [tilespmem:s16+$0x400]  }
0x245: {  	[tilespmem:s16+$0x20] =	vst v5;
	v8 =	vmul.f32 $3.125000000e-02, v10;
	v5 =	vld [tilespmem:s16+$0x410]  }
0x246: {  	[tilespmem:s16+$0x30] =	vst v9;
	v6 =	vmul.f32 $3.125000000e-02, v6;
	v9 =	vld [tilespmem:s16+$0x420]  }
0x247: {  	[tilespmem:s16+$0x40] =	vst v8;
	v7 =	vmul.f32 $3.125000000e-02, v7;
	v8 =	vld [tilespmem:s16+$0x430]  }
0x248: {  	[tilespmem:s16+$0x50] =	vst v6;
	v4 =	vmul.f32 $3.125000000e-02, v4;
	v6 =	vld [tilespmem:s16+$0x440]  }
0x249: {  	[tilespmem:s16+$0x60] =	vst v7;
	v3 =	vmul.f32 $3.125000000e-02, v3;
	v7 =	vld [tilespmem:s16+$0x450]  }
0x24a: {  	[tilespmem:s16+$0x70] =	vst v4;
	v4 =	vmul.f32 $3.125000000e-02, v5;
	v5 =	vld [tilespmem:s16+$0x460]  }
0x24b: {  	[tilespmem:s16+$0x400] =	vst v3;
	v3 =	vmul.f32 $3.125000000e-02, v9  }
0x24c: {  	[tilespmem:s16+$0x410] =	vst v4;
	v4 =	vmul.f32 $3.125000000e-02, v8  }
0x24d: {  	[tilespmem:s16+$0x420] =	vst v3;
	v3 =	vmul.f32 $3.125000000e-02, v6  }
0x24e: {  	[tilespmem:s16+$0x430] =	vst v4;
	v4 =	vmul.f32 $3.125000000e-02, v7  }
0x24f: {  	[tilespmem:s16+$0x440] =	vst v3;
	v3 =	vmul.f32 $3.125000000e-02, v5  }
0x250: {  	[tilespmem:s16+$0x450] =	vst v4  }
0x251: {  	[tilespmem:s16+$0x460] =	vst v3  }
0x252: {  	s15 =	simm.s32 $0x0;
	s16 =	rddreg [dreg:$0xc]  }
0x253: {  	[hbm4b:s16+s15] =	stream.linear.scatter [tilespmem:s24], [sflag:$0xE], $0x4000, $0x38;
	[tilespmem:$0x1C100] =	vst v63  }
0x254: {  	_ =	swait.ge [sflag:s11], $0x4000  }
0x255: {  	[sflag:s11] =	ssyncset.done $0x0  }
0x256: {  	[sflag:s11] =	ssyncadd.s32 $0xFFFFC000  }
0x257: {  	v3 =	vld [tilespmem:$0xB0];
	_ =	sdelay $0x4  }
0x258: {  	v4 =	vshll.u32 v3, $0x3  }
0x259: {  	v3 =	vand.u32 $0x7, v3;
	v4 =	vand.u32 $0xFFFFFFC0, v4  }
0x25a: {  	v3 =	vor.u32 v3, v4  }
0x25b: {  	v4 =	vperm.xlane v3, v0;
	_ =	sdelay $0x1  }
0x25c: {  	v4 =	vadd.s32 v1, v4;
	_ =	sdelay $0x4  }
0x25d: {  	[tilespmem:s21], [sflag:$0x5] =	stream.indirect_vreg.gather [hbm4b:s1+s15], $0x80, v4, vm0, $0xb8;
	[tilespmem:$0x1C100] =	vst v63  }
0x25e: {  	s17 =	simm.s32 $0x10900;
	v3 =	vperm.xlane v3, v2  }
0x25f: {  	[tilespmem:s17], [sflag:$0x5] =	stream.indirect_vreg.gather [hbm4b:s6+s15], $0x80, v4, vm0, $0xb8;
	[tilespmem:$0x1C100] =	vst v63  }
0x260: {  	s18 =	simm.s32 $0x11100;
	v3 =	vadd.s32 v1, v3  }
0x261: {  	[tilespmem:s18], [sflag:$0x5] =	stream.indirect_vreg.gather [hbm4b:s8+s15], $0x80, v4, vm0, $0xb8;
	[tilespmem:$0x1C100] =	vst v63  }
0x262: {  	s19 =	simm.s32 $0x11900  }
0x263: {  	[tilespmem:s19], [sflag:$0x5] =	stream.indirect_vreg.gather [hbm4b:s9+s15], $0x80, v4, vm0, $0xb8;
	[tilespmem:$0x1C100] =	vst v63  }
0x264: {  	s20 =	simm.s32 $0x12100  }
0x265: {  	[tilespmem:s20], [sflag:$0x5] =	stream.indirect_vreg.gather [hbm4b:s1+s15], $0x80, v3, vm0, $0xb8;
	[tilespmem:$0x1C100] =	vst v63  }
0x266: {  	s17 =	simm.s32 $0x12900  }
0x267: {  	[tilespmem:s17], [sflag:$0x5] =	stream.indirect_vreg.gather [hbm4b:s6+s15], $0x80, v3, vm0, $0xb8;
	[tilespmem:$0x1C100] =	vst v63  }
0x268: {  	s18 =	simm.s32 $0x13100;
	s20 =	simm.s32 $0x0  }
0x269: {  	[tilespmem:s18], [sflag:$0x5] =	stream.indirect_vreg.gather [hbm4b:s8+s15], $0x80, v3, vm0, $0xb8;
	[tilespmem:$0x1C100] =	vst v63  }
0x26a: {  	s19 =	simm.s32 $0x13900;
	s16 =	sand.u32 $0x2000, s20  }
0x26b: {  	[tilespmem:s19], [sflag:$0x5] =	stream.indirect_vreg.gather [hbm4b:s9+s15], $0x80, v3, vm0, $0xb8;
	[tilespmem:$0x1C100] =	vst v63  }
0x26c: {  	s17 =	sand.u32 $0x1800, s15;
	s18 =	simm.s32 $0x0;
	_ =	swait.ge [sflag:s25], $0x4000  }
0x26d: {  	s16 =	sor.u32 s17, s16;
	s18 =	sand.u32 $0x380, s18;
	[sflag:s25] =	ssyncset.done $0x0  }
0x26e: {  	s16 =	sor.u32 s16, s18;
	[sflag:s25] =	ssyncadd.s32 $0xFFFFC000  }
0x26f: {  	v3 =	vld [tilespmem:s16+$0x570]  }
0x270: {  	v4 =	vld [tilespmem:s16+$0x100]  }
0x271: {  	v5 =	vld [tilespmem:s16+$0x110]  }
0x272: {  	v8 =	vld [tilespmem:s16+$0x120]  }
0x273: {  	v9 =	vld [tilespmem:s16+$0x130]  }
0x274: {  	v10 =	vld [tilespmem:s16+$0x140];
	v3 =	vmul.f32 $3.125000000e-02, v3  }
0x275: {  	v7 =	vld [tilespmem:s16+$0x150];
	v4 =	vmul.f32 $3.125000000e-02, v4  }
0x276: {  	v6 =	vld [tilespmem:s16+$0x160];
	v11 =	vmul.f32 $3.125000000e-02, v5;
	[tilespmem:s16+$0x570] =	vst v3  }
0x277: {  	v5 =	vld [tilespmem:s16+$0x170];
	[tilespmem:s16+$0x100] =	vst v4;
	v4 =	vmul.f32 $3.125000000e-02, v8  }
0x278: {  	v9 =	vmul.f32 $3.125000000e-02, v9;
	[tilespmem:s16+$0x110] =	vst v11;
	v3 =	vld [tilespmem:s16+$0x500]  }
0x279: {  	s17 =	simm.s32 $0x0;
	v8 =	vmul.f32 $3.125000000e-02, v10;
	[tilespmem:s16+$0x120] =	vst v4;
	v4 =	vld [tilespmem:s16+$0x510]  }
.LBB2_16:
0x27a: {  	s17 =	sadd.s32 $0x10, s17;
	[tilespmem:s16+$0x130] =	vst v9;
	v7 =	vmul.f32 $3.125000000e-02, v7;
	v9 =	vld [tilespmem:s16+$0x520]  }
0x27b: {  	s15 =	sadd.s32 $0x800, s15;
	s18 =	sshll.u32 s17, $0x4;
	p0 =	slt.u32 s17, $0x3F0;
	[tilespmem:s16+$0x140] =	vst v8;
	v6 =	vmul.f32 $3.125000000e-02, v6;
	v8 =	vld [tilespmem:s16+$0x530]  }
0x27c: {  	s19 =	sand.u32 $0x1800, s15;
	s20 =	sshll.u32 s17, $0x1;
	s18 =	sand.u32 $0x2000, s18;
	[tilespmem:s16+$0x150] =	vst v7;
	v5 =	vmul.f32 $3.125000000e-02, v5;
	v7 =	vld [tilespmem:s16+$0x540]  }
0x27d: {  	s20 =	sand.u32 $0x380, s20;
	s18 =	sor.u32 s19, s18;
	[tilespmem:s16+$0x160] =	vst v6;
	v3 =	vmul.f32 $3.125000000e-02, v3;
	v6 =	vld [tilespmem:s16+$0x550]  }
0x27e: {  	s18 =	sor.u32 s18, s20;
	[tilespmem:s16+$0x170] =	vst v5;
	v4 =	vmul.f32 $3.125000000e-02, v4;
	v5 =	vld [tilespmem:s16+$0x560]  }
0x27f: {  	v10 =	vld [tilespmem:s18+$0x570];
	[tilespmem:s16+$0x500] =	vst v3;
	v3 =	vmul.f32 $3.125000000e-02, v9  }
0x280: {  	v9 =	vld [tilespmem:s18+$0x100];
	[tilespmem:s16+$0x510] =	vst v4;
	v4 =	vmul.f32 $3.125000000e-02, v8  }
0x281: {  	v8 =	vld [tilespmem:s18+$0x110];
	[tilespmem:s16+$0x520] =	vst v3;
	v3 =	vmul.f32 $3.125000000e-02, v7  }
0x282: {  	v11 =	vld [tilespmem:s18+$0x120];
	[tilespmem:s16+$0x530] =	vst v4;
	v4 =	vmul.f32 $3.125000000e-02, v6  }
0x283: {  	v12 =	vld [tilespmem:s18+$0x130];
	[tilespmem:s16+$0x540] =	vst v3;
	v3 =	vmul.f32 $3.125000000e-02, v5  }
0x284: {  	v13 =	vld [tilespmem:s18+$0x140];
	v5 =	vmul.f32 $3.125000000e-02, v10;
	[tilespmem:s16+$0x550] =	vst v4  }
.Ltmp7:
0x285: {  	v4 =	vmul.f32 $3.125000000e-02, v9;
	v7 =	vld [tilespmem:s18+$0x150];
	[tilespmem:s16+$0x560] =	vst v3;
	s16 =	smov.u32 s18;
	(pc) =	sbr.rel @p0 .LBB2_16-.Ltmp7, $4  }
0x286: {  	v3 =	vmul.f32 $3.125000000e-02, v8;
	v6 =	vld [tilespmem:s16+$0x160];
	[tilespmem:s16+$0x570] =	vst v5  }
0x287: {  	[tilespmem:s16+$0x100] =	vst v4;
	v4 =	vmul.f32 $3.125000000e-02, v11;
	v5 =	vld [tilespmem:s16+$0x170]  }
0x288: {  	[tilespmem:s16+$0x110] =	vst v3;
	v9 =	vmul.f32 $3.125000000e-02, v12;
	v3 =	vld [tilespmem:s16+$0x500]  }
0x289: {  	[tilespmem:s16+$0x120] =	vst v4;
	v8 =	vmul.f32 $3.125000000e-02, v13;
	v4 =	vld [tilespmem:s16+$0x510]  }
0x28a: {  	[tilespmem:s16+$0x130] =	vst v9;
	v7 =	vmul.f32 $3.125000000e-02, v7;
	v9 =	vld [tilespmem:s16+$0x520]  }
0x28b: {  	[tilespmem:s16+$0x140] =	vst v8;
	v6 =	vmul.f32 $3.125000000e-02, v6;
	v8 =	vld [tilespmem:s16+$0x530]  }
0x28c: {  	[tilespmem:s16+$0x150] =	vst v7;
	v5 =	vmul.f32 $3.125000000e-02, v5;
	v7 =	vld [tilespmem:s16+$0x540]  }
0x28d: {  	[tilespmem:s16+$0x160] =	vst v6;
	v3 =	vmul.f32 $3.125000000e-02, v3;
	v6 =	vld [tilespmem:s16+$0x550]  }
0x28e: {  	[tilespmem:s16+$0x170] =	vst v5;
	v4 =	vmul.f32 $3.125000000e-02, v4;
	v5 =	vld [tilespmem:s16+$0x560]  }
0x28f: {  	[tilespmem:s16+$0x500] =	vst v3;
	v3 =	vmul.f32 $3.125000000e-02, v9  }
0x290: {  	[tilespmem:s16+$0x510] =	vst v4;
	v4 =	vmul.f32 $3.125000000e-02, v8  }
0x291: {  	[tilespmem:s16+$0x520] =	vst v3;
	v3 =	vmul.f32 $3.125000000e-02, v7  }
0x292: {  	[tilespmem:s16+$0x530] =	vst v4;
	v4 =	vmul.f32 $3.125000000e-02, v6  }
0x293: {  	[tilespmem:s16+$0x540] =	vst v3;
	v3 =	vmul.f32 $3.125000000e-02, v5  }
0x294: {  	[tilespmem:s16+$0x550] =	vst v4  }
0x295: {  	[tilespmem:s16+$0x560] =	vst v3  }
0x296: {  	s15 =	simm.s32 $0x0;
	s16 =	rddreg [dreg:$0xd]  }
0x297: {  	[hbm4b:s16+s15] =	stream.linear.scatter [tilespmem:s29], [sflag:$0x8], $0x4000, $0x38;
	[tilespmem:$0x1C100] =	vst v63  }
0x298: {  	_ =	swait.ge [sflag:s12], $0x4000  }
0x299: {  	[sflag:s12] =	ssyncset.done $0x0  }
0x29a: {  	[sflag:s12] =	ssyncadd.s32 $0xFFFFC000  }
0x29b: {  	v3 =	vld [tilespmem:$0xC0];
	_ =	sdelay $0x4  }
0x29c: {  	v4 =	vshll.u32 v3, $0x3  }
0x29d: {  	v3 =	vand.u32 $0x7, v3;
	v4 =	vand.u32 $0xFFFFFFC0, v4  }
0x29e: {  	v3 =	vor.u32 v3, v4  }
0x29f: {  	v4 =	vperm.xlane v3, v0;
	_ =	sdelay $0x1  }
0x2a0: {  	v4 =	vadd.s32 v1, v4;
	_ =	sdelay $0x4  }
0x2a1: {  	[tilespmem:s22], [sflag:$0x6] =	stream.indirect_vreg.gather [hbm4b:s1+s15], $0x80, v4, vm0, $0xb8;
	[tilespmem:$0x1C100] =	vst v63  }
0x2a2: {  	s17 =	simm.s32 $0x14900;
	v3 =	vperm.xlane v3, v2  }
0x2a3: {  	[tilespmem:s17], [sflag:$0x6] =	stream.indirect_vreg.gather [hbm4b:s6+s15], $0x80, v4, vm0, $0xb8;
	[tilespmem:$0x1C100] =	vst v63  }
0x2a4: {  	s18 =	simm.s32 $0x15100;
	v3 =	vadd.s32 v1, v3  }
0x2a5: {  	[tilespmem:s18], [sflag:$0x6] =	stream.indirect_vreg.gather [hbm4b:s8+s15], $0x80, v4, vm0, $0xb8;
	[tilespmem:$0x1C100] =	vst v63  }
0x2a6: {  	s19 =	simm.s32 $0x15900  }
0x2a7: {  	[tilespmem:s19], [sflag:$0x6] =	stream.indirect_vreg.gather [hbm4b:s9+s15], $0x80, v4, vm0, $0xb8;
	[tilespmem:$0x1C100] =	vst v63  }
0x2a8: {  	s20 =	simm.s32 $0x16100  }
0x2a9: {  	[tilespmem:s20], [sflag:$0x6] =	stream.indirect_vreg.gather [hbm4b:s1+s15], $0x80, v3, vm0, $0xb8;
	[tilespmem:$0x1C100] =	vst v63  }
0x2aa: {  	s17 =	simm.s32 $0x16900  }
0x2ab: {  	[tilespmem:s17], [sflag:$0x6] =	stream.indirect_vreg.gather [hbm4b:s6+s15], $0x80, v3, vm0, $0xb8;
	[tilespmem:$0x1C100] =	vst v63  }
0x2ac: {  	s18 =	simm.s32 $0x17100;
	s20 =	simm.s32 $0x0  }
0x2ad: {  	[tilespmem:s18], [sflag:$0x6] =	stream.indirect_vreg.gather [hbm4b:s8+s15], $0x80, v3, vm0, $0xb8;
	[tilespmem:$0x1C100] =	vst v63  }
0x2ae: {  	s19 =	simm.s32 $0x17900;
	s16 =	sand.u32 $0x2000, s20  }
0x2af: {  	[tilespmem:s19], [sflag:$0x6] =	stream.indirect_vreg.gather [hbm4b:s9+s15], $0x80, v3, vm0, $0xb8;
	[tilespmem:$0x1C100] =	vst v63  }
0x2b0: {  	s17 =	sand.u32 $0x1800, s15;
	s18 =	simm.s32 $0x0;
	_ =	swait.ge [sflag:s23], $0x4000  }
0x2b1: {  	s16 =	sor.u32 s17, s16;
	s18 =	sand.u32 $0x380, s18;
	[sflag:s23] =	ssyncset.done $0x0  }
0x2b2: {  	s16 =	sor.u32 s16, s18;
	[sflag:s23] =	ssyncadd.s32 $0xFFFFC000  }
0x2b3: {  	v3 =	vld [tilespmem:s16+$0x4570]  }
0x2b4: {  	v4 =	vld [tilespmem:s16+$0x4100]  }
0x2b5: {  	v5 =	vld [tilespmem:s16+$0x4110]  }
0x2b6: {  	v8 =	vld [tilespmem:s16+$0x4120]  }
0x2b7: {  	v9 =	vld [tilespmem:s16+$0x4130]  }
0x2b8: {  	v10 =	vld [tilespmem:s16+$0x4140];
	v3 =	vmul.f32 $3.125000000e-02, v3  }
0x2b9: {  	v7 =	vld [tilespmem:s16+$0x4150];
	v4 =	vmul.f32 $3.125000000e-02, v4  }
0x2ba: {  	v6 =	vld [tilespmem:s16+$0x4160];
	v11 =	vmul.f32 $3.125000000e-02, v5;
	[tilespmem:s16+$0x4570] =	vst v3  }
0x2bb: {  	v5 =	vld [tilespmem:s16+$0x4170];
	[tilespmem:s16+$0x4100] =	vst v4;
	v4 =	vmul.f32 $3.125000000e-02, v8  }
0x2bc: {  	v9 =	vmul.f32 $3.125000000e-02, v9;
	[tilespmem:s16+$0x4110] =	vst v11;
	v3 =	vld [tilespmem:s16+$0x4500]  }
0x2bd: {  	s17 =	simm.s32 $0x0;
	v8 =	vmul.f32 $3.125000000e-02, v10;
	[tilespmem:s16+$0x4120] =	vst v4;
	v4 =	vld [tilespmem:s16+$0x4510]  }
.LBB2_18:
0x2be: {  	s17 =	sadd.s32 $0x10, s17;
	[tilespmem:s16+$0x4130] =	vst v9;
	v7 =	vmul.f32 $3.125000000e-02, v7;
	v9 =	vld [tilespmem:s16+$0x4520]  }
0x2bf: {  	s15 =	sadd.s32 $0x800, s15;
	s18 =	sshll.u32 s17, $0x4;
	p0 =	slt.u32 s17, $0x3F0;
	[tilespmem:s16+$0x4140] =	vst v8;
	v6 =	vmul.f32 $3.125000000e-02, v6;
	v8 =	vld [tilespmem:s16+$0x4530]  }
0x2c0: {  	s19 =	sand.u32 $0x1800, s15;
	s20 =	sshll.u32 s17, $0x1;
	s18 =	sand.u32 $0x2000, s18;
	[tilespmem:s16+$0x4150] =	vst v7;
	v5 =	vmul.f32 $3.125000000e-02, v5;
	v7 =	vld [tilespmem:s16+$0x4540]  }
0x2c1: {  	s20 =	sand.u32 $0x380, s20;
	s18 =	sor.u32 s19, s18;
	[tilespmem:s16+$0x4160] =	vst v6;
	v3 =	vmul.f32 $3.125000000e-02, v3;
	v6 =	vld [tilespmem:s16+$0x4550]  }
0x2c2: {  	s18 =	sor.u32 s18, s20;
	[tilespmem:s16+$0x4170] =	vst v5;
	v4 =	vmul.f32 $3.125000000e-02, v4;
	v5 =	vld [tilespmem:s16+$0x4560]  }
0x2c3: {  	v10 =	vld [tilespmem:s18+$0x4570];
	[tilespmem:s16+$0x4500] =	vst v3;
	v3 =	vmul.f32 $3.125000000e-02, v9  }
0x2c4: {  	v9 =	vld [tilespmem:s18+$0x4100];
	[tilespmem:s16+$0x4510] =	vst v4;
	v4 =	vmul.f32 $3.125000000e-02, v8  }
0x2c5: {  	v8 =	vld [tilespmem:s18+$0x4110];
	[tilespmem:s16+$0x4520] =	vst v3;
	v3 =	vmul.f32 $3.125000000e-02, v7  }
0x2c6: {  	v11 =	vld [tilespmem:s18+$0x4120];
	[tilespmem:s16+$0x4530] =	vst v4;
	v4 =	vmul.f32 $3.125000000e-02, v6  }
0x2c7: {  	v12 =	vld [tilespmem:s18+$0x4130];
	[tilespmem:s16+$0x4540] =	vst v3;
	v3 =	vmul.f32 $3.125000000e-02, v5  }
0x2c8: {  	v13 =	vld [tilespmem:s18+$0x4140];
	v5 =	vmul.f32 $3.125000000e-02, v10;
	[tilespmem:s16+$0x4550] =	vst v4  }
.Ltmp8:
0x2c9: {  	v4 =	vmul.f32 $3.125000000e-02, v9;
	v7 =	vld [tilespmem:s18+$0x4150];
	[tilespmem:s16+$0x4560] =	vst v3;
	s16 =	smov.u32 s18;
	(pc) =	sbr.rel @p0 .LBB2_18-.Ltmp8, $4  }
0x2ca: {  	v3 =	vmul.f32 $3.125000000e-02, v8;
	v6 =	vld [tilespmem:s16+$0x4160];
	[tilespmem:s16+$0x4570] =	vst v5  }
0x2cb: {  	[tilespmem:s16+$0x4100] =	vst v4;
	v4 =	vmul.f32 $3.125000000e-02, v11;
	v5 =	vld [tilespmem:s16+$0x4170]  }
0x2cc: {  	[tilespmem:s16+$0x4110] =	vst v3;
	v9 =	vmul.f32 $3.125000000e-02, v12;
	v3 =	vld [tilespmem:s16+$0x4500]  }
0x2cd: {  	[tilespmem:s16+$0x4120] =	vst v4;
	v8 =	vmul.f32 $3.125000000e-02, v13;
	v4 =	vld [tilespmem:s16+$0x4510]  }
0x2ce: {  	[tilespmem:s16+$0x4130] =	vst v9;
	v7 =	vmul.f32 $3.125000000e-02, v7;
	v9 =	vld [tilespmem:s16+$0x4520]  }
0x2cf: {  	[tilespmem:s16+$0x4140] =	vst v8;
	v6 =	vmul.f32 $3.125000000e-02, v6;
	v8 =	vld [tilespmem:s16+$0x4530]  }
0x2d0: {  	[tilespmem:s16+$0x4150] =	vst v7;
	v5 =	vmul.f32 $3.125000000e-02, v5;
	v7 =	vld [tilespmem:s16+$0x4540]  }
0x2d1: {  	[tilespmem:s16+$0x4160] =	vst v6;
	v3 =	vmul.f32 $3.125000000e-02, v3;
	v6 =	vld [tilespmem:s16+$0x4550]  }
0x2d2: {  	[tilespmem:s16+$0x4170] =	vst v5;
	v4 =	vmul.f32 $3.125000000e-02, v4;
	v5 =	vld [tilespmem:s16+$0x4560]  }
0x2d3: {  	[tilespmem:s16+$0x4500] =	vst v3;
	v3 =	vmul.f32 $3.125000000e-02, v9  }
0x2d4: {  	[tilespmem:s16+$0x4510] =	vst v4;
	v4 =	vmul.f32 $3.125000000e-02, v8  }
0x2d5: {  	[tilespmem:s16+$0x4520] =	vst v3;
	v3 =	vmul.f32 $3.125000000e-02, v7  }
0x2d6: {  	[tilespmem:s16+$0x4530] =	vst v4;
	v4 =	vmul.f32 $3.125000000e-02, v6  }
0x2d7: {  	[tilespmem:s16+$0x4540] =	vst v3;
	v3 =	vmul.f32 $3.125000000e-02, v5  }
0x2d8: {  	[tilespmem:s16+$0x4550] =	vst v4  }
0x2d9: {  	[tilespmem:s16+$0x4560] =	vst v3  }
0x2da: {  	s15 =	simm.s32 $0x0;
	s16 =	rddreg [dreg:$0xe]  }
0x2db: {  	[hbm4b:s16+s15] =	stream.linear.scatter [tilespmem:s10], [sflag:$0x9], $0x4000, $0x38;
	[tilespmem:$0x1C100] =	vst v63  }
0x2dc: {  	_ =	swait.ge [sflag:s13], $0x4000  }
0x2dd: {  	[sflag:s13] =	ssyncset.done $0x0  }
0x2de: {  	[sflag:s13] =	ssyncadd.s32 $0xFFFFC000  }
0x2df: {  	v3 =	vld [tilespmem:$0xD0];
	_ =	sdelay $0x4  }
0x2e0: {  	v4 =	vshll.u32 v3, $0x3  }
0x2e1: {  	v3 =	vand.u32 $0x7, v3;
	v4 =	vand.u32 $0xFFFFFFC0, v4  }
0x2e2: {  	v3 =	vor.u32 v3, v4  }
0x2e3: {  	v4 =	vperm.xlane v3, v0;
	_ =	sdelay $0x1  }
0x2e4: {  	v4 =	vadd.s32 v1, v4;
	_ =	sdelay $0x4  }
0x2e5: {  	[tilespmem:s24], [sflag:$0x7] =	stream.indirect_vreg.gather [hbm4b:s1+s15], $0x80, v4, vm0, $0xb8;
	[tilespmem:$0x1C100] =	vst v63  }
0x2e6: {  	s17 =	simm.s32 $0x18900;
	v3 =	vperm.xlane v3, v2  }
0x2e7: {  	[tilespmem:s17], [sflag:$0x7] =	stream.indirect_vreg.gather [hbm4b:s6+s15], $0x80, v4, vm0, $0xb8;
	[tilespmem:$0x1C100] =	vst v63  }
0x2e8: {  	s18 =	simm.s32 $0x19100;
	v3 =	vadd.s32 v1, v3  }
0x2e9: {  	[tilespmem:s18], [sflag:$0x7] =	stream.indirect_vreg.gather [hbm4b:s8+s15], $0x80, v4, vm0, $0xb8;
	[tilespmem:$0x1C100] =	vst v63  }
0x2ea: {  	s19 =	simm.s32 $0x19900  }
0x2eb: {  	[tilespmem:s19], [sflag:$0x7] =	stream.indirect_vreg.gather [hbm4b:s9+s15], $0x80, v4, vm0, $0xb8;
	[tilespmem:$0x1C100] =	vst v63  }
0x2ec: {  	s20 =	simm.s32 $0x1A100  }
0x2ed: {  	[tilespmem:s20], [sflag:$0x7] =	stream.indirect_vreg.gather [hbm4b:s1+s15], $0x80, v3, vm0, $0xb8;
	[tilespmem:$0x1C100] =	vst v63  }
0x2ee: {  	s17 =	simm.s32 $0x1A900  }
0x2ef: {  	[tilespmem:s17], [sflag:$0x7] =	stream.indirect_vreg.gather [hbm4b:s6+s15], $0x80, v3, vm0, $0xb8;
	[tilespmem:$0x1C100] =	vst v63  }
0x2f0: {  	s18 =	simm.s32 $0x1B100;
	s20 =	simm.s32 $0x0  }
0x2f1: {  	[tilespmem:s18], [sflag:$0x7] =	stream.indirect_vreg.gather [hbm4b:s8+s15], $0x80, v3, vm0, $0xb8;
	[tilespmem:$0x1C100] =	vst v63  }
0x2f2: {  	s19 =	simm.s32 $0x1B900;
	s16 =	sand.u32 $0x2000, s20  }
0x2f3: {  	[tilespmem:s19], [sflag:$0x7] =	stream.indirect_vreg.gather [hbm4b:s9+s15], $0x80, v3, vm0, $0xb8;
	[tilespmem:$0x1C100] =	vst v63  }
0x2f4: {  	s17 =	sand.u32 $0x1800, s15;
	s18 =	simm.s32 $0x0;
	_ =	swait.ge [sflag:s7], $0x4000  }
0x2f5: {  	s16 =	sor.u32 s17, s16;
	s18 =	sand.u32 $0x380, s18;
	[sflag:s7] =	ssyncset.done $0x0  }
0x2f6: {  	s16 =	sor.u32 s16, s18;
	[sflag:s7] =	ssyncadd.s32 $0xFFFFC000  }
0x2f7: {  	v3 =	vld [tilespmem:s16+$0x8570]  }
0x2f8: {  	v4 =	vld [tilespmem:s16+$0x8100]  }
0x2f9: {  	v5 =	vld [tilespmem:s16+$0x8110]  }
0x2fa: {  	v8 =	vld [tilespmem:s16+$0x8120]  }
0x2fb: {  	v9 =	vld [tilespmem:s16+$0x8130]  }
0x2fc: {  	v10 =	vld [tilespmem:s16+$0x8140];
	v3 =	vmul.f32 $3.125000000e-02, v3  }
0x2fd: {  	v7 =	vld [tilespmem:s16+$0x8150];
	v4 =	vmul.f32 $3.125000000e-02, v4  }
0x2fe: {  	v6 =	vld [tilespmem:s16+$0x8160];
	v11 =	vmul.f32 $3.125000000e-02, v5;
	[tilespmem:s16+$0x8570] =	vst v3  }
0x2ff: {  	v5 =	vld [tilespmem:s16+$0x8170];
	[tilespmem:s16+$0x8100] =	vst v4;
	v4 =	vmul.f32 $3.125000000e-02, v8  }
0x300: {  	v9 =	vmul.f32 $3.125000000e-02, v9;
	[tilespmem:s16+$0x8110] =	vst v11;
	v3 =	vld [tilespmem:s16+$0x8500]  }
0x301: {  	s17 =	simm.s32 $0x0;
	v8 =	vmul.f32 $3.125000000e-02, v10;
	[tilespmem:s16+$0x8120] =	vst v4;
	v4 =	vld [tilespmem:s16+$0x8510]  }
.LBB2_20:
0x302: {  	s17 =	sadd.s32 $0x10, s17;
	[tilespmem:s16+$0x8130] =	vst v9;
	v7 =	vmul.f32 $3.125000000e-02, v7;
	v9 =	vld [tilespmem:s16+$0x8520]  }
0x303: {  	s15 =	sadd.s32 $0x800, s15;
	s18 =	sshll.u32 s17, $0x4;
	p0 =	slt.u32 s17, $0x3F0;
	[tilespmem:s16+$0x8140] =	vst v8;
	v6 =	vmul.f32 $3.125000000e-02, v6;
	v8 =	vld [tilespmem:s16+$0x8530]  }
0x304: {  	s19 =	sand.u32 $0x1800, s15;
	s20 =	sshll.u32 s17, $0x1;
	s18 =	sand.u32 $0x2000, s18;
	[tilespmem:s16+$0x8150] =	vst v7;
	v5 =	vmul.f32 $3.125000000e-02, v5;
	v7 =	vld [tilespmem:s16+$0x8540]  }
0x305: {  	s20 =	sand.u32 $0x380, s20;
	s18 =	sor.u32 s19, s18;
	[tilespmem:s16+$0x8160] =	vst v6;
	v3 =	vmul.f32 $3.125000000e-02, v3;
	v6 =	vld [tilespmem:s16+$0x8550]  }
0x306: {  	s18 =	sor.u32 s18, s20;
	[tilespmem:s16+$0x8170] =	vst v5;
	v4 =	vmul.f32 $3.125000000e-02, v4;
	v5 =	vld [tilespmem:s16+$0x8560]  }
0x307: {  	v10 =	vld [tilespmem:s18+$0x8570];
	[tilespmem:s16+$0x8500] =	vst v3;
	v3 =	vmul.f32 $3.125000000e-02, v9  }
0x308: {  	v9 =	vld [tilespmem:s18+$0x8100];
	[tilespmem:s16+$0x8510] =	vst v4;
	v4 =	vmul.f32 $3.125000000e-02, v8  }
0x309: {  	v8 =	vld [tilespmem:s18+$0x8110];
	[tilespmem:s16+$0x8520] =	vst v3;
	v3 =	vmul.f32 $3.125000000e-02, v7  }
0x30a: {  	v11 =	vld [tilespmem:s18+$0x8120];
	[tilespmem:s16+$0x8530] =	vst v4;
	v4 =	vmul.f32 $3.125000000e-02, v6  }
0x30b: {  	v12 =	vld [tilespmem:s18+$0x8130];
	[tilespmem:s16+$0x8540] =	vst v3;
	v3 =	vmul.f32 $3.125000000e-02, v5  }
0x30c: {  	v13 =	vld [tilespmem:s18+$0x8140];
	v5 =	vmul.f32 $3.125000000e-02, v10;
	[tilespmem:s16+$0x8550] =	vst v4  }
.Ltmp9:
0x30d: {  	v4 =	vmul.f32 $3.125000000e-02, v9;
	v7 =	vld [tilespmem:s18+$0x8150];
	[tilespmem:s16+$0x8560] =	vst v3;
	s16 =	smov.u32 s18;
	(pc) =	sbr.rel @p0 .LBB2_20-.Ltmp9, $4  }
0x30e: {  	v3 =	vmul.f32 $3.125000000e-02, v8;
	v6 =	vld [tilespmem:s16+$0x8160];
	[tilespmem:s16+$0x8570] =	vst v5  }
0x30f: {  	[tilespmem:s16+$0x8100] =	vst v4;
	v4 =	vmul.f32 $3.125000000e-02, v11;
	v5 =	vld [tilespmem:s16+$0x8170]  }
0x310: {  	[tilespmem:s16+$0x8110] =	vst v3;
	v9 =	vmul.f32 $3.125000000e-02, v12;
	v3 =	vld [tilespmem:s16+$0x8500]  }
0x311: {  	[tilespmem:s16+$0x8120] =	vst v4;
	v8 =	vmul.f32 $3.125000000e-02, v13;
	v4 =	vld [tilespmem:s16+$0x8510]  }
0x312: {  	[tilespmem:s16+$0x8130] =	vst v9;
	v7 =	vmul.f32 $3.125000000e-02, v7;
	v9 =	vld [tilespmem:s16+$0x8520]  }
0x313: {  	[tilespmem:s16+$0x8140] =	vst v8;
	v6 =	vmul.f32 $3.125000000e-02, v6;
	v8 =	vld [tilespmem:s16+$0x8530]  }
0x314: {  	[tilespmem:s16+$0x8150] =	vst v7;
	v5 =	vmul.f32 $3.125000000e-02, v5;
	v7 =	vld [tilespmem:s16+$0x8540]  }
0x315: {  	[tilespmem:s16+$0x8160] =	vst v6;
	v3 =	vmul.f32 $3.125000000e-02, v3;
	v6 =	vld [tilespmem:s16+$0x8550]  }
0x316: {  	[tilespmem:s16+$0x8170] =	vst v5;
	v4 =	vmul.f32 $3.125000000e-02, v4;
	v5 =	vld [tilespmem:s16+$0x8560]  }
0x317: {  	[tilespmem:s16+$0x8500] =	vst v3;
	v3 =	vmul.f32 $3.125000000e-02, v9  }
0x318: {  	[tilespmem:s16+$0x8510] =	vst v4;
	v4 =	vmul.f32 $3.125000000e-02, v8  }
0x319: {  	[tilespmem:s16+$0x8520] =	vst v3;
	v3 =	vmul.f32 $3.125000000e-02, v7  }
0x31a: {  	[tilespmem:s16+$0x8530] =	vst v4;
	v4 =	vmul.f32 $3.125000000e-02, v6  }
0x31b: {  	[tilespmem:s16+$0x8540] =	vst v3;
	v3 =	vmul.f32 $3.125000000e-02, v5  }
0x31c: {  	[tilespmem:s16+$0x8550] =	vst v4  }
0x31d: {  	[tilespmem:s16+$0x8560] =	vst v3  }
0x31e: {  	s15 =	simm.s32 $0x0;
	s17 =	simm.s32 $0x8100;
	s16 =	rddreg [dreg:$0xf]  }
0x31f: {  	[hbm4b:s16+s15] =	stream.linear.scatter [tilespmem:s17], [sflag:$0xA], $0x4000, $0x38;
	[tilespmem:$0x1C100] =	vst v63  }
0x320: {  	_ =	swait.ge [sflag:s28], $0x4000  }
0x321: {  	[sflag:s28] =	ssyncset.done $0x0  }
0x322: {  	[sflag:s28] =	ssyncadd.s32 $0xFFFFC000  }
0x323: {  	v3 =	vld [tilespmem:$0xE0];
	_ =	sdelay $0x4  }
0x324: {  	v4 =	vshll.u32 v3, $0x3  }
0x325: {  	v3 =	vand.u32 $0x7, v3;
	v4 =	vand.u32 $0xFFFFFFC0, v4  }
0x326: {  	v3 =	vor.u32 v3, v4  }
0x327: {  	v4 =	vperm.xlane v3, v0;
	_ =	sdelay $0x1  }
0x328: {  	v4 =	vadd.s32 v1, v4;
	_ =	sdelay $0x4  }
0x329: {  	[tilespmem:s29], [sflag:$0x1] =	stream.indirect_vreg.gather [hbm4b:s1+s15], $0x80, v4, vm0, $0xb8;
	[tilespmem:$0x1C100] =	vst v63  }
0x32a: {  	s20 =	simm.s32 $0x900;
	v3 =	vperm.xlane v3, v2  }
0x32b: {  	[tilespmem:s20], [sflag:$0x1] =	stream.indirect_vreg.gather [hbm4b:s6+s15], $0x80, v4, vm0, $0xb8;
	[tilespmem:$0x1C100] =	vst v63  }
0x32c: {  	s17 =	simm.s32 $0x1100;
	v3 =	vadd.s32 v1, v3  }
0x32d: {  	[tilespmem:s17], [sflag:$0x1] =	stream.indirect_vreg.gather [hbm4b:s8+s15], $0x80, v4, vm0, $0xb8;
	[tilespmem:$0x1C100] =	vst v63  }
0x32e: {  	s18 =	simm.s32 $0x1900  }
0x32f: {  	[tilespmem:s18], [sflag:$0x1] =	stream.indirect_vreg.gather [hbm4b:s9+s15], $0x80, v4, vm0, $0xb8;
	[tilespmem:$0x1C100] =	vst v63  }
0x330: {  	s19 =	simm.s32 $0x2100  }
0x331: {  	[tilespmem:s19], [sflag:$0x1] =	stream.indirect_vreg.gather [hbm4b:s1+s15], $0x80, v3, vm0, $0xb8;
	[tilespmem:$0x1C100] =	vst v63  }
0x332: {  	s20 =	simm.s32 $0x2900  }
0x333: {  	[tilespmem:s20], [sflag:$0x1] =	stream.indirect_vreg.gather [hbm4b:s6+s15], $0x80, v3, vm0, $0xb8;
	[tilespmem:$0x1C100] =	vst v63  }
0x334: {  	s17 =	simm.s32 $0x3100;
	s19 =	simm.s32 $0x0  }
0x335: {  	[tilespmem:s17], [sflag:$0x1] =	stream.indirect_vreg.gather [hbm4b:s8+s15], $0x80, v3, vm0, $0xb8;
	[tilespmem:$0x1C100] =	vst v63  }
0x336: {  	s18 =	simm.s32 $0x3900;
	s16 =	sand.u32 $0x2000, s19  }
0x337: {  	[tilespmem:s18], [sflag:$0x1] =	stream.indirect_vreg.gather [hbm4b:s9+s15], $0x80, v3, vm0, $0xb8;
	[tilespmem:$0x1C100] =	vst v63  }
0x338: {  	s20 =	sand.u32 $0x1800, s15;
	s18 =	simm.s32 $0x0;
	_ =	swait.ge [sflag:s30], $0x4000  }
0x339: {  	s16 =	sor.u32 s20, s16;
	s18 =	sand.u32 $0x380, s18;
	[sflag:s30] =	ssyncset.done $0x0  }
0x33a: {  	s16 =	sor.u32 s16, s18;
	[sflag:s30] =	ssyncadd.s32 $0xFFFFC000  }
0x33b: {  	v3 =	vld [tilespmem:s16+$0xC570]  }
0x33c: {  	v4 =	vld [tilespmem:s16+$0xC100]  }
0x33d: {  	v5 =	vld [tilespmem:s16+$0xC110]  }
0x33e: {  	v8 =	vld [tilespmem:s16+$0xC120]  }
0x33f: {  	v9 =	vld [tilespmem:s16+$0xC130]  }
0x340: {  	v10 =	vld [tilespmem:s16+$0xC140];
	v3 =	vmul.f32 $3.125000000e-02, v3  }
0x341: {  	v7 =	vld [tilespmem:s16+$0xC150];
	v4 =	vmul.f32 $3.125000000e-02, v4  }
0x342: {  	v6 =	vld [tilespmem:s16+$0xC160];
	v11 =	vmul.f32 $3.125000000e-02, v5;
	[tilespmem:s16+$0xC570] =	vst v3  }
0x343: {  	v5 =	vld [tilespmem:s16+$0xC170];
	[tilespmem:s16+$0xC100] =	vst v4;
	v4 =	vmul.f32 $3.125000000e-02, v8  }
0x344: {  	v9 =	vmul.f32 $3.125000000e-02, v9;
	[tilespmem:s16+$0xC110] =	vst v11;
	v3 =	vld [tilespmem:s16+$0xC500]  }
0x345: {  	s17 =	simm.s32 $0x0;
	v8 =	vmul.f32 $3.125000000e-02, v10;
	[tilespmem:s16+$0xC120] =	vst v4;
	v4 =	vld [tilespmem:s16+$0xC510]  }
.LBB2_22:
0x346: {  	s17 =	sadd.s32 $0x10, s17;
	[tilespmem:s16+$0xC130] =	vst v9;
	v7 =	vmul.f32 $3.125000000e-02, v7;
	v9 =	vld [tilespmem:s16+$0xC520]  }
0x347: {  	s15 =	sadd.s32 $0x800, s15;
	s18 =	sshll.u32 s17, $0x4;
	p0 =	slt.u32 s17, $0x3F0;
	[tilespmem:s16+$0xC140] =	vst v8;
	v6 =	vmul.f32 $3.125000000e-02, v6;
	v8 =	vld [tilespmem:s16+$0xC530]  }
0x348: {  	s19 =	sand.u32 $0x1800, s15;
	s20 =	sshll.u32 s17, $0x1;
	s18 =	sand.u32 $0x2000, s18;
	[tilespmem:s16+$0xC150] =	vst v7;
	v5 =	vmul.f32 $3.125000000e-02, v5;
	v7 =	vld [tilespmem:s16+$0xC540]  }
0x349: {  	s20 =	sand.u32 $0x380, s20;
	s18 =	sor.u32 s19, s18;
	[tilespmem:s16+$0xC160] =	vst v6;
	v3 =	vmul.f32 $3.125000000e-02, v3;
	v6 =	vld [tilespmem:s16+$0xC550]  }
0x34a: {  	s18 =	sor.u32 s18, s20;
	[tilespmem:s16+$0xC170] =	vst v5;
	v4 =	vmul.f32 $3.125000000e-02, v4;
	v5 =	vld [tilespmem:s16+$0xC560]  }
0x34b: {  	v10 =	vld [tilespmem:s18+$0xC570];
	[tilespmem:s16+$0xC500] =	vst v3;
	v3 =	vmul.f32 $3.125000000e-02, v9  }
0x34c: {  	v9 =	vld [tilespmem:s18+$0xC100];
	[tilespmem:s16+$0xC510] =	vst v4;
	v4 =	vmul.f32 $3.125000000e-02, v8  }
0x34d: {  	v8 =	vld [tilespmem:s18+$0xC110];
	[tilespmem:s16+$0xC520] =	vst v3;
	v3 =	vmul.f32 $3.125000000e-02, v7  }
0x34e: {  	v11 =	vld [tilespmem:s18+$0xC120];
	[tilespmem:s16+$0xC530] =	vst v4;
	v4 =	vmul.f32 $3.125000000e-02, v6  }
0x34f: {  	v12 =	vld [tilespmem:s18+$0xC130];
	[tilespmem:s16+$0xC540] =	vst v3;
	v3 =	vmul.f32 $3.125000000e-02, v5  }
0x350: {  	v13 =	vld [tilespmem:s18+$0xC140];
	v5 =	vmul.f32 $3.125000000e-02, v10;
	[tilespmem:s16+$0xC550] =	vst v4  }
.Ltmp10:
0x351: {  	v4 =	vmul.f32 $3.125000000e-02, v9;
	v7 =	vld [tilespmem:s18+$0xC150];
	[tilespmem:s16+$0xC560] =	vst v3;
	s16 =	smov.u32 s18;
	(pc) =	sbr.rel @p0 .LBB2_22-.Ltmp10, $4  }
0x352: {  	v3 =	vmul.f32 $3.125000000e-02, v8;
	v6 =	vld [tilespmem:s16+$0xC160];
	[tilespmem:s16+$0xC570] =	vst v5  }
0x353: {  	[tilespmem:s16+$0xC100] =	vst v4;
	v4 =	vmul.f32 $3.125000000e-02, v11;
	v5 =	vld [tilespmem:s16+$0xC170]  }
0x354: {  	[tilespmem:s16+$0xC110] =	vst v3;
	v9 =	vmul.f32 $3.125000000e-02, v12;
	v3 =	vld [tilespmem:s16+$0xC500]  }
0x355: {  	[tilespmem:s16+$0xC120] =	vst v4;
	v8 =	vmul.f32 $3.125000000e-02, v13;
	v4 =	vld [tilespmem:s16+$0xC510]  }
0x356: {  	[tilespmem:s16+$0xC130] =	vst v9;
	v7 =	vmul.f32 $3.125000000e-02, v7;
	v9 =	vld [tilespmem:s16+$0xC520]  }
0x357: {  	[tilespmem:s16+$0xC140] =	vst v8;
	v6 =	vmul.f32 $3.125000000e-02, v6;
	v8 =	vld [tilespmem:s16+$0xC530]  }
0x358: {  	[tilespmem:s16+$0xC150] =	vst v7;
	v5 =	vmul.f32 $3.125000000e-02, v5;
	v7 =	vld [tilespmem:s16+$0xC540]  }
0x359: {  	[tilespmem:s16+$0xC160] =	vst v6;
	v3 =	vmul.f32 $3.125000000e-02, v3;
	v6 =	vld [tilespmem:s16+$0xC550]  }
0x35a: {  	[tilespmem:s16+$0xC170] =	vst v5;
	v4 =	vmul.f32 $3.125000000e-02, v4;
	v5 =	vld [tilespmem:s16+$0xC560]  }
0x35b: {  	[tilespmem:s16+$0xC500] =	vst v3;
	v3 =	vmul.f32 $3.125000000e-02, v9  }
0x35c: {  	[tilespmem:s16+$0xC510] =	vst v4;
	v4 =	vmul.f32 $3.125000000e-02, v8  }
0x35d: {  	[tilespmem:s16+$0xC520] =	vst v3;
	v3 =	vmul.f32 $3.125000000e-02, v7  }
0x35e: {  	[tilespmem:s16+$0xC530] =	vst v4;
	v4 =	vmul.f32 $3.125000000e-02, v6  }
0x35f: {  	[tilespmem:s16+$0xC540] =	vst v3;
	v3 =	vmul.f32 $3.125000000e-02, v5  }
0x360: {  	[tilespmem:s16+$0xC550] =	vst v4  }
0x361: {  	[tilespmem:s16+$0xC560] =	vst v3  }
0x362: {  	s15 =	simm.s32 $0x0;
	s17 =	simm.s32 $0xC100;
	s16 =	rddreg [dreg:$0x10]  }
0x363: {  	[hbm4b:s16+s15] =	stream.linear.scatter [tilespmem:s17], [sflag:$0xB], $0x4000, $0x38;
	[tilespmem:$0x1C100] =	vst v63  }
0x364: {  	_ =	swait.ge [sflag:s31], $0x4000  }
0x365: {  	[sflag:s31] =	ssyncset.done $0x0  }
0x366: {  	[sflag:s31] =	ssyncadd.s32 $0xFFFFC000  }
0x367: {  	v3 =	vld [tilespmem:$0xF0];
	_ =	sdelay $0x4  }
0x368: {  	v4 =	vshll.u32 v3, $0x3  }
0x369: {  	v3 =	vand.u32 $0x7, v3;
	v4 =	vand.u32 $0xFFFFFFC0, v4  }
0x36a: {  	v3 =	vor.u32 v3, v4  }
0x36b: {  	v4 =	vperm.xlane v3, v0;
	_ =	sdelay $0x1  }
0x36c: {  	v4 =	vadd.s32 v1, v4;
	_ =	sdelay $0x4  }
0x36d: {  	[tilespmem:s10], [sflag:$0x2] =	stream.indirect_vreg.gather [hbm4b:s1+s15], $0x80, v4, vm0, $0xb8;
	[tilespmem:$0x1C100] =	vst v63  }
0x36e: {  	s20 =	simm.s32 $0x4900;
	v3 =	vperm.xlane v3, v2  }
0x36f: {  	[tilespmem:s20], [sflag:$0x2] =	stream.indirect_vreg.gather [hbm4b:s6+s15], $0x80, v4, vm0, $0xb8;
	[tilespmem:$0x1C100] =	vst v63  }
0x370: {  	s17 =	simm.s32 $0x5100;
	v3 =	vadd.s32 v1, v3  }
0x371: {  	[tilespmem:s17], [sflag:$0x2] =	stream.indirect_vreg.gather [hbm4b:s8+s15], $0x80, v4, vm0, $0xb8;
	[tilespmem:$0x1C100] =	vst v63  }
0x372: {  	s18 =	simm.s32 $0x5900  }
0x373: {  	[tilespmem:s18], [sflag:$0x2] =	stream.indirect_vreg.gather [hbm4b:s9+s15], $0x80, v4, vm0, $0xb8;
	[tilespmem:$0x1C100] =	vst v63  }
0x374: {  	s19 =	simm.s32 $0x6100  }
0x375: {  	[tilespmem:s19], [sflag:$0x2] =	stream.indirect_vreg.gather [hbm4b:s1+s15], $0x80, v3, vm0, $0xb8;
	[tilespmem:$0x1C100] =	vst v63  }
0x376: {  	s20 =	simm.s32 $0x6900  }
0x377: {  	[tilespmem:s20], [sflag:$0x2] =	stream.indirect_vreg.gather [hbm4b:s6+s15], $0x80, v3, vm0, $0xb8;
	[tilespmem:$0x1C100] =	vst v63  }
0x378: {  	s17 =	simm.s32 $0x7100;
	s19 =	simm.s32 $0x0  }
0x379: {  	[tilespmem:s17], [sflag:$0x2] =	stream.indirect_vreg.gather [hbm4b:s8+s15], $0x80, v3, vm0, $0xb8;
	[tilespmem:$0x1C100] =	vst v63  }
0x37a: {  	s18 =	simm.s32 $0x7900;
	s16 =	sand.u32 $0x2000, s19  }
0x37b: {  	[tilespmem:s18], [sflag:$0x2] =	stream.indirect_vreg.gather [hbm4b:s9+s15], $0x80, v3, vm0, $0xb8;
	[tilespmem:$0x1C100] =	vst v63  }
0x37c: {  	s20 =	sand.u32 $0x1800, s15;
	s18 =	simm.s32 $0x0;
	_ =	swait.ge [sflag:s0], $0x4000  }
0x37d: {  	s16 =	sor.u32 s20, s16;
	s18 =	sand.u32 $0x380, s18;
	[sflag:s0] =	ssyncset.done $0x0  }
0x37e: {  	s17 =	sor.u32 s16, s18;
	[sflag:s0] =	ssyncadd.s32 $0xFFFFC000  }
0x37f: {  	s16 =	sadd.s32 $0x10100, s17;
	v3 =	vld [tilespmem:s17+$0x10100]  }
0x380: {  	v4 =	vld [tilespmem:s16+$0x470]  }
0x381: {  	v5 =	vld [tilespmem:s16+$0x10]  }
0x382: {  	v8 =	vld [tilespmem:s16+$0x20]  }
0x383: {  	v9 =	vld [tilespmem:s16+$0x30]  }
0x384: {  	v10 =	vld [tilespmem:s16+$0x40];
	v3 =	vmul.f32 $3.125000000e-02, v3  }
0x385: {  	v6 =	vld [tilespmem:s16+$0x50];
	v11 =	vmul.f32 $3.125000000e-02, v4  }
0x386: {  	v7 =	vld [tilespmem:s16+$0x60];
	[tilespmem:s17+$0x10100] =	vst v3;
	v3 =	vmul.f32 $3.125000000e-02, v5  }
0x387: {  	v4 =	vld [tilespmem:s16+$0x70];
	v5 =	vmul.f32 $3.125000000e-02, v8;
	[tilespmem:s16+$0x470] =	vst v11  }
0x388: {  	v9 =	vmul.f32 $3.125000000e-02, v9;
	[tilespmem:s16+$0x10] =	vst v3;
	v3 =	vld [tilespmem:s16+$0x400]  }
0x389: {  	s17 =	simm.s32 $0x0;
	v8 =	vmul.f32 $3.125000000e-02, v10;
	[tilespmem:s16+$0x20] =	vst v5;
	v5 =	vld [tilespmem:s16+$0x410]  }
.LBB2_24:
0x38a: {  	s17 =	sadd.s32 $0x10, s17;
	[tilespmem:s16+$0x30] =	vst v9;
	v6 =	vmul.f32 $3.125000000e-02, v6;
	v9 =	vld [tilespmem:s16+$0x420]  }
0x38b: {  	s15 =	sadd.s32 $0x800, s15;
	s18 =	sshll.u32 s17, $0x4;
	p0 =	slt.u32 s17, $0x3F0;
	[tilespmem:s16+$0x40] =	vst v8;
	v7 =	vmul.f32 $3.125000000e-02, v7;
	v8 =	vld [tilespmem:s16+$0x430]  }
0x38c: {  	s19 =	sand.u32 $0x1800, s15;
	s20 =	sshll.u32 s17, $0x1;
	s18 =	sand.u32 $0x2000, s18;
	[tilespmem:s16+$0x50] =	vst v6;
	v4 =	vmul.f32 $3.125000000e-02, v4;
	v6 =	vld [tilespmem:s16+$0x440]  }
0x38d: {  	s20 =	sand.u32 $0x380, s20;
	s18 =	sor.u32 s19, s18;
	[tilespmem:s16+$0x60] =	vst v7;
	v3 =	vmul.f32 $3.125000000e-02, v3;
	v7 =	vld [tilespmem:s16+$0x450]  }
0x38e: {  	s18 =	sor.u32 s18, s20;
	[tilespmem:s16+$0x70] =	vst v4;
	v4 =	vmul.f32 $3.125000000e-02, v5;
	v5 =	vld [tilespmem:s16+$0x460]  }
0x38f: {  	s19 =	sadd.s32 $0x10100, s18;
	v10 =	vld [tilespmem:s18+$0x10100];
	[tilespmem:s16+$0x400] =	vst v3;
	v3 =	vmul.f32 $3.125000000e-02, v9  }
0x390: {  	v9 =	vld [tilespmem:s19+$0x470];
	[tilespmem:s16+$0x410] =	vst v4;
	v4 =	vmul.f32 $3.125000000e-02, v8  }
0x391: {  	v8 =	vld [tilespmem:s19+$0x10];
	[tilespmem:s16+$0x420] =	vst v3;
	v3 =	vmul.f32 $3.125000000e-02, v6  }
0x392: {  	v11 =	vld [tilespmem:s19+$0x20];
	[tilespmem:s16+$0x430] =	vst v4;
	v4 =	vmul.f32 $3.125000000e-02, v7  }
0x393: {  	v12 =	vld [tilespmem:s19+$0x30];
	[tilespmem:s16+$0x440] =	vst v3;
	v3 =	vmul.f32 $3.125000000e-02, v5  }
0x394: {  	v5 =	vmul.f32 $3.125000000e-02, v10;
	v10 =	vld [tilespmem:s19+$0x40];
	[tilespmem:s16+$0x450] =	vst v4  }
.Ltmp11:
0x395: {  	v6 =	vld [tilespmem:s19+$0x50];
	v9 =	vmul.f32 $3.125000000e-02, v9;
	[tilespmem:s16+$0x460] =	vst v3;
	s16 =	smov.u32 s19;
	(pc) =	sbr.rel @p0 .LBB2_24-.Ltmp11, $4  }
0x396: {  	[tilespmem:s18+$0x10100] =	vst v5;
	v3 =	vmul.f32 $3.125000000e-02, v8;
	v7 =	vld [tilespmem:s16+$0x60]  }
0x397: {  	v5 =	vmul.f32 $3.125000000e-02, v11;
	v4 =	vld [tilespmem:s16+$0x70];
	[tilespmem:s16+$0x470] =	vst v9  }
0x398: {  	[tilespmem:s16+$0x10] =	vst v3;
	v9 =	vmul.f32 $3.125000000e-02, v12;
	v3 =	vld [tilespmem:s16+$0x400]  }
0x399: {  	[tilespmem:s16+$0x20] =	vst v5;
	v8 =	vmul.f32 $3.125000000e-02, v10;
	v5 =	vld [tilespmem:s16+$0x410]  }
0x39a: {  	[tilespmem:s16+$0x30] =	vst v9;
	v6 =	vmul.f32 $3.125000000e-02, v6;
	v9 =	vld [tilespmem:s16+$0x420]  }
0x39b: {  	[tilespmem:s16+$0x40] =	vst v8;
	v7 =	vmul.f32 $3.125000000e-02, v7;
	v8 =	vld [tilespmem:s16+$0x430]  }
0x39c: {  	[tilespmem:s16+$0x50] =	vst v6;
	v4 =	vmul.f32 $3.125000000e-02, v4;
	v6 =	vld [tilespmem:s16+$0x440]  }
0x39d: {  	[tilespmem:s16+$0x60] =	vst v7;
	v3 =	vmul.f32 $3.125000000e-02, v3;
	v7 =	vld [tilespmem:s16+$0x450]  }
0x39e: {  	[tilespmem:s16+$0x70] =	vst v4;
	v4 =	vmul.f32 $3.125000000e-02, v5;
	v5 =	vld [tilespmem:s16+$0x460]  }
0x39f: {  	[tilespmem:s16+$0x400] =	vst v3;
	v3 =	vmul.f32 $3.125000000e-02, v9  }
0x3a0: {  	[tilespmem:s16+$0x410] =	vst v4;
	v4 =	vmul.f32 $3.125000000e-02, v8  }
0x3a1: {  	[tilespmem:s16+$0x420] =	vst v3;
	v3 =	vmul.f32 $3.125000000e-02, v6  }
0x3a2: {  	[tilespmem:s16+$0x430] =	vst v4;
	v4 =	vmul.f32 $3.125000000e-02, v7  }
0x3a3: {  	[tilespmem:s16+$0x440] =	vst v3;
	v3 =	vmul.f32 $3.125000000e-02, v5  }
0x3a4: {  	[tilespmem:s16+$0x450] =	vst v4  }
0x3a5: {  	s20 =	simm.s32 $0x0;
	[tilespmem:s16+$0x460] =	vst v3  }
0x3a6: {  	s18 =	simm.s32 $0x0;
	s16 =	simm.s32 $0x0;
	s15 =	rddreg [dreg:$0x11]  }
0x3a7: {  	[hbm4b:s15+s16] =	stream.linear.scatter [tilespmem:s21], [sflag:$0xC], $0x4000, $0x38;
	[tilespmem:$0x1C100] =	vst v63  }
0x3a8: {  	s17 =	sand.u32 $0x1800, s16;
	s15 =	sand.u32 $0x2000, s20;
	_ =	swait.ge [sflag:s26], $0x4000  }
0x3a9: {  	s18 =	sand.u32 $0x380, s18;
	s15 =	sor.u32 s17, s15;
	[sflag:s26] =	ssyncset.done $0x0  }
0x3aa: {  	s17 =	sor.u32 s15, s18;
	[sflag:s26] =	ssyncadd.s32 $0xFFFFC000  }
0x3ab: {  	s15 =	sadd.s32 $0x14100, s17;
	v3 =	vld [tilespmem:s17+$0x14100]  }
0x3ac: {  	v4 =	vld [tilespmem:s15+$0x470]  }
0x3ad: {  	v5 =	vld [tilespmem:s15+$0x10]  }
0x3ae: {  	v8 =	vld [tilespmem:s15+$0x20]  }
0x3af: {  	v9 =	vld [tilespmem:s15+$0x30]  }
0x3b0: {  	v10 =	vld [tilespmem:s15+$0x40];
	v3 =	vmul.f32 $3.125000000e-02, v3  }
0x3b1: {  	v6 =	vld [tilespmem:s15+$0x50];
	v11 =	vmul.f32 $3.125000000e-02, v4  }
0x3b2: {  	v7 =	vld [tilespmem:s15+$0x60];
	[tilespmem:s17+$0x14100] =	vst v3;
	v3 =	vmul.f32 $3.125000000e-02, v5  }
0x3b3: {  	v4 =	vld [tilespmem:s15+$0x70];
	v5 =	vmul.f32 $3.125000000e-02, v8;
	[tilespmem:s15+$0x470] =	vst v11  }
0x3b4: {  	v9 =	vmul.f32 $3.125000000e-02, v9;
	[tilespmem:s15+$0x10] =	vst v3;
	v3 =	vld [tilespmem:s15+$0x400]  }
0x3b5: {  	s17 =	simm.s32 $0x0;
	v8 =	vmul.f32 $3.125000000e-02, v10;
	[tilespmem:s15+$0x20] =	vst v5;
	v5 =	vld [tilespmem:s15+$0x410]  }
.LBB2_26:
0x3b6: {  	s17 =	sadd.s32 $0x10, s17;
	[tilespmem:s15+$0x30] =	vst v9;
	v6 =	vmul.f32 $3.125000000e-02, v6;
	v9 =	vld [tilespmem:s15+$0x420]  }
0x3b7: {  	s16 =	sadd.s32 $0x800, s16;
	s18 =	sshll.u32 s17, $0x4;
	p0 =	slt.u32 s17, $0x3F0;
	[tilespmem:s15+$0x40] =	vst v8;
	v7 =	vmul.f32 $3.125000000e-02, v7;
	v8 =	vld [tilespmem:s15+$0x430]  }
0x3b8: {  	s19 =	sand.u32 $0x1800, s16;
	s20 =	sshll.u32 s17, $0x1;
	s18 =	sand.u32 $0x2000, s18;
	[tilespmem:s15+$0x50] =	vst v6;
	v4 =	vmul.f32 $3.125000000e-02, v4;
	v6 =	vld [tilespmem:s15+$0x440]  }
0x3b9: {  	s20 =	sand.u32 $0x380, s20;
	s18 =	sor.u32 s19, s18;
	[tilespmem:s15+$0x60] =	vst v7;
	v3 =	vmul.f32 $3.125000000e-02, v3;
	v7 =	vld [tilespmem:s15+$0x450]  }
0x3ba: {  	s18 =	sor.u32 s18, s20;
	[tilespmem:s15+$0x70] =	vst v4;
	v4 =	vmul.f32 $3.125000000e-02, v5;
	v5 =	vld [tilespmem:s15+$0x460]  }
0x3bb: {  	s19 =	sadd.s32 $0x14100, s18;
	v10 =	vld [tilespmem:s18+$0x14100];
	[tilespmem:s15+$0x400] =	vst v3;
	v3 =	vmul.f32 $3.125000000e-02, v9  }
0x3bc: {  	v9 =	vld [tilespmem:s19+$0x470];
	[tilespmem:s15+$0x410] =	vst v4;
	v4 =	vmul.f32 $3.125000000e-02, v8  }
0x3bd: {  	v8 =	vld [tilespmem:s19+$0x10];
	[tilespmem:s15+$0x420] =	vst v3;
	v3 =	vmul.f32 $3.125000000e-02, v6  }
0x3be: {  	v11 =	vld [tilespmem:s19+$0x20];
	[tilespmem:s15+$0x430] =	vst v4;
	v4 =	vmul.f32 $3.125000000e-02, v7  }
0x3bf: {  	v12 =	vld [tilespmem:s19+$0x30];
	[tilespmem:s15+$0x440] =	vst v3;
	v3 =	vmul.f32 $3.125000000e-02, v5  }
0x3c0: {  	v5 =	vmul.f32 $3.125000000e-02, v10;
	v10 =	vld [tilespmem:s19+$0x40];
	[tilespmem:s15+$0x450] =	vst v4  }
.Ltmp12:
0x3c1: {  	v6 =	vld [tilespmem:s19+$0x50];
	v9 =	vmul.f32 $3.125000000e-02, v9;
	[tilespmem:s15+$0x460] =	vst v3;
	s15 =	smov.u32 s19;
	(pc) =	sbr.rel @p0 .LBB2_26-.Ltmp12, $4  }
0x3c2: {  	[tilespmem:s18+$0x14100] =	vst v5;
	v3 =	vmul.f32 $3.125000000e-02, v8;
	v7 =	vld [tilespmem:s15+$0x60]  }
0x3c3: {  	v5 =	vmul.f32 $3.125000000e-02, v11;
	v4 =	vld [tilespmem:s15+$0x70];
	[tilespmem:s15+$0x470] =	vst v9  }
0x3c4: {  	[tilespmem:s15+$0x10] =	vst v3;
	v9 =	vmul.f32 $3.125000000e-02, v12;
	v3 =	vld [tilespmem:s15+$0x400]  }
0x3c5: {  	[tilespmem:s15+$0x20] =	vst v5;
	v8 =	vmul.f32 $3.125000000e-02, v10;
	v5 =	vld [tilespmem:s15+$0x410]  }
0x3c6: {  	[tilespmem:s15+$0x30] =	vst v9;
	v6 =	vmul.f32 $3.125000000e-02, v6;
	v9 =	vld [tilespmem:s15+$0x420]  }
0x3c7: {  	[tilespmem:s15+$0x40] =	vst v8;
	v7 =	vmul.f32 $3.125000000e-02, v7;
	v8 =	vld [tilespmem:s15+$0x430]  }
0x3c8: {  	[tilespmem:s15+$0x50] =	vst v6;
	v4 =	vmul.f32 $3.125000000e-02, v4;
	v6 =	vld [tilespmem:s15+$0x440]  }
0x3c9: {  	[tilespmem:s15+$0x60] =	vst v7;
	v3 =	vmul.f32 $3.125000000e-02, v3;
	v7 =	vld [tilespmem:s15+$0x450]  }
0x3ca: {  	[tilespmem:s15+$0x70] =	vst v4;
	v4 =	vmul.f32 $3.125000000e-02, v5;
	v5 =	vld [tilespmem:s15+$0x460]  }
0x3cb: {  	[tilespmem:s15+$0x400] =	vst v3;
	v3 =	vmul.f32 $3.125000000e-02, v9  }
0x3cc: {  	[tilespmem:s15+$0x410] =	vst v4;
	v4 =	vmul.f32 $3.125000000e-02, v8  }
0x3cd: {  	[tilespmem:s15+$0x420] =	vst v3;
	v3 =	vmul.f32 $3.125000000e-02, v6  }
0x3ce: {  	[tilespmem:s15+$0x430] =	vst v4;
	v4 =	vmul.f32 $3.125000000e-02, v7  }
0x3cf: {  	[tilespmem:s15+$0x440] =	vst v3;
	v3 =	vmul.f32 $3.125000000e-02, v5  }
0x3d0: {  	[tilespmem:s15+$0x450] =	vst v4  }
0x3d1: {  	s16 =	simm.s32 $0x0;
	[tilespmem:s15+$0x460] =	vst v3  }
0x3d2: {  	s20 =	simm.s32 $0x0;
	s18 =	simm.s32 $0x0;
	s15 =	rddreg [dreg:$0x12]  }
0x3d3: {  	[hbm4b:s15+s16] =	stream.linear.scatter [tilespmem:s22], [sflag:$0xD], $0x4000, $0x38;
	[tilespmem:$0x1C100] =	vst v63  }
0x3d4: {  	s17 =	sand.u32 $0x1800, s16;
	s15 =	sand.u32 $0x2000, s20;
	_ =	swait.ge [sflag:s5], $0x4000  }
0x3d5: {  	s18 =	sand.u32 $0x380, s18;
	s15 =	sor.u32 s17, s15;
	[sflag:s5] =	ssyncset.done $0x0  }
0x3d6: {  	s17 =	sor.u32 s15, s18;
	[sflag:s5] =	ssyncadd.s32 $0xFFFFC000  }
0x3d7: {  	s15 =	sadd.s32 $0x18100, s17;
	v3 =	vld [tilespmem:s17+$0x18100]  }
0x3d8: {  	v4 =	vld [tilespmem:s15+$0x470]  }
0x3d9: {  	v5 =	vld [tilespmem:s15+$0x10]  }
0x3da: {  	v8 =	vld [tilespmem:s15+$0x20]  }
0x3db: {  	v9 =	vld [tilespmem:s15+$0x30]  }
0x3dc: {  	v10 =	vld [tilespmem:s15+$0x40];
	v3 =	vmul.f32 $3.125000000e-02, v3  }
0x3dd: {  	v6 =	vld [tilespmem:s15+$0x50];
	v11 =	vmul.f32 $3.125000000e-02, v4  }
0x3de: {  	v7 =	vld [tilespmem:s15+$0x60];
	[tilespmem:s17+$0x18100] =	vst v3;
	v3 =	vmul.f32 $3.125000000e-02, v5  }
0x3df: {  	v4 =	vld [tilespmem:s15+$0x70];
	v5 =	vmul.f32 $3.125000000e-02, v8;
	[tilespmem:s15+$0x470] =	vst v11  }
0x3e0: {  	v9 =	vmul.f32 $3.125000000e-02, v9;
	[tilespmem:s15+$0x10] =	vst v3;
	v3 =	vld [tilespmem:s15+$0x400]  }
0x3e1: {  	s17 =	simm.s32 $0x0;
	v8 =	vmul.f32 $3.125000000e-02, v10;
	[tilespmem:s15+$0x20] =	vst v5;
	v5 =	vld [tilespmem:s15+$0x410]  }
.LBB2_28:
0x3e2: {  	s17 =	sadd.s32 $0x10, s17;
	[tilespmem:s15+$0x30] =	vst v9;
	v6 =	vmul.f32 $3.125000000e-02, v6;
	v9 =	vld [tilespmem:s15+$0x420]  }
0x3e3: {  	s16 =	sadd.s32 $0x800, s16;
	s18 =	sshll.u32 s17, $0x4;
	p0 =	slt.u32 s17, $0x3F0;
	[tilespmem:s15+$0x40] =	vst v8;
	v7 =	vmul.f32 $3.125000000e-02, v7;
	v8 =	vld [tilespmem:s15+$0x430]  }
0x3e4: {  	s19 =	sand.u32 $0x1800, s16;
	s20 =	sshll.u32 s17, $0x1;
	s18 =	sand.u32 $0x2000, s18;
	[tilespmem:s15+$0x50] =	vst v6;
	v4 =	vmul.f32 $3.125000000e-02, v4;
	v6 =	vld [tilespmem:s15+$0x440]  }
0x3e5: {  	s20 =	sand.u32 $0x380, s20;
	s18 =	sor.u32 s19, s18;
	[tilespmem:s15+$0x60] =	vst v7;
	v3 =	vmul.f32 $3.125000000e-02, v3;
	v7 =	vld [tilespmem:s15+$0x450]  }
0x3e6: {  	s18 =	sor.u32 s18, s20;
	[tilespmem:s15+$0x70] =	vst v4;
	v4 =	vmul.f32 $3.125000000e-02, v5;
	v5 =	vld [tilespmem:s15+$0x460]  }
0x3e7: {  	s19 =	sadd.s32 $0x18100, s18;
	v10 =	vld [tilespmem:s18+$0x18100];
	[tilespmem:s15+$0x400] =	vst v3;
	v3 =	vmul.f32 $3.125000000e-02, v9  }
0x3e8: {  	v9 =	vld [tilespmem:s19+$0x470];
	[tilespmem:s15+$0x410] =	vst v4;
	v4 =	vmul.f32 $3.125000000e-02, v8  }
0x3e9: {  	v8 =	vld [tilespmem:s19+$0x10];
	[tilespmem:s15+$0x420] =	vst v3;
	v3 =	vmul.f32 $3.125000000e-02, v6  }
0x3ea: {  	v11 =	vld [tilespmem:s19+$0x20];
	[tilespmem:s15+$0x430] =	vst v4;
	v4 =	vmul.f32 $3.125000000e-02, v7  }
0x3eb: {  	v12 =	vld [tilespmem:s19+$0x30];
	[tilespmem:s15+$0x440] =	vst v3;
	v3 =	vmul.f32 $3.125000000e-02, v5  }
0x3ec: {  	v5 =	vmul.f32 $3.125000000e-02, v10;
	v10 =	vld [tilespmem:s19+$0x40];
	[tilespmem:s15+$0x450] =	vst v4  }
.Ltmp13:
0x3ed: {  	v6 =	vld [tilespmem:s19+$0x50];
	v9 =	vmul.f32 $3.125000000e-02, v9;
	[tilespmem:s15+$0x460] =	vst v3;
	s15 =	smov.u32 s19;
	(pc) =	sbr.rel @p0 .LBB2_28-.Ltmp13, $4  }
0x3ee: {  	[tilespmem:s18+$0x18100] =	vst v5;
	v3 =	vmul.f32 $3.125000000e-02, v8;
	v7 =	vld [tilespmem:s15+$0x60]  }
0x3ef: {  	v5 =	vmul.f32 $3.125000000e-02, v11;
	v4 =	vld [tilespmem:s15+$0x70];
	[tilespmem:s15+$0x470] =	vst v9  }
0x3f0: {  	[tilespmem:s15+$0x10] =	vst v3;
	v9 =	vmul.f32 $3.125000000e-02, v12;
	v3 =	vld [tilespmem:s15+$0x400]  }
0x3f1: {  	[tilespmem:s15+$0x20] =	vst v5;
	v8 =	vmul.f32 $3.125000000e-02, v10;
	v5 =	vld [tilespmem:s15+$0x410]  }
0x3f2: {  	[tilespmem:s15+$0x30] =	vst v9;
	v6 =	vmul.f32 $3.125000000e-02, v6;
	v9 =	vld [tilespmem:s15+$0x420]  }
0x3f3: {  	[tilespmem:s15+$0x40] =	vst v8;
	v7 =	vmul.f32 $3.125000000e-02, v7;
	v8 =	vld [tilespmem:s15+$0x430]  }
0x3f4: {  	[tilespmem:s15+$0x50] =	vst v6;
	v4 =	vmul.f32 $3.125000000e-02, v4;
	v6 =	vld [tilespmem:s15+$0x440]  }
0x3f5: {  	[tilespmem:s15+$0x60] =	vst v7;
	v3 =	vmul.f32 $3.125000000e-02, v3;
	v7 =	vld [tilespmem:s15+$0x450]  }
0x3f6: {  	[tilespmem:s15+$0x70] =	vst v4;
	v4 =	vmul.f32 $3.125000000e-02, v5;
	v5 =	vld [tilespmem:s15+$0x460]  }
0x3f7: {  	[tilespmem:s15+$0x400] =	vst v3;
	v3 =	vmul.f32 $3.125000000e-02, v9  }
0x3f8: {  	[tilespmem:s15+$0x410] =	vst v4;
	v4 =	vmul.f32 $3.125000000e-02, v8  }
0x3f9: {  	[tilespmem:s15+$0x420] =	vst v3;
	v3 =	vmul.f32 $3.125000000e-02, v6  }
0x3fa: {  	[tilespmem:s15+$0x430] =	vst v4;
	v4 =	vmul.f32 $3.125000000e-02, v7  }
0x3fb: {  	[tilespmem:s15+$0x440] =	vst v3;
	v3 =	vmul.f32 $3.125000000e-02, v5  }
0x3fc: {  	[tilespmem:s15+$0x450] =	vst v4  }
0x3fd: {  	s16 =	simm.s32 $0x0;
	[tilespmem:s15+$0x460] =	vst v3  }
0x3fe: {  	s20 =	simm.s32 $0x0;
	s18 =	simm.s32 $0x0;
	s15 =	rddreg [dreg:$0x13]  }
0x3ff: {  	[hbm4b:s15+s16] =	stream.linear.scatter [tilespmem:s24], [sflag:$0xE], $0x4000, $0x38;
	[tilespmem:$0x1C100] =	vst v63  }
0x400: {  	s17 =	sand.u32 $0x1800, s16;
	s15 =	sand.u32 $0x2000, s20;
	_ =	swait.ge [sflag:s25], $0x4000  }
0x401: {  	s18 =	sand.u32 $0x380, s18;
	s15 =	sor.u32 s17, s15;
	[sflag:s25] =	ssyncset.done $0x0  }
0x402: {  	s15 =	sor.u32 s15, s18;
	[sflag:s25] =	ssyncadd.s32 $0xFFFFC000  }
0x403: {  	v3 =	vld [tilespmem:s15+$0x570]  }
0x404: {  	v4 =	vld [tilespmem:s15+$0x100]  }
0x405: {  	v5 =	vld [tilespmem:s15+$0x110]  }
0x406: {  	v8 =	vld [tilespmem:s15+$0x120]  }
0x407: {  	v9 =	vld [tilespmem:s15+$0x130]  }
0x408: {  	v10 =	vld [tilespmem:s15+$0x140];
	v3 =	vmul.f32 $3.125000000e-02, v3  }
0x409: {  	v7 =	vld [tilespmem:s15+$0x150];
	v4 =	vmul.f32 $3.125000000e-02, v4  }
0x40a: {  	v6 =	vld [tilespmem:s15+$0x160];
	v11 =	vmul.f32 $3.125000000e-02, v5;
	[tilespmem:s15+$0x570] =	vst v3  }
0x40b: {  	v5 =	vld [tilespmem:s15+$0x170];
	[tilespmem:s15+$0x100] =	vst v4;
	v4 =	vmul.f32 $3.125000000e-02, v8  }
0x40c: {  	v9 =	vmul.f32 $3.125000000e-02, v9;
	[tilespmem:s15+$0x110] =	vst v11;
	v3 =	vld [tilespmem:s15+$0x500]  }
0x40d: {  	s17 =	simm.s32 $0x0;
	v8 =	vmul.f32 $3.125000000e-02, v10;
	[tilespmem:s15+$0x120] =	vst v4;
	v4 =	vld [tilespmem:s15+$0x510]  }
.LBB2_30:
0x40e: {  	s17 =	sadd.s32 $0x10, s17;
	[tilespmem:s15+$0x130] =	vst v9;
	v7 =	vmul.f32 $3.125000000e-02, v7;
	v9 =	vld [tilespmem:s15+$0x520]  }
0x40f: {  	s16 =	sadd.s32 $0x800, s16;
	s18 =	sshll.u32 s17, $0x4;
	p0 =	slt.u32 s17, $0x3F0;
	[tilespmem:s15+$0x140] =	vst v8;
	v6 =	vmul.f32 $3.125000000e-02, v6;
	v8 =	vld [tilespmem:s15+$0x530]  }
0x410: {  	s19 =	sand.u32 $0x1800, s16;
	s20 =	sshll.u32 s17, $0x1;
	s18 =	sand.u32 $0x2000, s18;
	[tilespmem:s15+$0x150] =	vst v7;
	v5 =	vmul.f32 $3.125000000e-02, v5;
	v7 =	vld [tilespmem:s15+$0x540]  }
0x411: {  	s20 =	sand.u32 $0x380, s20;
	s18 =	sor.u32 s19, s18;
	[tilespmem:s15+$0x160] =	vst v6;
	v3 =	vmul.f32 $3.125000000e-02, v3;
	v6 =	vld [tilespmem:s15+$0x550]  }
0x412: {  	s18 =	sor.u32 s18, s20;
	[tilespmem:s15+$0x170] =	vst v5;
	v4 =	vmul.f32 $3.125000000e-02, v4;
	v5 =	vld [tilespmem:s15+$0x560]  }
0x413: {  	v10 =	vld [tilespmem:s18+$0x570];
	[tilespmem:s15+$0x500] =	vst v3;
	v3 =	vmul.f32 $3.125000000e-02, v9  }
0x414: {  	v9 =	vld [tilespmem:s18+$0x100];
	[tilespmem:s15+$0x510] =	vst v4;
	v4 =	vmul.f32 $3.125000000e-02, v8  }
0x415: {  	v8 =	vld [tilespmem:s18+$0x110];
	[tilespmem:s15+$0x520] =	vst v3;
	v3 =	vmul.f32 $3.125000000e-02, v7  }
0x416: {  	v11 =	vld [tilespmem:s18+$0x120];
	[tilespmem:s15+$0x530] =	vst v4;
	v4 =	vmul.f32 $3.125000000e-02, v6  }
0x417: {  	v12 =	vld [tilespmem:s18+$0x130];
	[tilespmem:s15+$0x540] =	vst v3;
	v3 =	vmul.f32 $3.125000000e-02, v5  }
0x418: {  	v13 =	vld [tilespmem:s18+$0x140];
	v5 =	vmul.f32 $3.125000000e-02, v10;
	[tilespmem:s15+$0x550] =	vst v4  }
.Ltmp14:
0x419: {  	v4 =	vmul.f32 $3.125000000e-02, v9;
	v7 =	vld [tilespmem:s18+$0x150];
	[tilespmem:s15+$0x560] =	vst v3;
	s15 =	smov.u32 s18;
	(pc) =	sbr.rel @p0 .LBB2_30-.Ltmp14, $4  }
0x41a: {  	v3 =	vmul.f32 $3.125000000e-02, v8;
	v6 =	vld [tilespmem:s15+$0x160];
	[tilespmem:s15+$0x570] =	vst v5  }
0x41b: {  	[tilespmem:s15+$0x100] =	vst v4;
	v4 =	vmul.f32 $3.125000000e-02, v11;
	v5 =	vld [tilespmem:s15+$0x170]  }
0x41c: {  	[tilespmem:s15+$0x110] =	vst v3;
	v9 =	vmul.f32 $3.125000000e-02, v12;
	v3 =	vld [tilespmem:s15+$0x500]  }
0x41d: {  	[tilespmem:s15+$0x120] =	vst v4;
	v8 =	vmul.f32 $3.125000000e-02, v13;
	v4 =	vld [tilespmem:s15+$0x510]  }
0x41e: {  	[tilespmem:s15+$0x130] =	vst v9;
	v7 =	vmul.f32 $3.125000000e-02, v7;
	v9 =	vld [tilespmem:s15+$0x520]  }
0x41f: {  	[tilespmem:s15+$0x140] =	vst v8;
	v6 =	vmul.f32 $3.125000000e-02, v6;
	v8 =	vld [tilespmem:s15+$0x530]  }
0x420: {  	[tilespmem:s15+$0x150] =	vst v7;
	v5 =	vmul.f32 $3.125000000e-02, v5;
	v7 =	vld [tilespmem:s15+$0x540]  }
0x421: {  	[tilespmem:s15+$0x160] =	vst v6;
	v3 =	vmul.f32 $3.125000000e-02, v3;
	v6 =	vld [tilespmem:s15+$0x550]  }
0x422: {  	[tilespmem:s15+$0x170] =	vst v5;
	v4 =	vmul.f32 $3.125000000e-02, v4;
	v5 =	vld [tilespmem:s15+$0x560]  }
0x423: {  	[tilespmem:s15+$0x500] =	vst v3;
	v3 =	vmul.f32 $3.125000000e-02, v9  }
0x424: {  	[tilespmem:s15+$0x510] =	vst v4;
	v4 =	vmul.f32 $3.125000000e-02, v8  }
0x425: {  	[tilespmem:s15+$0x520] =	vst v3;
	v3 =	vmul.f32 $3.125000000e-02, v7  }
0x426: {  	[tilespmem:s15+$0x530] =	vst v4;
	v4 =	vmul.f32 $3.125000000e-02, v6  }
0x427: {  	[tilespmem:s15+$0x540] =	vst v3;
	v3 =	vmul.f32 $3.125000000e-02, v5  }
0x428: {  	[tilespmem:s15+$0x550] =	vst v4  }
0x429: {  	s16 =	simm.s32 $0x0;
	[tilespmem:s15+$0x560] =	vst v3  }
0x42a: {  	s20 =	simm.s32 $0x0;
	s18 =	simm.s32 $0x0;
	s15 =	rddreg [dreg:$0x14]  }
0x42b: {  	[hbm4b:s15+s16] =	stream.linear.scatter [tilespmem:s29], [sflag:$0x8], $0x4000, $0x38;
	[tilespmem:$0x1C100] =	vst v63  }
0x42c: {  	s17 =	sand.u32 $0x1800, s16;
	s15 =	sand.u32 $0x2000, s20;
	_ =	swait.ge [sflag:s23], $0x4000  }
0x42d: {  	s18 =	sand.u32 $0x380, s18;
	s15 =	sor.u32 s17, s15;
	[sflag:s23] =	ssyncset.done $0x0  }
0x42e: {  	s15 =	sor.u32 s15, s18;
	[sflag:s23] =	ssyncadd.s32 $0xFFFFC000  }
0x42f: {  	v3 =	vld [tilespmem:s15+$0x4570]  }
0x430: {  	v4 =	vld [tilespmem:s15+$0x4100]  }
0x431: {  	v5 =	vld [tilespmem:s15+$0x4110]  }
0x432: {  	v8 =	vld [tilespmem:s15+$0x4120]  }
0x433: {  	v9 =	vld [tilespmem:s15+$0x4130]  }
0x434: {  	v10 =	vld [tilespmem:s15+$0x4140];
	v3 =	vmul.f32 $3.125000000e-02, v3  }
0x435: {  	v7 =	vld [tilespmem:s15+$0x4150];
	v4 =	vmul.f32 $3.125000000e-02, v4  }
0x436: {  	v6 =	vld [tilespmem:s15+$0x4160];
	v11 =	vmul.f32 $3.125000000e-02, v5;
	[tilespmem:s15+$0x4570] =	vst v3  }
0x437: {  	v5 =	vld [tilespmem:s15+$0x4170];
	[tilespmem:s15+$0x4100] =	vst v4;
	v4 =	vmul.f32 $3.125000000e-02, v8  }
0x438: {  	v9 =	vmul.f32 $3.125000000e-02, v9;
	[tilespmem:s15+$0x4110] =	vst v11;
	v3 =	vld [tilespmem:s15+$0x4500]  }
0x439: {  	s17 =	simm.s32 $0x0;
	v8 =	vmul.f32 $3.125000000e-02, v10;
	[tilespmem:s15+$0x4120] =	vst v4;
	v4 =	vld [tilespmem:s15+$0x4510]  }
.LBB2_32:
0x43a: {  	s17 =	sadd.s32 $0x10, s17;
	[tilespmem:s15+$0x4130] =	vst v9;
	v7 =	vmul.f32 $3.125000000e-02, v7;
	v9 =	vld [tilespmem:s15+$0x4520]  }
0x43b: {  	s16 =	sadd.s32 $0x800, s16;
	s18 =	sshll.u32 s17, $0x4;
	p0 =	slt.u32 s17, $0x3F0;
	[tilespmem:s15+$0x4140] =	vst v8;
	v6 =	vmul.f32 $3.125000000e-02, v6;
	v8 =	vld [tilespmem:s15+$0x4530]  }
0x43c: {  	s19 =	sand.u32 $0x1800, s16;
	s20 =	sshll.u32 s17, $0x1;
	s18 =	sand.u32 $0x2000, s18;
	[tilespmem:s15+$0x4150] =	vst v7;
	v5 =	vmul.f32 $3.125000000e-02, v5;
	v7 =	vld [tilespmem:s15+$0x4540]  }
0x43d: {  	s20 =	sand.u32 $0x380, s20;
	s18 =	sor.u32 s19, s18;
	[tilespmem:s15+$0x4160] =	vst v6;
	v3 =	vmul.f32 $3.125000000e-02, v3;
	v6 =	vld [tilespmem:s15+$0x4550]  }
0x43e: {  	s18 =	sor.u32 s18, s20;
	[tilespmem:s15+$0x4170] =	vst v5;
	v4 =	vmul.f32 $3.125000000e-02, v4;
	v5 =	vld [tilespmem:s15+$0x4560]  }
0x43f: {  	v10 =	vld [tilespmem:s18+$0x4570];
	[tilespmem:s15+$0x4500] =	vst v3;
	v3 =	vmul.f32 $3.125000000e-02, v9  }
0x440: {  	v9 =	vld [tilespmem:s18+$0x4100];
	[tilespmem:s15+$0x4510] =	vst v4;
	v4 =	vmul.f32 $3.125000000e-02, v8  }
0x441: {  	v8 =	vld [tilespmem:s18+$0x4110];
	[tilespmem:s15+$0x4520] =	vst v3;
	v3 =	vmul.f32 $3.125000000e-02, v7  }
0x442: {  	v11 =	vld [tilespmem:s18+$0x4120];
	[tilespmem:s15+$0x4530] =	vst v4;
	v4 =	vmul.f32 $3.125000000e-02, v6  }
0x443: {  	v12 =	vld [tilespmem:s18+$0x4130];
	[tilespmem:s15+$0x4540] =	vst v3;
	v3 =	vmul.f32 $3.125000000e-02, v5  }
0x444: {  	v13 =	vld [tilespmem:s18+$0x4140];
	v5 =	vmul.f32 $3.125000000e-02, v10;
	[tilespmem:s15+$0x4550] =	vst v4  }
.Ltmp15:
0x445: {  	v4 =	vmul.f32 $3.125000000e-02, v9;
	v7 =	vld [tilespmem:s18+$0x4150];
	[tilespmem:s15+$0x4560] =	vst v3;
	s15 =	smov.u32 s18;
	(pc) =	sbr.rel @p0 .LBB2_32-.Ltmp15, $4  }
0x446: {  	v3 =	vmul.f32 $3.125000000e-02, v8;
	v6 =	vld [tilespmem:s15+$0x4160];
	[tilespmem:s15+$0x4570] =	vst v5  }
0x447: {  	[tilespmem:s15+$0x4100] =	vst v4;
	v4 =	vmul.f32 $3.125000000e-02, v11;
	v5 =	vld [tilespmem:s15+$0x4170]  }
0x448: {  	[tilespmem:s15+$0x4110] =	vst v3;
	v9 =	vmul.f32 $3.125000000e-02, v12;
	v3 =	vld [tilespmem:s15+$0x4500]  }
0x449: {  	[tilespmem:s15+$0x4120] =	vst v4;
	v8 =	vmul.f32 $3.125000000e-02, v13;
	v4 =	vld [tilespmem:s15+$0x4510]  }
0x44a: {  	[tilespmem:s15+$0x4130] =	vst v9;
	v7 =	vmul.f32 $3.125000000e-02, v7;
	v57 =	vld [tilespmem:s15+$0x4520]  }
0x44b: {  	v58 =	vld [tilespmem:s15+$0x4530];
	[tilespmem:s15+$0x4140] =	vst v8;
	v6 =	vmul.f32 $3.125000000e-02, v6  }
0x44c: {  	v59 =	vld [tilespmem:s15+$0x4540];
	[tilespmem:s15+$0x4150] =	vst v7;
	v5 =	vmul.f32 $3.125000000e-02, v5  }
0x44d: {  	v60 =	vld [tilespmem:s15+$0x4550];
	[tilespmem:s15+$0x4160] =	vst v6;
	v3 =	vmul.f32 $3.125000000e-02, v3  }
0x44e: {  	v61 =	vld [tilespmem:s15+$0x4560];
	[tilespmem:s15+$0x4170] =	vst v5;
	v4 =	vmul.f32 $3.125000000e-02, v4  }
0x44f: {  	[tilespmem:s15+$0x4500] =	vst v3;
	v3 =	vmul.f32 $3.125000000e-02, v57  }
0x450: {  	v62 =	vmul.f32 $3.125000000e-02, v58;
	[tilespmem:s15+$0x4510] =	vst v4  }
0x451: {  	[tilespmem:s15+$0x4520] =	vst v3;
	v3 =	vmul.f32 $3.125000000e-02, v59  }
0x452: {  	v63 =	vmul.f32 $3.125000000e-02, v60;
	[tilespmem:s15+$0x4530] =	vst v62  }
0x453: {  	[tilespmem:s15+$0x4540] =	vst v3;
	v3 =	vmul.f32 $3.125000000e-02, v61  }
0x454: {  	[tilespmem:s15+$0x4550] =	vst v63  }
0x455: {  	[tilespmem:s15+$0x4560] =	vst v3  }
0x456: {  	s15 =	rddreg [dreg:$0x15]  }
0x457: {  	[hbm4b:s15+s3] =	stream.linear.scatter [tilespmem:s10], [sflag:$0x9], $0x4000, $0x38;
	[tilespmem:$0x1C100] =	vst v63  }
0x458: {  	_ =	swait.ge [sflag:s2], $0x4000  }
0x459: {  	[sflag:s2] =	ssyncset.done $0x0  }
0x45a: {  	[sflag:s2] =	ssyncadd.s32 $0xFFFFC000  }
0x45b: {  	_ =	swait.ge [sflag:s4], $0x4000  }
0x45c: {  	[sflag:s4] =	ssyncset.done $0x0  }
0x45d: {  	[sflag:s4] =	ssyncadd.s32 $0xFFFFC000  }
0x45e: {  	_ =	swait.ge [sflag:s11], $0x4000  }
0x45f: {  	[sflag:s11] =	ssyncset.done $0x0  }
0x460: {  	[sflag:s11] =	ssyncadd.s32 $0xFFFFC000  }
0x461: {  	_ =	swait.ge [sflag:s12], $0x4000  }
0x462: {  	[sflag:s12] =	ssyncset.done $0x0  }
0x463: {  	[sflag:s12] =	ssyncadd.s32 $0xFFFFC000  }
0x464: {  	_ =	swait.ge [sflag:s13], $0x4000  }
0x465: {  	[sflag:s13] =	ssyncset.done $0x0  }
0x466: {  	[sflag:s13] =	ssyncadd.s32 $0xFFFFC000  }
0x467: {  	_ =	swait.ge [sflag:s28], $0x4000  }
0x468: {  	[sflag:s28] =	ssyncset.done $0x0  }
0x469: {  	[sflag:s28] =	ssyncadd.s32 $0xFFFFC000  }
0x46a: {  	_ =	swait.ge [sflag:s31], $0x4000  }
0x46b: {  	s14 =	sadd.s32 $0x1, s14;
	s20 =	rddreg [dreg:$0x16]  }
0x46c: {  	p0 =	sne.s32 s14, s20  }
.Ltmp16:
0x46d: {  	_ = 	snop;
	(pc) =	sbr.rel @p0 .LBB2_1-.Ltmp16, $3  }
0x46e: {  	_ =	sdelay $0x1  }
0x46f: {  	[sflag:s31] =	ssyncset.done $0x0  }
0x470: {  	[sflag:s31] =	ssyncadd.s32 $0xFFFFC000  }
0x471: {  	_ =	sfence.sel $0x180000  }
0x472: {  	[bflag:$0x0] =	sbarrier.arrive $0xFFFF  }
0x473: {  	_ =	strace $0x90000047  }
0x474: {  	s0 =	stileid.u32;
	[bflag:$0x2] =	sbarrier.arrive $0xFFFF  }
0x475: {  	p0 =	sne.s32 s0, $0x0;
	s0 =	rddreg [dreg:$0x3]  }
0x476: {  	s0 =	sadd.s32 @!p0 $0x100000, s0  }
0x477: {  	[sflag:s0] =	ssyncadd.tile.s32 @!p0 $0x1;
	_ =	shalt  }
.Lfunc_end2:
_tile_overlayer_lowered:
.L_overlay_start_2:
0x478: {  	(tag) =	ssettag $0x2  }
0x479: {  	s0 =	rddreg [dreg:$0x0];
	s2 =	stileid.u32  }
0x47a: {  	s1 =	rddreg [dreg:$0x1];
	p0 =	sne.s32 s2, $0x0  }
0x47b: {  	s3 =	rddreg [dreg:$0x2];
	[bflag:$0x3] =	sbarrier.arrive $0xFFFF;
	s2 =	simm.s32 @!p0 $0x1C11  }
0x47c: {  	[timem:s3], [sflag:s2] =	dma.local @!p0 [hbm:s0], s1  }
0x47d: {  	s0 =	simm.s32 @!p0 $0x11  }
0x47e: {  	_ =	swait.ge @!p0 [sflag:s0], s1  }
0x47f: {  	s1 =	ssub.s32 @!p0 $0x0, s1;
	[sflag:s0] =	ssyncset.done @!p0 $0x0  }
0x480: {  	[sflag:s0] =	ssyncadd.s32 @!p0 s1  }
0x481: {  	[bflag:$0x3] =	sbarrier.arrive $0xFFFF  }
0x482: {  	_ =	shalt  }

</sc_bundles>
